<compile_context>
chip_gen: v7x
topology: tpu7x:2x2x1
jax: 0.10.2.dev20260603
libtpu: 0.0.44.dev20260713+nightly
codegen_flags: <defaults>
</compile_context>

<pallas_src>
import functools

import jax
import jax.numpy as jnp
from jax import lax
from jax.experimental import pallas as pl
from jax.experimental.pallas import tpu as pltpu
from jax.experimental.pallas import tpu_sc as plsc

CUTOFF = 10.0
CUTOFF_SHORT_RANGE = 2.0
KEHALF = 7.199822675975274
OFFSET2 = 1.0

NC = 2
NS = 16
L = 16
NW = NC * NS


def _rsqrt(s):
    yi = jnp.int32(0x5F3759DF) - (plsc.bitcast(s, jnp.int32) >> 1)
    y = plsc.bitcast(yi, jnp.float32)
    for _ in range(3):
        y = y * (1.5 - 0.5 * s * y * y)
    return y


def _edge_energy(d, vx, vy, vz, qu, qv, dux, duy, duz, dvx, dvy, dvz):
    x = d * (1.0 / CUTOFF_SHORT_RANGE)
    x2 = x * x
    x3 = x2 * x
    x4 = x3 * x
    x5 = x4 * x
    fx = 1.0 - 10.0 * x3 + 15.0 * x4 - 6.0 * x5
    sw = jnp.where(x < 1.0, fx, jnp.zeros_like(fx))
    inv_d = _rsqrt(d * d)
    inv_damped = _rsqrt(d * d + OFFSET2)
    chi = sw * inv_damped + (1.0 - sw) * inv_d
    chi2 = chi * chi
    chi3 = chi2 * chi
    cvx = vx * inv_d
    cvy = vy * inv_d
    cvz = vz * inv_d
    dot_uv = cvx * dvx + cvy * dvy + cvz * dvz
    dot_vu = cvx * dux + cvy * duy + cvz * duz
    dd = dux * dvx + duy * dvy + duz * dvz
    e = qu * qv * chi
    e = e + 2.0 * qu * dot_uv * chi2
    e = e + (dd - 3.0 * dot_uv * dot_vu) * chi3
    e = KEHALF * e
    return jnp.where(d <= CUTOFF, e, jnp.zeros_like(e))


def _make_sc_kernel(E, N, C):
    per_w = E // NW
    n_chunks = per_w // C
    n_pairs = n_chunks // 2
    n_vecs = C // L

    mesh = plsc.VectorSubcoreMesh(core_axis_name="c", subcore_axis_name="s")

    buf_types = [
        pltpu.VMEM((C,), jnp.int32),
        pltpu.VMEM((C,), jnp.int32),
        pltpu.VMEM((C, 4), jnp.float32),
        pltpu.VMEM((C, 4), jnp.float32),
        pltpu.VMEM((C,), jnp.float32),
        pltpu.VMEM((C,), jnp.float32),
        pltpu.VMEM((C,), jnp.float32),
        pltpu.VMEM((C,), jnp.float32),
        pltpu.VMEM((C,), jnp.float32),
        pltpu.SemaphoreType.DMA,
        pltpu.SemaphoreType.DMA,
        pltpu.SemaphoreType.DMA,
    ]

    @functools.partial(
        pl.kernel,
        out_type=jax.ShapeDtypeStruct((E,), jnp.float32),
        mesh=mesh,
        scratch_types=buf_types + buf_types,
        compiler_params=pltpu.CompilerParams(
            needs_layout_passes=False, use_tc_tiling_on_sc=False),
    )
    def sc_kernel(dist_hbm, vx_hbm, vy_hbm, vz_hbm, table_hbm,
                  idxu_hbm, idxv_hbm, out_hbm, *scratch):
        wid = lax.axis_index("s") * NC + lax.axis_index("c")
        cw = wid * n_chunks
        nb = len(buf_types)
        bufs = [scratch[:nb], scratch[nb:]]

        def issue_chunk(j, buf):
            (idxu_v, idxv_v, rows_u, rows_v, dist_v, vx_v, vy_v, vz_v,
             out_v, sem_g, sem_l, sem_o) = buf
            cbase = (cw + j) * C
            pltpu.sync_copy(idxu_hbm.at[pl.ds(cbase, C)], idxu_v)
            pltpu.sync_copy(idxv_hbm.at[pl.ds(cbase, C)], idxv_v)
            pltpu.async_copy(table_hbm.at[idxu_v], rows_u, sem_g)
            pltpu.async_copy(table_hbm.at[idxv_v], rows_v, sem_g)

        def wait_chunk(j, buf):
            (idxu_v, idxv_v, rows_u, rows_v, dist_v, vx_v, vy_v, vz_v,
             out_v, sem_g, sem_l, sem_o) = buf
            cbase = (cw + j) * C
            pltpu.sync_copy(dist_hbm.at[pl.ds(cbase, C)], dist_v)
            pltpu.sync_copy(vx_hbm.at[pl.ds(cbase, C)], vx_v)
            pltpu.sync_copy(vy_hbm.at[pl.ds(cbase, C)], vy_v)
            pltpu.sync_copy(vz_hbm.at[pl.ds(cbase, C)], vz_v)
            pltpu.make_async_copy(table_hbm.at[idxu_v], rows_u, sem_g).wait()
            pltpu.make_async_copy(table_hbm.at[idxv_v], rows_v, sem_g).wait()

        def wait_out(j, buf):
            out_v, sem_o = buf[8], buf[11]
            cbase = (cw + j) * C
            pltpu.make_async_copy(
                out_v, out_hbm.at[pl.ds(cbase, C)], sem_o).wait()

        def compute_chunk(j, buf):
            (idxu_v, idxv_v, rows_u, rows_v, dist_v, vx_v, vy_v, vz_v,
             out_v, sem_g, sem_l, sem_o) = buf
            cbase = (cw + j) * C

            def vec_body(i, carry2):
                o = i * L
                ridx = jnp.arange(L, dtype=jnp.int32) + o
                c0 = jnp.zeros((L,), jnp.int32)
                c1 = c0 + 1
                c2 = c0 + 2
                c3 = c0 + 3
                d = dist_v[pl.ds(o, L)]
                vx = vx_v[pl.ds(o, L)]
                vy = vy_v[pl.ds(o, L)]
                vz = vz_v[pl.ds(o, L)]
                qu = plsc.load_gather(rows_u, [ridx, c0])
                dux = plsc.load_gather(rows_u, [ridx, c1])
                duy = plsc.load_gather(rows_u, [ridx, c2])
                duz = plsc.load_gather(rows_u, [ridx, c3])
                qv = plsc.load_gather(rows_v, [ridx, c0])
                dvx = plsc.load_gather(rows_v, [ridx, c1])
                dvy = plsc.load_gather(rows_v, [ridx, c2])
                dvz = plsc.load_gather(rows_v, [ridx, c3])
                e = _edge_energy(d, vx, vy, vz, qu, qv,
                                 dux, duy, duz, dvx, dvy, dvz)
                out_v[pl.ds(o, L)] = e
                return carry2

            lax.fori_loop(0, n_vecs, vec_body, 0)
            pltpu.async_copy(out_v, out_hbm.at[pl.ds(cbase, C)], sem_o)

        issue_chunk(0, bufs[0])

        wait_chunk(0, bufs[0])
        issue_chunk(1, bufs[1])
        compute_chunk(0, bufs[0])
        wait_chunk(1, bufs[1])
        issue_chunk(2, bufs[0])
        compute_chunk(1, bufs[1])

        def pair_body(g, carry):
            j0 = 2 * g
            wait_chunk(j0, bufs[0])
            wait_out(j0 - 2, bufs[0])
            issue_chunk(j0 + 1, bufs[1])
            compute_chunk(j0, bufs[0])
            wait_chunk(j0 + 1, bufs[1])
            wait_out(j0 - 1, bufs[1])
            issue_chunk(j0 + 2, bufs[0])
            compute_chunk(j0 + 1, bufs[1])
            return carry

        lax.fori_loop(1, n_pairs - 1, pair_body, 0)

        j0 = n_chunks - 2
        wait_chunk(j0, bufs[0])
        wait_out(j0 - 2, bufs[0])
        issue_chunk(j0 + 1, bufs[1])
        compute_chunk(j0, bufs[0])
        wait_chunk(j0 + 1, bufs[1])
        wait_out(j0 - 1, bufs[1])
        compute_chunk(j0 + 1, bufs[1])
        wait_out(j0, bufs[0])
        wait_out(j0 + 1, bufs[1])

    return sc_kernel


def kernel(distances_uv, vectors_uv, atomic_charges, atomic_dipoles, idx_u, idx_v):
    E = distances_uv.shape[0]
    N = atomic_charges.shape[0]
    C = 2000
    table = jnp.concatenate([atomic_charges[:, None], atomic_dipoles], axis=1)
    vx = vectors_uv[:, 0]
    vy = vectors_uv[:, 1]
    vz = vectors_uv[:, 2]
    sc = _make_sc_kernel(E, N, C)
    return sc(distances_uv, vx, vy, vz, table,
              idx_u.astype(jnp.int32), idx_v.astype(jnp.int32))

# --- scband reference (transcript-rebuilt; emitter-appended) ---
"""Pipeline reference for scband-damped-electrostatics-48498770706885 (READ-ONLY COPY).

The authoritative reference and input builder live on the scoring server;
editing this copy changes nothing except your own understanding.
"""

import jax, jax.numpy as jnp
import numpy as np

CUTOFF = 10.0
CUTOFF_SHORT_RANGE = 2.0
KEHALF = 7.199822675975274
OFFSET2 = 1.0


def switch_fn(d):
    # Smooth polynomial switch: 1 at d=0, 0 at d >= cutoff_short_range
    x = d / CUTOFF_SHORT_RANGE
    fx = 1.0 - 10.0 * x**3 + 15.0 * x**4 - 6.0 * x**5
    return jnp.where(x < 1.0, fx, jnp.zeros_like(fx))


def setup_inputs(seed: int = 0) -> dict:
    key = jax.random.key(seed)
    ks = jax.random.split(key, 6)
    N = 100000
    E = 6400000
    # realistic pair distances in (0.5, 12.0) angstrom so some edges exceed cutoff
    distances_uv = jax.random.uniform(ks[0], (E,), dtype=jnp.float32) * 11.5 + 0.5
    vectors_uv = jax.random.normal(ks[1], (E, 3), dtype=jnp.float32)
    atomic_charges = jax.random.normal(ks[2], (N,), dtype=jnp.float32)
    atomic_dipoles = jax.random.normal(ks[3], (N, 3), dtype=jnp.float32) * 0.1
    idx_u = jax.random.randint(ks[4], (E,), 0, N)
    idx_v = jax.random.randint(ks[5], (E,), 0, N)
    return {
        'distances_uv': distances_uv,
        'vectors_uv': vectors_uv,
        'atomic_charges': atomic_charges,
        'atomic_dipoles': atomic_dipoles,
        'idx_u': idx_u,
        'idx_v': idx_v,
    }


def reference(distances_uv, vectors_uv, atomic_charges, atomic_dipoles, idx_u, idx_v):
    distances_damped = jnp.sqrt(distances_uv ** 2 + OFFSET2)
    switch_damped = switch_fn(distances_uv)
    switch_ordinary = 1.0 - switch_damped
    chi = switch_damped / distances_damped + switch_ordinary / distances_uv
    # SparseCore-friendly gathers of per-node quantities onto edges
    atomic_charges_u = jnp.take(atomic_charges, idx_u, axis=0)
    atomic_charges_v = jnp.take(atomic_charges, idx_v, axis=0)
    Eelec = atomic_charges_u * atomic_charges_v * chi
    # atomic dipole contribution (atomic_dipoles=True)
    chi2 = chi ** 2
    chi3 = chi2 * chi
    chi_vectors = vectors_uv / distances_uv[:, None]
    atomic_dipoles_u = jnp.take(atomic_dipoles, idx_u, axis=0)
    atomic_dipoles_v = jnp.take(atomic_dipoles, idx_v, axis=0)
    dot_uv = jnp.sum(chi_vectors * atomic_dipoles_v, axis=1)
    dot_vu = jnp.sum(chi_vectors * atomic_dipoles_u, axis=1)
    Eelec = Eelec + 2.0 * atomic_charges_u * dot_uv * chi2
    Eelec = Eelec + (jnp.sum(atomic_dipoles_u * atomic_dipoles_v, axis=1) - 3.0 * dot_uv * dot_vu) * chi3
    Eelec = KEHALF * Eelec
    Eelec = jnp.where(distances_uv <= CUTOFF, Eelec, jnp.zeros_like(Eelec))
    return Eelec

if __name__ == "__main__":
    import jax
    _d = setup_inputs()
    print(jax.jit(kernel)(*tuple(_d.values())))

</pallas_src>

<mosaic_0001>
#map = affine_map<(d0, d1) -> (0)>
#map1 = affine_map<(d0, d1) -> (0, 0)>
module attributes {stable_mosaic.version = 14 : i64} {
  func.func @sc_kernel(%arg0: i32, %arg1: i32, %arg2: memref<6400000xf32, #tpu.memory_space<hbm>>, %arg3: memref<6400000xf32, #tpu.memory_space<hbm>>, %arg4: memref<6400000xf32, #tpu.memory_space<hbm>>, %arg5: memref<6400000xf32, #tpu.memory_space<hbm>>, %arg6: memref<100000x4xf32, #tpu.memory_space<hbm>>, %arg7: memref<6400000xi32, #tpu.memory_space<hbm>>, %arg8: memref<6400000xi32, #tpu.memory_space<hbm>>, %arg9: memref<6400000xf32, #tpu.memory_space<hbm>>, %arg10: memref<2000xi32, #tpu.memory_space<vmem>>, %arg11: memref<2000xi32, #tpu.memory_space<vmem>>, %arg12: memref<2000x4xf32, #tpu.memory_space<vmem>>, %arg13: memref<2000x4xf32, #tpu.memory_space<vmem>>, %arg14: memref<2000xf32, #tpu.memory_space<vmem>>, %arg15: memref<2000xf32, #tpu.memory_space<vmem>>, %arg16: memref<2000xf32, #tpu.memory_space<vmem>>, %arg17: memref<2000xf32, #tpu.memory_space<vmem>>, %arg18: memref<2000xf32, #tpu.memory_space<vmem>>, %arg19: memref<!tpu.dma_semaphore, #tpu.memory_space<semaphore_mem>>, %arg20: memref<!tpu.dma_semaphore, #tpu.memory_space<semaphore_mem>>, %arg21: memref<!tpu.dma_semaphore, #tpu.memory_space<semaphore_mem>>, %arg22: memref<2000xi32, #tpu.memory_space<vmem>>, %arg23: memref<2000xi32, #tpu.memory_space<vmem>>, %arg24: memref<2000x4xf32, #tpu.memory_space<vmem>>, %arg25: memref<2000x4xf32, #tpu.memory_space<vmem>>, %arg26: memref<2000xf32, #tpu.memory_space<vmem>>, %arg27: memref<2000xf32, #tpu.memory_space<vmem>>, %arg28: memref<2000xf32, #tpu.memory_space<vmem>>, %arg29: memref<2000xf32, #tpu.memory_space<vmem>>, %arg30: memref<2000xf32, #tpu.memory_space<vmem>>, %arg31: memref<!tpu.dma_semaphore, #tpu.memory_space<semaphore_mem>>, %arg32: memref<!tpu.dma_semaphore, #tpu.memory_space<semaphore_mem>>, %arg33: memref<!tpu.dma_semaphore, #tpu.memory_space<semaphore_mem>>) attributes {dimension_semantics = [#tpu.dimension_semantics<core_parallel>, #tpu.dimension_semantics<subcore_parallel>], iteration_bounds = array<i64: 2, 16>, scalar_prefetch = 0 : i64, scratch_operands = 24 : i64, tpu.core_type = #tpu.core_type<sc_vector_subcore>, window_params = [{transform_indices = #map}, {transform_indices = #map}, {transform_indices = #map}, {transform_indices = #map}, {transform_indices = #map1}, {transform_indices = #map}, {transform_indices = #map}, {transform_indices = #map}]} {
    %mul3A = arith.constant 2 : i32
    %mul3A_0 = arith.muli %arg1, %mul3A : i32
    %add3A = arith.addi %mul3A_0, %arg0 : i32
    %mul3A_1 = arith.constant 100 : i32
    %mul3A_2 = arith.muli %add3A, %mul3A_1 : i32
    %add3A_3 = arith.constant 0 : i32
    %add3A_4 = arith.addi %mul3A_2, %add3A_3 : i32
    %mul3A_5 = arith.constant 2000 : i32
    %mul3A_6 = arith.muli %add3A_4, %mul3A_5 : i32
    "tpu.region"() ({
      %run_scoped3A = tpu.sem_alloc : memref<!tpu.dma_semaphore, #tpu.memory_space<semaphore_mem>>
      %dma_start3A_158 = tpu.memref_slice %arg7[%mul3A_6] : memref<6400000xi32, #tpu.memory_space<hbm>> -> memref<2000xi32, #tpu.memory_space<hbm>>
      %dma_start3A_159 = tpu.memref_slice %arg7[%mul3A_6] : memref<6400000xi32, #tpu.memory_space<hbm>> -> memref<2000xi32, #tpu.memory_space<hbm>>
      tpu.enqueue_dma source(%dma_start3A_159 : memref<2000xi32, #tpu.memory_space<hbm>>) target(%arg10 : memref<2000xi32, #tpu.memory_space<vmem>>) target_semaphore(%run_scoped3A : memref<!tpu.dma_semaphore, #tpu.memory_space<semaphore_mem>>)
      %dma_wait3A_160 = tpu.memref_slice %arg7[%mul3A_6] : memref<6400000xi32, #tpu.memory_space<hbm>> -> memref<2000xi32, #tpu.memory_space<hbm>>
      %dma_wait3A_161 = tpu.memref_slice %arg7[%mul3A_6] : memref<6400000xi32, #tpu.memory_space<hbm>> -> memref<2000xi32, #tpu.memory_space<hbm>>
      tpu.wait_dma2 semaphore(%run_scoped3A : memref<!tpu.dma_semaphore, #tpu.memory_space<semaphore_mem>>) src(%dma_wait3A_161 : memref<2000xi32, #tpu.memory_space<hbm>>) dst(%arg10 : memref<2000xi32, #tpu.memory_space<vmem>>)
      tpu.yield
    }) : () -> ()
    "tpu.region"() ({
      %run_scoped3A = tpu.sem_alloc : memref<!tpu.dma_semaphore, #tpu.memory_space<semaphore_mem>>
      %dma_start3A_158 = tpu.memref_slice %arg8[%mul3A_6] : memref<6400000xi32, #tpu.memory_space<hbm>> -> memref<2000xi32, #tpu.memory_space<hbm>>
      %dma_start3A_159 = tpu.memref_slice %arg8[%mul3A_6] : memref<6400000xi32, #tpu.memory_space<hbm>> -> memref<2000xi32, #tpu.memory_space<hbm>>
      tpu.enqueue_dma source(%dma_start3A_159 : memref<2000xi32, #tpu.memory_space<hbm>>) target(%arg11 : memref<2000xi32, #tpu.memory_space<vmem>>) target_semaphore(%run_scoped3A : memref<!tpu.dma_semaphore, #tpu.memory_space<semaphore_mem>>)
      %dma_wait3A_160 = tpu.memref_slice %arg8[%mul3A_6] : memref<6400000xi32, #tpu.memory_space<hbm>> -> memref<2000xi32, #tpu.memory_space<hbm>>
      %dma_wait3A_161 = tpu.memref_slice %arg8[%mul3A_6] : memref<6400000xi32, #tpu.memory_space<hbm>> -> memref<2000xi32, #tpu.memory_space<hbm>>
      tpu.wait_dma2 semaphore(%run_scoped3A : memref<!tpu.dma_semaphore, #tpu.memory_space<semaphore_mem>>) src(%dma_wait3A_161 : memref<2000xi32, #tpu.memory_space<hbm>>) dst(%arg11 : memref<2000xi32, #tpu.memory_space<vmem>>)
      tpu.yield
    }) : () -> ()
    %dma_start3A = arith.constant 0 : i32
    %dma_start3A_7 = arith.constant 0 : i32
    %dma_start3A_8 = tpu.memref_slice %arg6[%dma_start3A, %dma_start3A_7] : memref<100000x4xf32, #tpu.memory_space<hbm>> -> memref<100000x4xf32, #tpu.memory_space<hbm>>
    tpu.enqueue_indirect_dma source(%dma_start3A_8 : memref<100000x4xf32, #tpu.memory_space<hbm>>) target(%arg12 : memref<2000x4xf32, #tpu.memory_space<vmem>>) offsets(%arg10 : memref<2000xi32, #tpu.memory_space<vmem>>) semaphore(%arg19 : memref<!tpu.dma_semaphore, #tpu.memory_space<semaphore_mem>>)
    %dma_start3A_9 = arith.constant 0 : i32
    %dma_start3A_10 = arith.constant 0 : i32
    %dma_start3A_11 = tpu.memref_slice %arg6[%dma_start3A_9, %dma_start3A_10] : memref<100000x4xf32, #tpu.memory_space<hbm>> -> memref<100000x4xf32, #tpu.memory_space<hbm>>
    tpu.enqueue_indirect_dma source(%dma_start3A_11 : memref<100000x4xf32, #tpu.memory_space<hbm>>) target(%arg13 : memref<2000x4xf32, #tpu.memory_space<vmem>>) offsets(%arg11 : memref<2000xi32, #tpu.memory_space<vmem>>) semaphore(%arg19 : memref<!tpu.dma_semaphore, #tpu.memory_space<semaphore_mem>>)
    %add3A_12 = arith.constant 0 : i32
    %add3A_13 = arith.addi %mul3A_2, %add3A_12 : i32
    %mul3A_14 = arith.constant 2000 : i32
    %mul3A_15 = arith.muli %add3A_13, %mul3A_14 : i32
    "tpu.region"() ({
      %run_scoped3A = tpu.sem_alloc : memref<!tpu.dma_semaphore, #tpu.memory_space<semaphore_mem>>
      %dma_start3A_158 = tpu.memref_slice %arg2[%mul3A_15] : memref<6400000xf32, #tpu.memory_space<hbm>> -> memref<2000xf32, #tpu.memory_space<hbm>>
      %dma_start3A_159 = tpu.memref_slice %arg2[%mul3A_15] : memref<6400000xf32, #tpu.memory_space<hbm>> -> memref<2000xf32, #tpu.memory_space<hbm>>
      tpu.enqueue_dma source(%dma_start3A_159 : memref<2000xf32, #tpu.memory_space<hbm>>) target(%arg14 : memref<2000xf32, #tpu.memory_space<vmem>>) target_semaphore(%run_scoped3A : memref<!tpu.dma_semaphore, #tpu.memory_space<semaphore_mem>>)
      %dma_wait3A_160 = tpu.memref_slice %arg2[%mul3A_15] : memref<6400000xf32, #tpu.memory_space<hbm>> -> memref<2000xf32, #tpu.memory_space<hbm>>
      %dma_wait3A_161 = tpu.memref_slice %arg2[%mul3A_15] : memref<6400000xf32, #tpu.memory_space<hbm>> -> memref<2000xf32, #tpu.memory_space<hbm>>
      tpu.wait_dma2 semaphore(%run_scoped3A : memref<!tpu.dma_semaphore, #tpu.memory_space<semaphore_mem>>) src(%dma_wait3A_161 : memref<2000xf32, #tpu.memory_space<hbm>>) dst(%arg14 : memref<2000xf32, #tpu.memory_space<vmem>>)
      tpu.yield
    }) : () -> ()
    "tpu.region"() ({
      %run_scoped3A = tpu.sem_alloc : memref<!tpu.dma_semaphore, #tpu.memory_space<semaphore_mem>>
      %dma_start3A_158 = tpu.memref_slice %arg3[%mul3A_15] : memref<6400000xf32, #tpu.memory_space<hbm>> -> memref<2000xf32, #tpu.memory_space<hbm>>
      %dma_start3A_159 = tpu.memref_slice %arg3[%mul3A_15] : memref<6400000xf32, #tpu.memory_space<hbm>> -> memref<2000xf32, #tpu.memory_space<hbm>>
      tpu.enqueue_dma source(%dma_start3A_159 : memref<2000xf32, #tpu.memory_space<hbm>>) target(%arg15 : memref<2000xf32, #tpu.memory_space<vmem>>) target_semaphore(%run_scoped3A : memref<!tpu.dma_semaphore, #tpu.memory_space<semaphore_mem>>)
      %dma_wait3A_160 = tpu.memref_slice %arg3[%mul3A_15] : memref<6400000xf32, #tpu.memory_space<hbm>> -> memref<2000xf32, #tpu.memory_space<hbm>>
      %dma_wait3A_161 = tpu.memref_slice %arg3[%mul3A_15] : memref<6400000xf32, #tpu.memory_space<hbm>> -> memref<2000xf32, #tpu.memory_space<hbm>>
      tpu.wait_dma2 semaphore(%run_scoped3A : memref<!tpu.dma_semaphore, #tpu.memory_space<semaphore_mem>>) src(%dma_wait3A_161 : memref<2000xf32, #tpu.memory_space<hbm>>) dst(%arg15 : memref<2000xf32, #tpu.memory_space<vmem>>)
      tpu.yield
    }) : () -> ()
    "tpu.region"() ({
      %run_scoped3A = tpu.sem_alloc : memref<!tpu.dma_semaphore, #tpu.memory_space<semaphore_mem>>
      %dma_start3A_158 = tpu.memref_slice %arg4[%mul3A_15] : memref<6400000xf32, #tpu.memory_space<hbm>> -> memref<2000xf32, #tpu.memory_space<hbm>>
      %dma_start3A_159 = tpu.memref_slice %arg4[%mul3A_15] : memref<6400000xf32, #tpu.memory_space<hbm>> -> memref<2000xf32, #tpu.memory_space<hbm>>
      tpu.enqueue_dma source(%dma_start3A_159 : memref<2000xf32, #tpu.memory_space<hbm>>) target(%arg16 : memref<2000xf32, #tpu.memory_space<vmem>>) target_semaphore(%run_scoped3A : memref<!tpu.dma_semaphore, #tpu.memory_space<semaphore_mem>>)
      %dma_wait3A_160 = tpu.memref_slice %arg4[%mul3A_15] : memref<6400000xf32, #tpu.memory_space<hbm>> -> memref<2000xf32, #tpu.memory_space<hbm>>
      %dma_wait3A_161 = tpu.memref_slice %arg4[%mul3A_15] : memref<6400000xf32, #tpu.memory_space<hbm>> -> memref<2000xf32, #tpu.memory_space<hbm>>
      tpu.wait_dma2 semaphore(%run_scoped3A : memref<!tpu.dma_semaphore, #tpu.memory_space<semaphore_mem>>) src(%dma_wait3A_161 : memref<2000xf32, #tpu.memory_space<hbm>>) dst(%arg16 : memref<2000xf32, #tpu.memory_space<vmem>>)
      tpu.yield
    }) : () -> ()
    "tpu.region"() ({
      %run_scoped3A = tpu.sem_alloc : memref<!tpu.dma_semaphore, #tpu.memory_space<semaphore_mem>>
      %dma_start3A_158 = tpu.memref_slice %arg5[%mul3A_15] : memref<6400000xf32, #tpu.memory_space<hbm>> -> memref<2000xf32, #tpu.memory_space<hbm>>
      %dma_start3A_159 = tpu.memref_slice %arg5[%mul3A_15] : memref<6400000xf32, #tpu.memory_space<hbm>> -> memref<2000xf32, #tpu.memory_space<hbm>>
      tpu.enqueue_dma source(%dma_start3A_159 : memref<2000xf32, #tpu.memory_space<hbm>>) target(%arg17 : memref<2000xf32, #tpu.memory_space<vmem>>) target_semaphore(%run_scoped3A : memref<!tpu.dma_semaphore, #tpu.memory_space<semaphore_mem>>)
      %dma_wait3A_160 = tpu.memref_slice %arg5[%mul3A_15] : memref<6400000xf32, #tpu.memory_space<hbm>> -> memref<2000xf32, #tpu.memory_space<hbm>>
      %dma_wait3A_161 = tpu.memref_slice %arg5[%mul3A_15] : memref<6400000xf32, #tpu.memory_space<hbm>> -> memref<2000xf32, #tpu.memory_space<hbm>>
      tpu.wait_dma2 semaphore(%run_scoped3A : memref<!tpu.dma_semaphore, #tpu.memory_space<semaphore_mem>>) src(%dma_wait3A_161 : memref<2000xf32, #tpu.memory_space<hbm>>) dst(%arg17 : memref<2000xf32, #tpu.memory_space<vmem>>)
      tpu.yield
    }) : () -> ()
    %dma_wait3A = arith.constant 0 : i32
    %dma_wait3A_16 = arith.constant 0 : i32
    %dma_wait3A_17 = tpu.memref_slice %arg6[%dma_wait3A, %dma_wait3A_16] : memref<100000x4xf32, #tpu.memory_space<hbm>> -> memref<100000x4xf32, #tpu.memory_space<hbm>>
    tpu.wait_indirect_dma semaphore(%arg19 : memref<!tpu.dma_semaphore, #tpu.memory_space<semaphore_mem>>) src(%dma_wait3A_17 : memref<100000x4xf32, #tpu.memory_space<hbm>>) dst(%arg12 : memref<2000x4xf32, #tpu.memory_space<vmem>>)
    %dma_wait3A_18 = arith.constant 0 : i32
    %dma_wait3A_19 = arith.constant 0 : i32
    %dma_wait3A_20 = tpu.memref_slice %arg6[%dma_wait3A_18, %dma_wait3A_19] : memref<100000x4xf32, #tpu.memory_space<hbm>> -> memref<100000x4xf32, #tpu.memory_space<hbm>>
    tpu.wait_indirect_dma semaphore(%arg19 : memref<!tpu.dma_semaphore, #tpu.memory_space<semaphore_mem>>) src(%dma_wait3A_20 : memref<100000x4xf32, #tpu.memory_space<hbm>>) dst(%arg13 : memref<2000x4xf32, #tpu.memory_space<vmem>>)
    %add3A_21 = arith.constant 1 : i32
    %add3A_22 = arith.addi %mul3A_2, %add3A_21 : i32
    %mul3A_23 = arith.constant 2000 : i32
    %mul3A_24 = arith.muli %add3A_22, %mul3A_23 : i32
    "tpu.region"() ({
      %run_scoped3A = tpu.sem_alloc : memref<!tpu.dma_semaphore, #tpu.memory_space<semaphore_mem>>
      %dma_start3A_158 = tpu.memref_slice %arg7[%mul3A_24] : memref<6400000xi32, #tpu.memory_space<hbm>> -> memref<2000xi32, #tpu.memory_space<hbm>>
      %dma_start3A_159 = tpu.memref_slice %arg7[%mul3A_24] : memref<6400000xi32, #tpu.memory_space<hbm>> -> memref<2000xi32, #tpu.memory_space<hbm>>
      tpu.enqueue_dma source(%dma_start3A_159 : memref<2000xi32, #tpu.memory_space<hbm>>) target(%arg22 : memref<2000xi32, #tpu.memory_space<vmem>>) target_semaphore(%run_scoped3A : memref<!tpu.dma_semaphore, #tpu.memory_space<semaphore_mem>>)
      %dma_wait3A_160 = tpu.memref_slice %arg7[%mul3A_24] : memref<6400000xi32, #tpu.memory_space<hbm>> -> memref<2000xi32, #tpu.memory_space<hbm>>
      %dma_wait3A_161 = tpu.memref_slice %arg7[%mul3A_24] : memref<6400000xi32, #tpu.memory_space<hbm>> -> memref<2000xi32, #tpu.memory_space<hbm>>
      tpu.wait_dma2 semaphore(%run_scoped3A : memref<!tpu.dma_semaphore, #tpu.memory_space<semaphore_mem>>) src(%dma_wait3A_161 : memref<2000xi32, #tpu.memory_space<hbm>>) dst(%arg22 : memref<2000xi32, #tpu.memory_space<vmem>>)
      tpu.yield
    }) : () -> ()
    "tpu.region"() ({
      %run_scoped3A = tpu.sem_alloc : memref<!tpu.dma_semaphore, #tpu.memory_space<semaphore_mem>>
      %dma_start3A_158 = tpu.memref_slice %arg8[%mul3A_24] : memref<6400000xi32, #tpu.memory_space<hbm>> -> memref<2000xi32, #tpu.memory_space<hbm>>
      %dma_start3A_159 = tpu.memref_slice %arg8[%mul3A_24] : memref<6400000xi32, #tpu.memory_space<hbm>> -> memref<2000xi32, #tpu.memory_space<hbm>>
      tpu.enqueue_dma source(%dma_start3A_159 : memref<2000xi32, #tpu.memory_space<hbm>>) target(%arg23 : memref<2000xi32, #tpu.memory_space<vmem>>) target_semaphore(%run_scoped3A : memref<!tpu.dma_semaphore, #tpu.memory_space<semaphore_mem>>)
      %dma_wait3A_160 = tpu.memref_slice %arg8[%mul3A_24] : memref<6400000xi32, #tpu.memory_space<hbm>> -> memref<2000xi32, #tpu.memory_space<hbm>>
      %dma_wait3A_161 = tpu.memref_slice %arg8[%mul3A_24] : memref<6400000xi32, #tpu.memory_space<hbm>> -> memref<2000xi32, #tpu.memory_space<hbm>>
      tpu.wait_dma2 semaphore(%run_scoped3A : memref<!tpu.dma_semaphore, #tpu.memory_space<semaphore_mem>>) src(%dma_wait3A_161 : memref<2000xi32, #tpu.memory_space<hbm>>) dst(%arg23 : memref<2000xi32, #tpu.memory_space<vmem>>)
      tpu.yield
    }) : () -> ()
    %dma_start3A_25 = arith.constant 0 : i32
    %dma_start3A_26 = arith.constant 0 : i32
    %dma_start3A_27 = tpu.memref_slice %arg6[%dma_start3A_25, %dma_start3A_26] : memref<100000x4xf32, #tpu.memory_space<hbm>> -> memref<100000x4xf32, #tpu.memory_space<hbm>>
    tpu.enqueue_indirect_dma source(%dma_start3A_27 : memref<100000x4xf32, #tpu.memory_space<hbm>>) target(%arg24 : memref<2000x4xf32, #tpu.memory_space<vmem>>) offsets(%arg22 : memref<2000xi32, #tpu.memory_space<vmem>>) semaphore(%arg31 : memref<!tpu.dma_semaphore, #tpu.memory_space<semaphore_mem>>)
    %dma_start3A_28 = arith.constant 0 : i32
    %dma_start3A_29 = arith.constant 0 : i32
    %dma_start3A_30 = tpu.memref_slice %arg6[%dma_start3A_28, %dma_start3A_29] : memref<100000x4xf32, #tpu.memory_space<hbm>> -> memref<100000x4xf32, #tpu.memory_space<hbm>>
    tpu.enqueue_indirect_dma source(%dma_start3A_30 : memref<100000x4xf32, #tpu.memory_space<hbm>>) target(%arg25 : memref<2000x4xf32, #tpu.memory_space<vmem>>) offsets(%arg23 : memref<2000xi32, #tpu.memory_space<vmem>>) semaphore(%arg31 : memref<!tpu.dma_semaphore, #tpu.memory_space<semaphore_mem>>)
    %add3A_31 = arith.constant 0 : i32
    %add3A_32 = arith.addi %mul3A_2, %add3A_31 : i32
    %mul3A_33 = arith.constant 2000 : i32
    %mul3A_34 = arith.muli %add3A_32, %mul3A_33 : i32
    %scan3A = arith.constant 0 : i32
    %scan3A_35 = arith.constant 0 : i32
    %scan3A_36 = arith.constant 125 : i32
    %scan3A_37 = arith.addi %scan3A_35, %scan3A_36 : i32
    %scan3A_38 = arith.constant 1 : i32
    scf.for %scan3A_158 = %scan3A_35 to %scan3A_37 step %scan3A_38  : i32 {
      %mul3A_159 = arith.constant 16 : i32
      %mul3A_160 = arith.muli %scan3A_158, %mul3A_159 : i32
      %iota3A = tpu.iota {dimensions = array<i32: 0>} : vector<16xi32>
      %add3A_161 = vector.broadcast %mul3A_160 : i32 to vector<16xi32>
      %add3A_162 = arith.addi %iota3A, %add3A_161 : vector<16xi32>
      %broadcast_in_dim3A = arith.constant 0 : i32
      %broadcast_in_dim3A_163 = vector.broadcast %broadcast_in_dim3A : i32 to vector<16xi32>
      %add3A_164 = arith.constant 1 : i32
      %add3A_165 = vector.broadcast %add3A_164 : i32 to vector<16xi32>
      %add3A_166 = arith.addi %broadcast_in_dim3A_163, %add3A_165 : vector<16xi32>
      %add3A_167 = arith.constant 2 : i32
      %add3A_168 = vector.broadcast %add3A_167 : i32 to vector<16xi32>
      %add3A_169 = arith.addi %broadcast_in_dim3A_163, %add3A_168 : vector<16xi32>
      %add3A_170 = arith.constant 3 : i32
      %add3A_171 = vector.broadcast %add3A_170 : i32 to vector<16xi32>
      %add3A_172 = arith.addi %broadcast_in_dim3A_163, %add3A_171 : vector<16xi32>
      %get3A = arith.index_cast %mul3A_160 : i32 to index
      %get3A_173 = tpu.vector_load %arg14[%get3A] {strides = array<i32>} : memref<2000xf32, #tpu.memory_space<vmem>>, vector<16xf32>,
      %get3A_174 = arith.index_cast %mul3A_160 : i32 to index
      %get3A_175 = tpu.vector_load %arg15[%get3A_174] {strides = array<i32>} : memref<2000xf32, #tpu.memory_space<vmem>>, vector<16xf32>,
      %get3A_176 = arith.index_cast %mul3A_160 : i32 to index
      %get3A_177 = tpu.vector_load %arg16[%get3A_176] {strides = array<i32>} : memref<2000xf32, #tpu.memory_space<vmem>>, vector<16xf32>,
      %get3A_178 = arith.index_cast %mul3A_160 : i32 to index
      %get3A_179 = tpu.vector_load %arg17[%get3A_178] {strides = array<i32>} : memref<2000xf32, #tpu.memory_space<vmem>>, vector<16xf32>,
      %gather3A = tpu.vector_load_idx %arg12[%add3A_162, %broadcast_in_dim3A_163] : memref<2000x4xf32, #tpu.memory_space<vmem>>[vector<16xi32>, vector<16xi32>], vector<16xf32>,
      %gather3A_180 = tpu.vector_load_idx %arg12[%add3A_162, %add3A_166] : memref<2000x4xf32, #tpu.memory_space<vmem>>[vector<16xi32>, vector<16xi32>], vector<16xf32>,
      %gather3A_181 = tpu.vector_load_idx %arg12[%add3A_162, %add3A_169] : memref<2000x4xf32, #tpu.memory_space<vmem>>[vector<16xi32>, vector<16xi32>], vector<16xf32>,
      %gather3A_182 = tpu.vector_load_idx %arg12[%add3A_162, %add3A_172] : memref<2000x4xf32, #tpu.memory_space<vmem>>[vector<16xi32>, vector<16xi32>], vector<16xf32>,
      %gather3A_183 = tpu.vector_load_idx %arg13[%add3A_162, %broadcast_in_dim3A_163] : memref<2000x4xf32, #tpu.memory_space<vmem>>[vector<16xi32>, vector<16xi32>], vector<16xf32>,
      %gather3A_184 = tpu.vector_load_idx %arg13[%add3A_162, %add3A_166] : memref<2000x4xf32, #tpu.memory_space<vmem>>[vector<16xi32>, vector<16xi32>], vector<16xf32>,
      %gather3A_185 = tpu.vector_load_idx %arg13[%add3A_162, %add3A_169] : memref<2000x4xf32, #tpu.memory_space<vmem>>[vector<16xi32>, vector<16xi32>], vector<16xf32>,
      %gather3A_186 = tpu.vector_load_idx %arg13[%add3A_162, %add3A_172] : memref<2000x4xf32, #tpu.memory_space<vmem>>[vector<16xi32>, vector<16xi32>], vector<16xf32>,
      %mul3A_187 = arith.constant 5.000000e-01 : f32
      %mul3A_188 = vector.broadcast %mul3A_187 : f32 to vector<16xf32>
      %mul3A_189 = arith.mulf %get3A_173, %mul3A_188 : vector<16xf32>
      %mul3A_190 = arith.mulf %mul3A_189, %mul3A_189 : vector<16xf32>
      %mul3A_191 = arith.mulf %mul3A_190, %mul3A_189 : vector<16xf32>
      %mul3A_192 = arith.mulf %mul3A_191, %mul3A_189 : vector<16xf32>
      %mul3A_193 = arith.mulf %mul3A_192, %mul3A_189 : vector<16xf32>
      %mul3A_194 = arith.constant 1.000000e+01 : f32
      %mul3A_195 = vector.broadcast %mul3A_194 : f32 to vector<16xf32>
      %mul3A_196 = arith.mulf %mul3A_195, %mul3A_191 : vector<16xf32>
      %sub3A = arith.constant 1.000000e+00 : f32
      %sub3A_197 = vector.broadcast %sub3A : f32 to vector<16xf32>
      %sub3A_198 = arith.subf %sub3A_197, %mul3A_196 : vector<16xf32>
      %mul3A_199 = arith.constant 1.500000e+01 : f32
      %mul3A_200 = vector.broadcast %mul3A_199 : f32 to vector<16xf32>
      %mul3A_201 = arith.mulf %mul3A_200, %mul3A_192 : vector<16xf32>
      %add3A_202 = arith.addf %sub3A_198, %mul3A_201 : vector<16xf32>
      %mul3A_203 = arith.constant 6.000000e+00 : f32
      %mul3A_204 = vector.broadcast %mul3A_203 : f32 to vector<16xf32>
      %mul3A_205 = arith.mulf %mul3A_204, %mul3A_193 : vector<16xf32>
      %sub3A_206 = arith.subf %add3A_202, %mul3A_205 : vector<16xf32>
      %lt3A = arith.constant 1.000000e+00 : f32
      %lt3A_207 = vector.broadcast %lt3A : f32 to vector<16xf32>
      %lt3A_208 = arith.cmpf olt, %mul3A_189, %lt3A_207 : vector<16xf32>
      %broadcast_in_dim3A_209 = arith.constant 0.000000e+00 : f32
      %broadcast_in_dim3A_210 = vector.broadcast %broadcast_in_dim3A_209 : f32 to vector<16xf32>
      %select_n3A = arith.select %lt3A_208, %sub3A_206, %broadcast_in_dim3A_210 : vector<16xi1>, vector<16xf32>
      %mul3A_211 = arith.mulf %get3A_173, %get3A_173 : vector<16xf32>
      %bitcast3A = vector.bitcast %mul3A_211 : vector<16xf32> to vector<16xi32>
      %shift_right_arithmetic3A = arith.constant 1 : i32
      %shift_right_arithmetic3A_212 = vector.broadcast %shift_right_arithmetic3A : i32 to vector<16xi32>
      %shift_right_arithmetic3A_213 = arith.shrsi %bitcast3A, %shift_right_arithmetic3A_212 : vector<16xi32>
      %sub3A_214 = arith.constant 1597463007 : i32
      %sub3A_215 = vector.broadcast %sub3A_214 : i32 to vector<16xi32>
      %sub3A_216 = arith.subi %sub3A_215, %shift_right_arithmetic3A_213 : vector<16xi32>
      %bitcast3A_217 = vector.bitcast %sub3A_216 : vector<16xi32> to vector<16xf32>
      %mul3A_218 = arith.constant 5.000000e-01 : f32
      %mul3A_219 = vector.broadcast %mul3A_218 : f32 to vector<16xf32>
      %mul3A_220 = arith.mulf %mul3A_219, %mul3A_211 : vector<16xf32>
      %mul3A_221 = arith.mulf %mul3A_220, %bitcast3A_217 : vector<16xf32>
      %mul3A_222 = arith.mulf %mul3A_221, %bitcast3A_217 : vector<16xf32>
      %sub3A_223 = arith.constant 1.500000e+00 : f32
      %sub3A_224 = vector.broadcast %sub3A_223 : f32 to vector<16xf32>
      %sub3A_225 = arith.subf %sub3A_224, %mul3A_222 : vector<16xf32>
      %mul3A_226 = arith.mulf %bitcast3A_217, %sub3A_225 : vector<16xf32>
      %mul3A_227 = arith.constant 5.000000e-01 : f32
      %mul3A_228 = vector.broadcast %mul3A_227 : f32 to vector<16xf32>
      %mul3A_229 = arith.mulf %mul3A_228, %mul3A_211 : vector<16xf32>
      %mul3A_230 = arith.mulf %mul3A_229, %mul3A_226 : vector<16xf32>
      %mul3A_231 = arith.mulf %mul3A_230, %mul3A_226 : vector<16xf32>
      %sub3A_232 = arith.constant 1.500000e+00 : f32
      %sub3A_233 = vector.broadcast %sub3A_232 : f32 to vector<16xf32>
      %sub3A_234 = arith.subf %sub3A_233, %mul3A_231 : vector<16xf32>
      %mul3A_235 = arith.mulf %mul3A_226, %sub3A_234 : vector<16xf32>
      %mul3A_236 = arith.constant 5.000000e-01 : f32
      %mul3A_237 = vector.broadcast %mul3A_236 : f32 to vector<16xf32>
      %mul3A_238 = arith.mulf %mul3A_237, %mul3A_211 : vector<16xf32>
      %mul3A_239 = arith.mulf %mul3A_238, %mul3A_235 : vector<16xf32>
      %mul3A_240 = arith.mulf %mul3A_239, %mul3A_235 : vector<16xf32>
      %sub3A_241 = arith.constant 1.500000e+00 : f32
      %sub3A_242 = vector.broadcast %sub3A_241 : f32 to vector<16xf32>
      %sub3A_243 = arith.subf %sub3A_242, %mul3A_240 : vector<16xf32>
      %mul3A_244 = arith.mulf %mul3A_235, %sub3A_243 : vector<16xf32>
      %mul3A_245 = arith.mulf %get3A_173, %get3A_173 : vector<16xf32>
      %add3A_246 = arith.constant 1.000000e+00 : f32
      %add3A_247 = vector.broadcast %add3A_246 : f32 to vector<16xf32>
      %add3A_248 = arith.addf %mul3A_245, %add3A_247 : vector<16xf32>
      %bitcast3A_249 = vector.bitcast %add3A_248 : vector<16xf32> to vector<16xi32>
      %shift_right_arithmetic3A_250 = arith.constant 1 : i32
      %shift_right_arithmetic3A_251 = vector.broadcast %shift_right_arithmetic3A_250 : i32 to vector<16xi32>
      %shift_right_arithmetic3A_252 = arith.shrsi %bitcast3A_249, %shift_right_arithmetic3A_251 : vector<16xi32>
      %sub3A_253 = arith.constant 1597463007 : i32
      %sub3A_254 = vector.broadcast %sub3A_253 : i32 to vector<16xi32>
      %sub3A_255 = arith.subi %sub3A_254, %shift_right_arithmetic3A_252 : vector<16xi32>
      %bitcast3A_256 = vector.bitcast %sub3A_255 : vector<16xi32> to vector<16xf32>
      %mul3A_257 = arith.constant 5.000000e-01 : f32
      %mul3A_258 = vector.broadcast %mul3A_257 : f32 to vector<16xf32>
      %mul3A_259 = arith.mulf %mul3A_258, %add3A_248 : vector<16xf32>
      %mul3A_260 = arith.mulf %mul3A_259, %bitcast3A_256 : vector<16xf32>
      %mul3A_261 = arith.mulf %mul3A_260, %bitcast3A_256 : vector<16xf32>
      %sub3A_262 = arith.constant 1.500000e+00 : f32
      %sub3A_263 = vector.broadcast %sub3A_262 : f32 to vector<16xf32>
      %sub3A_264 = arith.subf %sub3A_263, %mul3A_261 : vector<16xf32>
      %mul3A_265 = arith.mulf %bitcast3A_256, %sub3A_264 : vector<16xf32>
      %mul3A_266 = arith.constant 5.000000e-01 : f32
      %mul3A_267 = vector.broadcast %mul3A_266 : f32 to vector<16xf32>
      %mul3A_268 = arith.mulf %mul3A_267, %add3A_248 : vector<16xf32>
      %mul3A_269 = arith.mulf %mul3A_268, %mul3A_265 : vector<16xf32>
      %mul3A_270 = arith.mulf %mul3A_269, %mul3A_265 : vector<16xf32>
      %sub3A_271 = arith.constant 1.500000e+00 : f32
      %sub3A_272 = vector.broadcast %sub3A_271 : f32 to vector<16xf32>
      %sub3A_273 = arith.subf %sub3A_272, %mul3A_270 : vector<16xf32>
      %mul3A_274 = arith.mulf %mul3A_265, %sub3A_273 : vector<16xf32>
      %mul3A_275 = arith.constant 5.000000e-01 : f32
      %mul3A_276 = vector.broadcast %mul3A_275 : f32 to vector<16xf32>
      %mul3A_277 = arith.mulf %mul3A_276, %add3A_248 : vector<16xf32>
      %mul3A_278 = arith.mulf %mul3A_277, %mul3A_274 : vector<16xf32>
      %mul3A_279 = arith.mulf %mul3A_278, %mul3A_274 : vector<16xf32>
      %sub3A_280 = arith.constant 1.500000e+00 : f32
      %sub3A_281 = vector.broadcast %sub3A_280 : f32 to vector<16xf32>
      %sub3A_282 = arith.subf %sub3A_281, %mul3A_279 : vector<16xf32>
      %mul3A_283 = arith.mulf %mul3A_274, %sub3A_282 : vector<16xf32>
      %mul3A_284 = arith.mulf %select_n3A, %mul3A_283 : vector<16xf32>
      %sub3A_285 = arith.constant 1.000000e+00 : f32
      %sub3A_286 = vector.broadcast %sub3A_285 : f32 to vector<16xf32>
      %sub3A_287 = arith.subf %sub3A_286, %select_n3A : vector<16xf32>
      %mul3A_288 = arith.mulf %sub3A_287, %mul3A_244 : vector<16xf32>
      %add3A_289 = arith.addf %mul3A_284, %mul3A_288 : vector<16xf32>
      %mul3A_290 = arith.mulf %add3A_289, %add3A_289 : vector<16xf32>
      %mul3A_291 = arith.mulf %mul3A_290, %add3A_289 : vector<16xf32>
      %mul3A_292 = arith.mulf %get3A_175, %mul3A_244 : vector<16xf32>
      %mul3A_293 = arith.mulf %get3A_177, %mul3A_244 : vector<16xf32>
      %mul3A_294 = arith.mulf %get3A_179, %mul3A_244 : vector<16xf32>
      %mul3A_295 = arith.mulf %mul3A_292, %gather3A_184 : vector<16xf32>
      %mul3A_296 = arith.mulf %mul3A_293, %gather3A_185 : vector<16xf32>
      %add3A_297 = arith.addf %mul3A_295, %mul3A_296 : vector<16xf32>
      %mul3A_298 = arith.mulf %mul3A_294, %gather3A_186 : vector<16xf32>
      %add3A_299 = arith.addf %add3A_297, %mul3A_298 : vector<16xf32>
      %mul3A_300 = arith.mulf %mul3A_292, %gather3A_180 : vector<16xf32>
      %mul3A_301 = arith.mulf %mul3A_293, %gather3A_181 : vector<16xf32>
      %add3A_302 = arith.addf %mul3A_300, %mul3A_301 : vector<16xf32>
      %mul3A_303 = arith.mulf %mul3A_294, %gather3A_182 : vector<16xf32>
      %add3A_304 = arith.addf %add3A_302, %mul3A_303 : vector<16xf32>
      %mul3A_305 = arith.mulf %gather3A_180, %gather3A_184 : vector<16xf32>
      %mul3A_306 = arith.mulf %gather3A_181, %gather3A_185 : vector<16xf32>
      %add3A_307 = arith.addf %mul3A_305, %mul3A_306 : vector<16xf32>
      %mul3A_308 = arith.mulf %gather3A_182, %gather3A_186 : vector<16xf32>
      %add3A_309 = arith.addf %add3A_307, %mul3A_308 : vector<16xf32>
      %mul3A_310 = arith.mulf %gather3A, %gather3A_183 : vector<16xf32>
      %mul3A_311 = arith.mulf %mul3A_310, %add3A_289 : vector<16xf32>
      %mul3A_312 = arith.constant 2.000000e+00 : f32
      %mul3A_313 = vector.broadcast %mul3A_312 : f32 to vector<16xf32>
      %mul3A_314 = arith.mulf %mul3A_313, %gather3A : vector<16xf32>
      %mul3A_315 = arith.mulf %mul3A_314, %add3A_299 : vector<16xf32>
      %mul3A_316 = arith.mulf %mul3A_315, %mul3A_290 : vector<16xf32>
      %add3A_317 = arith.addf %mul3A_311, %mul3A_316 : vector<16xf32>
      %mul3A_318 = arith.constant 3.000000e+00 : f32
      %mul3A_319 = vector.broadcast %mul3A_318 : f32 to vector<16xf32>
      %mul3A_320 = arith.mulf %mul3A_319, %add3A_299 : vector<16xf32>
      %mul3A_321 = arith.mulf %mul3A_320, %add3A_304 : vector<16xf32>
      %sub3A_322 = arith.subf %add3A_309, %mul3A_321 : vector<16xf32>
      %mul3A_323 = arith.mulf %sub3A_322, %mul3A_291 : vector<16xf32>
      %add3A_324 = arith.addf %add3A_317, %mul3A_323 : vector<16xf32>
      %mul3A_325 = arith.constant 7.1998229 : f32
      %mul3A_326 = vector.broadcast %mul3A_325 : f32 to vector<16xf32>
      %mul3A_327 = arith.mulf %mul3A_326, %add3A_324 : vector<16xf32>
      %le3A = arith.constant 1.000000e+01 : f32
      %le3A_328 = vector.broadcast %le3A : f32 to vector<16xf32>
      %le3A_329 = arith.cmpf ole, %get3A_173, %le3A_328 : vector<16xf32>
      %broadcast_in_dim3A_330 = arith.constant 0.000000e+00 : f32
      %broadcast_in_dim3A_331 = vector.broadcast %broadcast_in_dim3A_330 : f32 to vector<16xf32>
      %select_n3A_332 = arith.select %le3A_329, %mul3A_327, %broadcast_in_dim3A_331 : vector<16xi1>, vector<16xf32>
      %swap3A = arith.index_cast %mul3A_160 : i32 to index
      %swap3A_333 = tpu.vector_load %arg18[%swap3A] {strides = array<i32>} : memref<2000xf32, #tpu.memory_space<vmem>>, vector<16xf32>,
      tpu.vector_store %arg18[%swap3A], %select_n3A_332 {strides = array<i32>} : memref<2000xf32, #tpu.memory_space<vmem>>, vector<16xf32>,
    }
    %scan3A_39 = arith.constant 125 : i32
    %dma_start3A_40 = tpu.memref_slice %arg9[%mul3A_34] : memref<6400000xf32, #tpu.memory_space<hbm>> -> memref<2000xf32, #tpu.memory_space<hbm>>
    %dma_start3A_41 = tpu.memref_slice %arg9[%mul3A_34] : memref<6400000xf32, #tpu.memory_space<hbm>> -> memref<2000xf32, #tpu.memory_space<hbm>>
    tpu.enqueue_dma source(%arg18 : memref<2000xf32, #tpu.memory_space<vmem>>) target(%dma_start3A_41 : memref<2000xf32, #tpu.memory_space<hbm>>) target_semaphore(%arg21 : memref<!tpu.dma_semaphore, #tpu.memory_space<semaphore_mem>>)
    %add3A_42 = arith.constant 1 : i32
    %add3A_43 = arith.addi %mul3A_2, %add3A_42 : i32
    %mul3A_44 = arith.constant 2000 : i32
    %mul3A_45 = arith.muli %add3A_43, %mul3A_44 : i32
    "tpu.region"() ({
      %run_scoped3A = tpu.sem_alloc : memref<!tpu.dma_semaphore, #tpu.memory_space<semaphore_mem>>
      %dma_start3A_158 = tpu.memref_slice %arg2[%mul3A_45] : memref<6400000xf32, #tpu.memory_space<hbm>> -> memref<2000xf32, #tpu.memory_space<hbm>>
      %dma_start3A_159 = tpu.memref_slice %arg2[%mul3A_45] : memref<6400000xf32, #tpu.memory_space<hbm>> -> memref<2000xf32, #tpu.memory_space<hbm>>
      tpu.enqueue_dma source(%dma_start3A_159 : memref<2000xf32, #tpu.memory_space<hbm>>) target(%arg26 : memref<2000xf32, #tpu.memory_space<vmem>>) target_semaphore(%run_scoped3A : memref<!tpu.dma_semaphore, #tpu.memory_space<semaphore_mem>>)
      %dma_wait3A_160 = tpu.memref_slice %arg2[%mul3A_45] : memref<6400000xf32, #tpu.memory_space<hbm>> -> memref<2000xf32, #tpu.memory_space<hbm>>
      %dma_wait3A_161 = tpu.memref_slice %arg2[%mul3A_45] : memref<6400000xf32, #tpu.memory_space<hbm>> -> memref<2000xf32, #tpu.memory_space<hbm>>
      tpu.wait_dma2 semaphore(%run_scoped3A : memref<!tpu.dma_semaphore, #tpu.memory_space<semaphore_mem>>) src(%dma_wait3A_161 : memref<2000xf32, #tpu.memory_space<hbm>>) dst(%arg26 : memref<2000xf32, #tpu.memory_space<vmem>>)
      tpu.yield
    }) : () -> ()
    "tpu.region"() ({
      %run_scoped3A = tpu.sem_alloc : memref<!tpu.dma_semaphore, #tpu.memory_space<semaphore_mem>>
      %dma_start3A_158 = tpu.memref_slice %arg3[%mul3A_45] : memref<6400000xf32, #tpu.memory_space<hbm>> -> memref<2000xf32, #tpu.memory_space<hbm>>
      %dma_start3A_159 = tpu.memref_slice %arg3[%mul3A_45] : memref<6400000xf32, #tpu.memory_space<hbm>> -> memref<2000xf32, #tpu.memory_space<hbm>>
      tpu.enqueue_dma source(%dma_start3A_159 : memref<2000xf32, #tpu.memory_space<hbm>>) target(%arg27 : memref<2000xf32, #tpu.memory_space<vmem>>) target_semaphore(%run_scoped3A : memref<!tpu.dma_semaphore, #tpu.memory_space<semaphore_mem>>)
      %dma_wait3A_160 = tpu.memref_slice %arg3[%mul3A_45] : memref<6400000xf32, #tpu.memory_space<hbm>> -> memref<2000xf32, #tpu.memory_space<hbm>>
      %dma_wait3A_161 = tpu.memref_slice %arg3[%mul3A_45] : memref<6400000xf32, #tpu.memory_space<hbm>> -> memref<2000xf32, #tpu.memory_space<hbm>>
      tpu.wait_dma2 semaphore(%run_scoped3A : memref<!tpu.dma_semaphore, #tpu.memory_space<semaphore_mem>>) src(%dma_wait3A_161 : memref<2000xf32, #tpu.memory_space<hbm>>) dst(%arg27 : memref<2000xf32, #tpu.memory_space<vmem>>)
      tpu.yield
    }) : () -> ()
    "tpu.region"() ({
      %run_scoped3A = tpu.sem_alloc : memref<!tpu.dma_semaphore, #tpu.memory_space<semaphore_mem>>
      %dma_start3A_158 = tpu.memref_slice %arg4[%mul3A_45] : memref<6400000xf32, #tpu.memory_space<hbm>> -> memref<2000xf32, #tpu.memory_space<hbm>>
      %dma_start3A_159 = tpu.memref_slice %arg4[%mul3A_45] : memref<6400000xf32, #tpu.memory_space<hbm>> -> memref<2000xf32, #tpu.memory_space<hbm>>
      tpu.enqueue_dma source(%dma_start3A_159 : memref<2000xf32, #tpu.memory_space<hbm>>) target(%arg28 : memref<2000xf32, #tpu.memory_space<vmem>>) target_semaphore(%run_scoped3A : memref<!tpu.dma_semaphore, #tpu.memory_space<semaphore_mem>>)
      %dma_wait3A_160 = tpu.memref_slice %arg4[%mul3A_45] : memref<6400000xf32, #tpu.memory_space<hbm>> -> memref<2000xf32, #tpu.memory_space<hbm>>
      %dma_wait3A_161 = tpu.memref_slice %arg4[%mul3A_45] : memref<6400000xf32, #tpu.memory_space<hbm>> -> memref<2000xf32, #tpu.memory_space<hbm>>
      tpu.wait_dma2 semaphore(%run_scoped3A : memref<!tpu.dma_semaphore, #tpu.memory_space<semaphore_mem>>) src(%dma_wait3A_161 : memref<2000xf32, #tpu.memory_space<hbm>>) dst(%arg28 : memref<2000xf32, #tpu.memory_space<vmem>>)
      tpu.yield
    }) : () -> ()
    "tpu.region"() ({
      %run_scoped3A = tpu.sem_alloc : memref<!tpu.dma_semaphore, #tpu.memory_space<semaphore_mem>>
      %dma_start3A_158 = tpu.memref_slice %arg5[%mul3A_45] : memref<6400000xf32, #tpu.memory_space<hbm>> -> memref<2000xf32, #tpu.memory_space<hbm>>
      %dma_start3A_159 = tpu.memref_slice %arg5[%mul3A_45] : memref<6400000xf32, #tpu.memory_space<hbm>> -> memref<2000xf32, #tpu.memory_space<hbm>>
      tpu.enqueue_dma source(%dma_start3A_159 : memref<2000xf32, #tpu.memory_space<hbm>>) target(%arg29 : memref<2000xf32, #tpu.memory_space<vmem>>) target_semaphore(%run_scoped3A : memref<!tpu.dma_semaphore, #tpu.memory_space<semaphore_mem>>)
      %dma_wait3A_160 = tpu.memref_slice %arg5[%mul3A_45] : memref<6400000xf32, #tpu.memory_space<hbm>> -> memref<2000xf32, #tpu.memory_space<hbm>>
      %dma_wait3A_161 = tpu.memref_slice %arg5[%mul3A_45] : memref<6400000xf32, #tpu.memory_space<hbm>> -> memref<2000xf32, #tpu.memory_space<hbm>>
      tpu.wait_dma2 semaphore(%run_scoped3A : memref<!tpu.dma_semaphore, #tpu.memory_space<semaphore_mem>>) src(%dma_wait3A_161 : memref<2000xf32, #tpu.memory_space<hbm>>) dst(%arg29 : memref<2000xf32, #tpu.memory_space<vmem>>)
      tpu.yield
    }) : () -> ()
    %dma_wait3A_46 = arith.constant 0 : i32
    %dma_wait3A_47 = arith.constant 0 : i32
    %dma_wait3A_48 = tpu.memref_slice %arg6[%dma_wait3A_46, %dma_wait3A_47] : memref<100000x4xf32, #tpu.memory_space<hbm>> -> memref<100000x4xf32, #tpu.memory_space<hbm>>
    tpu.wait_indirect_dma semaphore(%arg31 : memref<!tpu.dma_semaphore, #tpu.memory_space<semaphore_mem>>) src(%dma_wait3A_48 : memref<100000x4xf32, #tpu.memory_space<hbm>>) dst(%arg24 : memref<2000x4xf32, #tpu.memory_space<vmem>>)
    %dma_wait3A_49 = arith.constant 0 : i32
    %dma_wait3A_50 = arith.constant 0 : i32
    %dma_wait3A_51 = tpu.memref_slice %arg6[%dma_wait3A_49, %dma_wait3A_50] : memref<100000x4xf32, #tpu.memory_space<hbm>> -> memref<100000x4xf32, #tpu.memory_space<hbm>>
    tpu.wait_indirect_dma semaphore(%arg31 : memref<!tpu.dma_semaphore, #tpu.memory_space<semaphore_mem>>) src(%dma_wait3A_51 : memref<100000x4xf32, #tpu.memory_space<hbm>>) dst(%arg25 : memref<2000x4xf32, #tpu.memory_space<vmem>>)
    %add3A_52 = arith.constant 2 : i32
    %add3A_53 = arith.addi %mul3A_2, %add3A_52 : i32
    %mul3A_54 = arith.constant 2000 : i32
    %mul3A_55 = arith.muli %add3A_53, %mul3A_54 : i32
    "tpu.region"() ({
      %run_scoped3A = tpu.sem_alloc : memref<!tpu.dma_semaphore, #tpu.memory_space<semaphore_mem>>
      %dma_start3A_158 = tpu.memref_slice %arg7[%mul3A_55] : memref<6400000xi32, #tpu.memory_space<hbm>> -> memref<2000xi32, #tpu.memory_space<hbm>>
      %dma_start3A_159 = tpu.memref_slice %arg7[%mul3A_55] : memref<6400000xi32, #tpu.memory_space<hbm>> -> memref<2000xi32, #tpu.memory_space<hbm>>
      tpu.enqueue_dma source(%dma_start3A_159 : memref<2000xi32, #tpu.memory_space<hbm>>) target(%arg10 : memref<2000xi32, #tpu.memory_space<vmem>>) target_semaphore(%run_scoped3A : memref<!tpu.dma_semaphore, #tpu.memory_space<semaphore_mem>>)
      %dma_wait3A_160 = tpu.memref_slice %arg7[%mul3A_55] : memref<6400000xi32, #tpu.memory_space<hbm>> -> memref<2000xi32, #tpu.memory_space<hbm>>
      %dma_wait3A_161 = tpu.memref_slice %arg7[%mul3A_55] : memref<6400000xi32, #tpu.memory_space<hbm>> -> memref<2000xi32, #tpu.memory_space<hbm>>
      tpu.wait_dma2 semaphore(%run_scoped3A : memref<!tpu.dma_semaphore, #tpu.memory_space<semaphore_mem>>) src(%dma_wait3A_161 : memref<2000xi32, #tpu.memory_space<hbm>>) dst(%arg10 : memref<2000xi32, #tpu.memory_space<vmem>>)
      tpu.yield
    }) : () -> ()
    "tpu.region"() ({
      %run_scoped3A = tpu.sem_alloc : memref<!tpu.dma_semaphore, #tpu.memory_space<semaphore_mem>>
      %dma_start3A_158 = tpu.memref_slice %arg8[%mul3A_55] : memref<6400000xi32, #tpu.memory_space<hbm>> -> memref<2000xi32, #tpu.memory_space<hbm>>
      %dma_start3A_159 = tpu.memref_slice %arg8[%mul3A_55] : memref<6400000xi32, #tpu.memory_space<hbm>> -> memref<2000xi32, #tpu.memory_space<hbm>>
      tpu.enqueue_dma source(%dma_start3A_159 : memref<2000xi32, #tpu.memory_space<hbm>>) target(%arg11 : memref<2000xi32, #tpu.memory_space<vmem>>) target_semaphore(%run_scoped3A : memref<!tpu.dma_semaphore, #tpu.memory_space<semaphore_mem>>)
      %dma_wait3A_160 = tpu.memref_slice %arg8[%mul3A_55] : memref<6400000xi32, #tpu.memory_space<hbm>> -> memref<2000xi32, #tpu.memory_space<hbm>>
      %dma_wait3A_161 = tpu.memref_slice %arg8[%mul3A_55] : memref<6400000xi32, #tpu.memory_space<hbm>> -> memref<2000xi32, #tpu.memory_space<hbm>>
      tpu.wait_dma2 semaphore(%run_scoped3A : memref<!tpu.dma_semaphore, #tpu.memory_space<semaphore_mem>>) src(%dma_wait3A_161 : memref<2000xi32, #tpu.memory_space<hbm>>) dst(%arg11 : memref<2000xi32, #tpu.memory_space<vmem>>)
      tpu.yield
    }) : () -> ()
    %dma_start3A_56 = arith.constant 0 : i32
    %dma_start3A_57 = arith.constant 0 : i32
    %dma_start3A_58 = tpu.memref_slice %arg6[%dma_start3A_56, %dma_start3A_57] : memref<100000x4xf32, #tpu.memory_space<hbm>> -> memref<100000x4xf32, #tpu.memory_space<hbm>>
    tpu.enqueue_indirect_dma source(%dma_start3A_58 : memref<100000x4xf32, #tpu.memory_space<hbm>>) target(%arg12 : memref<2000x4xf32, #tpu.memory_space<vmem>>) offsets(%arg10 : memref<2000xi32, #tpu.memory_space<vmem>>) semaphore(%arg19 : memref<!tpu.dma_semaphore, #tpu.memory_space<semaphore_mem>>)
    %dma_start3A_59 = arith.constant 0 : i32
    %dma_start3A_60 = arith.constant 0 : i32
    %dma_start3A_61 = tpu.memref_slice %arg6[%dma_start3A_59, %dma_start3A_60] : memref<100000x4xf32, #tpu.memory_space<hbm>> -> memref<100000x4xf32, #tpu.memory_space<hbm>>
    tpu.enqueue_indirect_dma source(%dma_start3A_61 : memref<100000x4xf32, #tpu.memory_space<hbm>>) target(%arg13 : memref<2000x4xf32, #tpu.memory_space<vmem>>) offsets(%arg11 : memref<2000xi32, #tpu.memory_space<vmem>>) semaphore(%arg19 : memref<!tpu.dma_semaphore, #tpu.memory_space<semaphore_mem>>)
    %add3A_62 = arith.constant 1 : i32
    %add3A_63 = arith.addi %mul3A_2, %add3A_62 : i32
    %mul3A_64 = arith.constant 2000 : i32
    %mul3A_65 = arith.muli %add3A_63, %mul3A_64 : i32
    %scan3A_66 = arith.constant 0 : i32
    %scan3A_67 = arith.constant 0 : i32
    %scan3A_68 = arith.constant 125 : i32
    %scan3A_69 = arith.addi %scan3A_67, %scan3A_68 : i32
    %scan3A_70 = arith.constant 1 : i32
    scf.for %scan3A_158 = %scan3A_67 to %scan3A_69 step %scan3A_70  : i32 {
      %mul3A_159 = arith.constant 16 : i32
      %mul3A_160 = arith.muli %scan3A_158, %mul3A_159 : i32
      %iota3A = tpu.iota {dimensions = array<i32: 0>} : vector<16xi32>
      %add3A_161 = vector.broadcast %mul3A_160 : i32 to vector<16xi32>
      %add3A_162 = arith.addi %iota3A, %add3A_161 : vector<16xi32>
      %broadcast_in_dim3A = arith.constant 0 : i32
      %broadcast_in_dim3A_163 = vector.broadcast %broadcast_in_dim3A : i32 to vector<16xi32>
      %add3A_164 = arith.constant 1 : i32
      %add3A_165 = vector.broadcast %add3A_164 : i32 to vector<16xi32>
      %add3A_166 = arith.addi %broadcast_in_dim3A_163, %add3A_165 : vector<16xi32>
      %add3A_167 = arith.constant 2 : i32
      %add3A_168 = vector.broadcast %add3A_167 : i32 to vector<16xi32>
      %add3A_169 = arith.addi %broadcast_in_dim3A_163, %add3A_168 : vector<16xi32>
      %add3A_170 = arith.constant 3 : i32
      %add3A_171 = vector.broadcast %add3A_170 : i32 to vector<16xi32>
      %add3A_172 = arith.addi %broadcast_in_dim3A_163, %add3A_171 : vector<16xi32>
      %get3A = arith.index_cast %mul3A_160 : i32 to index
      %get3A_173 = tpu.vector_load %arg26[%get3A] {strides = array<i32>} : memref<2000xf32, #tpu.memory_space<vmem>>, vector<16xf32>,
      %get3A_174 = arith.index_cast %mul3A_160 : i32 to index
      %get3A_175 = tpu.vector_load %arg27[%get3A_174] {strides = array<i32>} : memref<2000xf32, #tpu.memory_space<vmem>>, vector<16xf32>,
      %get3A_176 = arith.index_cast %mul3A_160 : i32 to index
      %get3A_177 = tpu.vector_load %arg28[%get3A_176] {strides = array<i32>} : memref<2000xf32, #tpu.memory_space<vmem>>, vector<16xf32>,
      %get3A_178 = arith.index_cast %mul3A_160 : i32 to index
      %get3A_179 = tpu.vector_load %arg29[%get3A_178] {strides = array<i32>} : memref<2000xf32, #tpu.memory_space<vmem>>, vector<16xf32>,
      %gather3A = tpu.vector_load_idx %arg24[%add3A_162, %broadcast_in_dim3A_163] : memref<2000x4xf32, #tpu.memory_space<vmem>>[vector<16xi32>, vector<16xi32>], vector<16xf32>,
      %gather3A_180 = tpu.vector_load_idx %arg24[%add3A_162, %add3A_166] : memref<2000x4xf32, #tpu.memory_space<vmem>>[vector<16xi32>, vector<16xi32>], vector<16xf32>,
      %gather3A_181 = tpu.vector_load_idx %arg24[%add3A_162, %add3A_169] : memref<2000x4xf32, #tpu.memory_space<vmem>>[vector<16xi32>, vector<16xi32>], vector<16xf32>,
      %gather3A_182 = tpu.vector_load_idx %arg24[%add3A_162, %add3A_172] : memref<2000x4xf32, #tpu.memory_space<vmem>>[vector<16xi32>, vector<16xi32>], vector<16xf32>,
      %gather3A_183 = tpu.vector_load_idx %arg25[%add3A_162, %broadcast_in_dim3A_163] : memref<2000x4xf32, #tpu.memory_space<vmem>>[vector<16xi32>, vector<16xi32>], vector<16xf32>,
      %gather3A_184 = tpu.vector_load_idx %arg25[%add3A_162, %add3A_166] : memref<2000x4xf32, #tpu.memory_space<vmem>>[vector<16xi32>, vector<16xi32>], vector<16xf32>,
      %gather3A_185 = tpu.vector_load_idx %arg25[%add3A_162, %add3A_169] : memref<2000x4xf32, #tpu.memory_space<vmem>>[vector<16xi32>, vector<16xi32>], vector<16xf32>,
      %gather3A_186 = tpu.vector_load_idx %arg25[%add3A_162, %add3A_172] : memref<2000x4xf32, #tpu.memory_space<vmem>>[vector<16xi32>, vector<16xi32>], vector<16xf32>,
      %mul3A_187 = arith.constant 5.000000e-01 : f32
      %mul3A_188 = vector.broadcast %mul3A_187 : f32 to vector<16xf32>
      %mul3A_189 = arith.mulf %get3A_173, %mul3A_188 : vector<16xf32>
      %mul3A_190 = arith.mulf %mul3A_189, %mul3A_189 : vector<16xf32>
      %mul3A_191 = arith.mulf %mul3A_190, %mul3A_189 : vector<16xf32>
      %mul3A_192 = arith.mulf %mul3A_191, %mul3A_189 : vector<16xf32>
      %mul3A_193 = arith.mulf %mul3A_192, %mul3A_189 : vector<16xf32>
      %mul3A_194 = arith.constant 1.000000e+01 : f32
      %mul3A_195 = vector.broadcast %mul3A_194 : f32 to vector<16xf32>
      %mul3A_196 = arith.mulf %mul3A_195, %mul3A_191 : vector<16xf32>
      %sub3A = arith.constant 1.000000e+00 : f32
      %sub3A_197 = vector.broadcast %sub3A : f32 to vector<16xf32>
      %sub3A_198 = arith.subf %sub3A_197, %mul3A_196 : vector<16xf32>
      %mul3A_199 = arith.constant 1.500000e+01 : f32
      %mul3A_200 = vector.broadcast %mul3A_199 : f32 to vector<16xf32>
      %mul3A_201 = arith.mulf %mul3A_200, %mul3A_192 : vector<16xf32>
      %add3A_202 = arith.addf %sub3A_198, %mul3A_201 : vector<16xf32>
      %mul3A_203 = arith.constant 6.000000e+00 : f32
      %mul3A_204 = vector.broadcast %mul3A_203 : f32 to vector<16xf32>
      %mul3A_205 = arith.mulf %mul3A_204, %mul3A_193 : vector<16xf32>
      %sub3A_206 = arith.subf %add3A_202, %mul3A_205 : vector<16xf32>
      %lt3A = arith.constant 1.000000e+00 : f32
      %lt3A_207 = vector.broadcast %lt3A : f32 to vector<16xf32>
      %lt3A_208 = arith.cmpf olt, %mul3A_189, %lt3A_207 : vector<16xf32>
      %broadcast_in_dim3A_209 = arith.constant 0.000000e+00 : f32
      %broadcast_in_dim3A_210 = vector.broadcast %broadcast_in_dim3A_209 : f32 to vector<16xf32>
      %select_n3A = arith.select %lt3A_208, %sub3A_206, %broadcast_in_dim3A_210 : vector<16xi1>, vector<16xf32>
      %mul3A_211 = arith.mulf %get3A_173, %get3A_173 : vector<16xf32>
      %bitcast3A = vector.bitcast %mul3A_211 : vector<16xf32> to vector<16xi32>
      %shift_right_arithmetic3A = arith.constant 1 : i32
      %shift_right_arithmetic3A_212 = vector.broadcast %shift_right_arithmetic3A : i32 to vector<16xi32>
      %shift_right_arithmetic3A_213 = arith.shrsi %bitcast3A, %shift_right_arithmetic3A_212 : vector<16xi32>
      %sub3A_214 = arith.constant 1597463007 : i32
      %sub3A_215 = vector.broadcast %sub3A_214 : i32 to vector<16xi32>
      %sub3A_216 = arith.subi %sub3A_215, %shift_right_arithmetic3A_213 : vector<16xi32>
      %bitcast3A_217 = vector.bitcast %sub3A_216 : vector<16xi32> to vector<16xf32>
      %mul3A_218 = arith.constant 5.000000e-01 : f32
      %mul3A_219 = vector.broadcast %mul3A_218 : f32 to vector<16xf32>
      %mul3A_220 = arith.mulf %mul3A_219, %mul3A_211 : vector<16xf32>
      %mul3A_221 = arith.mulf %mul3A_220, %bitcast3A_217 : vector<16xf32>
      %mul3A_222 = arith.mulf %mul3A_221, %bitcast3A_217 : vector<16xf32>
      %sub3A_223 = arith.constant 1.500000e+00 : f32
      %sub3A_224 = vector.broadcast %sub3A_223 : f32 to vector<16xf32>
      %sub3A_225 = arith.subf %sub3A_224, %mul3A_222 : vector<16xf32>
      %mul3A_226 = arith.mulf %bitcast3A_217, %sub3A_225 : vector<16xf32>
      %mul3A_227 = arith.constant 5.000000e-01 : f32
      %mul3A_228 = vector.broadcast %mul3A_227 : f32 to vector<16xf32>
      %mul3A_229 = arith.mulf %mul3A_228, %mul3A_211 : vector<16xf32>
      %mul3A_230 = arith.mulf %mul3A_229, %mul3A_226 : vector<16xf32>
      %mul3A_231 = arith.mulf %mul3A_230, %mul3A_226 : vector<16xf32>
      %sub3A_232 = arith.constant 1.500000e+00 : f32
      %sub3A_233 = vector.broadcast %sub3A_232 : f32 to vector<16xf32>
      %sub3A_234 = arith.subf %sub3A_233, %mul3A_231 : vector<16xf32>
      %mul3A_235 = arith.mulf %mul3A_226, %sub3A_234 : vector<16xf32>
      %mul3A_236 = arith.constant 5.000000e-01 : f32
      %mul3A_237 = vector.broadcast %mul3A_236 : f32 to vector<16xf32>
      %mul3A_238 = arith.mulf %mul3A_237, %mul3A_211 : vector<16xf32>
      %mul3A_239 = arith.mulf %mul3A_238, %mul3A_235 : vector<16xf32>
      %mul3A_240 = arith.mulf %mul3A_239, %mul3A_235 : vector<16xf32>
      %sub3A_241 = arith.constant 1.500000e+00 : f32
      %sub3A_242 = vector.broadcast %sub3A_241 : f32 to vector<16xf32>
      %sub3A_243 = arith.subf %sub3A_242, %mul3A_240 : vector<16xf32>
      %mul3A_244 = arith.mulf %mul3A_235, %sub3A_243 : vector<16xf32>
      %mul3A_245 = arith.mulf %get3A_173, %get3A_173 : vector<16xf32>
      %add3A_246 = arith.constant 1.000000e+00 : f32
      %add3A_247 = vector.broadcast %add3A_246 : f32 to vector<16xf32>
      %add3A_248 = arith.addf %mul3A_245, %add3A_247 : vector<16xf32>
      %bitcast3A_249 = vector.bitcast %add3A_248 : vector<16xf32> to vector<16xi32>
      %shift_right_arithmetic3A_250 = arith.constant 1 : i32
      %shift_right_arithmetic3A_251 = vector.broadcast %shift_right_arithmetic3A_250 : i32 to vector<16xi32>
      %shift_right_arithmetic3A_252 = arith.shrsi %bitcast3A_249, %shift_right_arithmetic3A_251 : vector<16xi32>
      %sub3A_253 = arith.constant 1597463007 : i32
      %sub3A_254 = vector.broadcast %sub3A_253 : i32 to vector<16xi32>
      %sub3A_255 = arith.subi %sub3A_254, %shift_right_arithmetic3A_252 : vector<16xi32>
      %bitcast3A_256 = vector.bitcast %sub3A_255 : vector<16xi32> to vector<16xf32>
      %mul3A_257 = arith.constant 5.000000e-01 : f32
      %mul3A_258 = vector.broadcast %mul3A_257 : f32 to vector<16xf32>
      %mul3A_259 = arith.mulf %mul3A_258, %add3A_248 : vector<16xf32>
      %mul3A_260 = arith.mulf %mul3A_259, %bitcast3A_256 : vector<16xf32>
      %mul3A_261 = arith.mulf %mul3A_260, %bitcast3A_256 : vector<16xf32>
      %sub3A_262 = arith.constant 1.500000e+00 : f32
      %sub3A_263 = vector.broadcast %sub3A_262 : f32 to vector<16xf32>
      %sub3A_264 = arith.subf %sub3A_263, %mul3A_261 : vector<16xf32>
      %mul3A_265 = arith.mulf %bitcast3A_256, %sub3A_264 : vector<16xf32>
      %mul3A_266 = arith.constant 5.000000e-01 : f32
      %mul3A_267 = vector.broadcast %mul3A_266 : f32 to vector<16xf32>
      %mul3A_268 = arith.mulf %mul3A_267, %add3A_248 : vector<16xf32>
      %mul3A_269 = arith.mulf %mul3A_268, %mul3A_265 : vector<16xf32>
      %mul3A_270 = arith.mulf %mul3A_269, %mul3A_265 : vector<16xf32>
      %sub3A_271 = arith.constant 1.500000e+00 : f32
      %sub3A_272 = vector.broadcast %sub3A_271 : f32 to vector<16xf32>
      %sub3A_273 = arith.subf %sub3A_272, %mul3A_270 : vector<16xf32>
      %mul3A_274 = arith.mulf %mul3A_265, %sub3A_273 : vector<16xf32>
      %mul3A_275 = arith.constant 5.000000e-01 : f32
      %mul3A_276 = vector.broadcast %mul3A_275 : f32 to vector<16xf32>
      %mul3A_277 = arith.mulf %mul3A_276, %add3A_248 : vector<16xf32>
      %mul3A_278 = arith.mulf %mul3A_277, %mul3A_274 : vector<16xf32>
      %mul3A_279 = arith.mulf %mul3A_278, %mul3A_274 : vector<16xf32>
      %sub3A_280 = arith.constant 1.500000e+00 : f32
      %sub3A_281 = vector.broadcast %sub3A_280 : f32 to vector<16xf32>
      %sub3A_282 = arith.subf %sub3A_281, %mul3A_279 : vector<16xf32>
      %mul3A_283 = arith.mulf %mul3A_274, %sub3A_282 : vector<16xf32>
      %mul3A_284 = arith.mulf %select_n3A, %mul3A_283 : vector<16xf32>
      %sub3A_285 = arith.constant 1.000000e+00 : f32
      %sub3A_286 = vector.broadcast %sub3A_285 : f32 to vector<16xf32>
      %sub3A_287 = arith.subf %sub3A_286, %select_n3A : vector<16xf32>
      %mul3A_288 = arith.mulf %sub3A_287, %mul3A_244 : vector<16xf32>
      %add3A_289 = arith.addf %mul3A_284, %mul3A_288 : vector<16xf32>
      %mul3A_290 = arith.mulf %add3A_289, %add3A_289 : vector<16xf32>
      %mul3A_291 = arith.mulf %mul3A_290, %add3A_289 : vector<16xf32>
      %mul3A_292 = arith.mulf %get3A_175, %mul3A_244 : vector<16xf32>
      %mul3A_293 = arith.mulf %get3A_177, %mul3A_244 : vector<16xf32>
      %mul3A_294 = arith.mulf %get3A_179, %mul3A_244 : vector<16xf32>
      %mul3A_295 = arith.mulf %mul3A_292, %gather3A_184 : vector<16xf32>
      %mul3A_296 = arith.mulf %mul3A_293, %gather3A_185 : vector<16xf32>
      %add3A_297 = arith.addf %mul3A_295, %mul3A_296 : vector<16xf32>
      %mul3A_298 = arith.mulf %mul3A_294, %gather3A_186 : vector<16xf32>
      %add3A_299 = arith.addf %add3A_297, %mul3A_298 : vector<16xf32>
      %mul3A_300 = arith.mulf %mul3A_292, %gather3A_180 : vector<16xf32>
      %mul3A_301 = arith.mulf %mul3A_293, %gather3A_181 : vector<16xf32>
      %add3A_302 = arith.addf %mul3A_300, %mul3A_301 : vector<16xf32>
      %mul3A_303 = arith.mulf %mul3A_294, %gather3A_182 : vector<16xf32>
      %add3A_304 = arith.addf %add3A_302, %mul3A_303 : vector<16xf32>
      %mul3A_305 = arith.mulf %gather3A_180, %gather3A_184 : vector<16xf32>
      %mul3A_306 = arith.mulf %gather3A_181, %gather3A_185 : vector<16xf32>
      %add3A_307 = arith.addf %mul3A_305, %mul3A_306 : vector<16xf32>
      %mul3A_308 = arith.mulf %gather3A_182, %gather3A_186 : vector<16xf32>
      %add3A_309 = arith.addf %add3A_307, %mul3A_308 : vector<16xf32>
      %mul3A_310 = arith.mulf %gather3A, %gather3A_183 : vector<16xf32>
      %mul3A_311 = arith.mulf %mul3A_310, %add3A_289 : vector<16xf32>
      %mul3A_312 = arith.constant 2.000000e+00 : f32
      %mul3A_313 = vector.broadcast %mul3A_312 : f32 to vector<16xf32>
      %mul3A_314 = arith.mulf %mul3A_313, %gather3A : vector<16xf32>
      %mul3A_315 = arith.mulf %mul3A_314, %add3A_299 : vector<16xf32>
      %mul3A_316 = arith.mulf %mul3A_315, %mul3A_290 : vector<16xf32>
      %add3A_317 = arith.addf %mul3A_311, %mul3A_316 : vector<16xf32>
      %mul3A_318 = arith.constant 3.000000e+00 : f32
      %mul3A_319 = vector.broadcast %mul3A_318 : f32 to vector<16xf32>
      %mul3A_320 = arith.mulf %mul3A_319, %add3A_299 : vector<16xf32>
      %mul3A_321 = arith.mulf %mul3A_320, %add3A_304 : vector<16xf32>
      %sub3A_322 = arith.subf %add3A_309, %mul3A_321 : vector<16xf32>
      %mul3A_323 = arith.mulf %sub3A_322, %mul3A_291 : vector<16xf32>
      %add3A_324 = arith.addf %add3A_317, %mul3A_323 : vector<16xf32>
      %mul3A_325 = arith.constant 7.1998229 : f32
      %mul3A_326 = vector.broadcast %mul3A_325 : f32 to vector<16xf32>
      %mul3A_327 = arith.mulf %mul3A_326, %add3A_324 : vector<16xf32>
      %le3A = arith.constant 1.000000e+01 : f32
      %le3A_328 = vector.broadcast %le3A : f32 to vector<16xf32>
      %le3A_329 = arith.cmpf ole, %get3A_173, %le3A_328 : vector<16xf32>
      %broadcast_in_dim3A_330 = arith.constant 0.000000e+00 : f32
      %broadcast_in_dim3A_331 = vector.broadcast %broadcast_in_dim3A_330 : f32 to vector<16xf32>
      %select_n3A_332 = arith.select %le3A_329, %mul3A_327, %broadcast_in_dim3A_331 : vector<16xi1>, vector<16xf32>
      %swap3A = arith.index_cast %mul3A_160 : i32 to index
      %swap3A_333 = tpu.vector_load %arg30[%swap3A] {strides = array<i32>} : memref<2000xf32, #tpu.memory_space<vmem>>, vector<16xf32>,
      tpu.vector_store %arg30[%swap3A], %select_n3A_332 {strides = array<i32>} : memref<2000xf32, #tpu.memory_space<vmem>>, vector<16xf32>,
    }
    %scan3A_71 = arith.constant 125 : i32
    %dma_start3A_72 = tpu.memref_slice %arg9[%mul3A_65] : memref<6400000xf32, #tpu.memory_space<hbm>> -> memref<2000xf32, #tpu.memory_space<hbm>>
    %dma_start3A_73 = tpu.memref_slice %arg9[%mul3A_65] : memref<6400000xf32, #tpu.memory_space<hbm>> -> memref<2000xf32, #tpu.memory_space<hbm>>
    tpu.enqueue_dma source(%arg30 : memref<2000xf32, #tpu.memory_space<vmem>>) target(%dma_start3A_73 : memref<2000xf32, #tpu.memory_space<hbm>>) target_semaphore(%arg33 : memref<!tpu.dma_semaphore, #tpu.memory_space<semaphore_mem>>)
    %scan3A_74 = arith.constant 0 : i32
    %scan3A_75 = arith.constant 1 : i32
    %scan3A_76 = arith.constant 48 : i32
    %scan3A_77 = arith.addi %scan3A_75, %scan3A_76 : i32
    %scan3A_78 = arith.constant 1 : i32
    scf.for %scan3A_158 = %scan3A_75 to %scan3A_77 step %scan3A_78  : i32 {
      %mul3A_159 = arith.constant 2 : i32
      %mul3A_160 = arith.muli %mul3A_159, %scan3A_158 : i32
      %add3A_161 = arith.addi %mul3A_2, %mul3A_160 : i32
      %mul3A_162 = arith.constant 2000 : i32
      %mul3A_163 = arith.muli %add3A_161, %mul3A_162 : i32
      "tpu.region"() ({
        %run_scoped3A = tpu.sem_alloc : memref<!tpu.dma_semaphore, #tpu.memory_space<semaphore_mem>>
        %dma_start3A_240 = tpu.memref_slice %arg2[%mul3A_163] : memref<6400000xf32, #tpu.memory_space<hbm>> -> memref<2000xf32, #tpu.memory_space<hbm>>
        %dma_start3A_241 = tpu.memref_slice %arg2[%mul3A_163] : memref<6400000xf32, #tpu.memory_space<hbm>> -> memref<2000xf32, #tpu.memory_space<hbm>>
        tpu.enqueue_dma source(%dma_start3A_241 : memref<2000xf32, #tpu.memory_space<hbm>>) target(%arg14 : memref<2000xf32, #tpu.memory_space<vmem>>) target_semaphore(%run_scoped3A : memref<!tpu.dma_semaphore, #tpu.memory_space<semaphore_mem>>)
        %dma_wait3A_242 = tpu.memref_slice %arg2[%mul3A_163] : memref<6400000xf32, #tpu.memory_space<hbm>> -> memref<2000xf32, #tpu.memory_space<hbm>>
        %dma_wait3A_243 = tpu.memref_slice %arg2[%mul3A_163] : memref<6400000xf32, #tpu.memory_space<hbm>> -> memref<2000xf32, #tpu.memory_space<hbm>>
        tpu.wait_dma2 semaphore(%run_scoped3A : memref<!tpu.dma_semaphore, #tpu.memory_space<semaphore_mem>>) src(%dma_wait3A_243 : memref<2000xf32, #tpu.memory_space<hbm>>) dst(%arg14 : memref<2000xf32, #tpu.memory_space<vmem>>)
        tpu.yield
      }) : () -> ()
      "tpu.region"() ({
        %run_scoped3A = tpu.sem_alloc : memref<!tpu.dma_semaphore, #tpu.memory_space<semaphore_mem>>
        %dma_start3A_240 = tpu.memref_slice %arg3[%mul3A_163] : memref<6400000xf32, #tpu.memory_space<hbm>> -> memref<2000xf32, #tpu.memory_space<hbm>>
        %dma_start3A_241 = tpu.memref_slice %arg3[%mul3A_163] : memref<6400000xf32, #tpu.memory_space<hbm>> -> memref<2000xf32, #tpu.memory_space<hbm>>
        tpu.enqueue_dma source(%dma_start3A_241 : memref<2000xf32, #tpu.memory_space<hbm>>) target(%arg15 : memref<2000xf32, #tpu.memory_space<vmem>>) target_semaphore(%run_scoped3A : memref<!tpu.dma_semaphore, #tpu.memory_space<semaphore_mem>>)
        %dma_wait3A_242 = tpu.memref_slice %arg3[%mul3A_163] : memref<6400000xf32, #tpu.memory_space<hbm>> -> memref<2000xf32, #tpu.memory_space<hbm>>
        %dma_wait3A_243 = tpu.memref_slice %arg3[%mul3A_163] : memref<6400000xf32, #tpu.memory_space<hbm>> -> memref<2000xf32, #tpu.memory_space<hbm>>
        tpu.wait_dma2 semaphore(%run_scoped3A : memref<!tpu.dma_semaphore, #tpu.memory_space<semaphore_mem>>) src(%dma_wait3A_243 : memref<2000xf32, #tpu.memory_space<hbm>>) dst(%arg15 : memref<2000xf32, #tpu.memory_space<vmem>>)
        tpu.yield
      }) : () -> ()
      "tpu.region"() ({
        %run_scoped3A = tpu.sem_alloc : memref<!tpu.dma_semaphore, #tpu.memory_space<semaphore_mem>>
        %dma_start3A_240 = tpu.memref_slice %arg4[%mul3A_163] : memref<6400000xf32, #tpu.memory_space<hbm>> -> memref<2000xf32, #tpu.memory_space<hbm>>
        %dma_start3A_241 = tpu.memref_slice %arg4[%mul3A_163] : memref<6400000xf32, #tpu.memory_space<hbm>> -> memref<2000xf32, #tpu.memory_space<hbm>>
        tpu.enqueue_dma source(%dma_start3A_241 : memref<2000xf32, #tpu.memory_space<hbm>>) target(%arg16 : memref<2000xf32, #tpu.memory_space<vmem>>) target_semaphore(%run_scoped3A : memref<!tpu.dma_semaphore, #tpu.memory_space<semaphore_mem>>)
        %dma_wait3A_242 = tpu.memref_slice %arg4[%mul3A_163] : memref<6400000xf32, #tpu.memory_space<hbm>> -> memref<2000xf32, #tpu.memory_space<hbm>>
        %dma_wait3A_243 = tpu.memref_slice %arg4[%mul3A_163] : memref<6400000xf32, #tpu.memory_space<hbm>> -> memref<2000xf32, #tpu.memory_space<hbm>>
        tpu.wait_dma2 semaphore(%run_scoped3A : memref<!tpu.dma_semaphore, #tpu.memory_space<semaphore_mem>>) src(%dma_wait3A_243 : memref<2000xf32, #tpu.memory_space<hbm>>) dst(%arg16 : memref<2000xf32, #tpu.memory_space<vmem>>)
        tpu.yield
      }) : () -> ()
      "tpu.region"() ({
        %run_scoped3A = tpu.sem_alloc : memref<!tpu.dma_semaphore, #tpu.memory_space<semaphore_mem>>
        %dma_start3A_240 = tpu.memref_slice %arg5[%mul3A_163] : memref<6400000xf32, #tpu.memory_space<hbm>> -> memref<2000xf32, #tpu.memory_space<hbm>>
        %dma_start3A_241 = tpu.memref_slice %arg5[%mul3A_163] : memref<6400000xf32, #tpu.memory_space<hbm>> -> memref<2000xf32, #tpu.memory_space<hbm>>
        tpu.enqueue_dma source(%dma_start3A_241 : memref<2000xf32, #tpu.memory_space<hbm>>) target(%arg17 : memref<2000xf32, #tpu.memory_space<vmem>>) target_semaphore(%run_scoped3A : memref<!tpu.dma_semaphore, #tpu.memory_space<semaphore_mem>>)
        %dma_wait3A_242 = tpu.memref_slice %arg5[%mul3A_163] : memref<6400000xf32, #tpu.memory_space<hbm>> -> memref<2000xf32, #tpu.memory_space<hbm>>
        %dma_wait3A_243 = tpu.memref_slice %arg5[%mul3A_163] : memref<6400000xf32, #tpu.memory_space<hbm>> -> memref<2000xf32, #tpu.memory_space<hbm>>
        tpu.wait_dma2 semaphore(%run_scoped3A : memref<!tpu.dma_semaphore, #tpu.memory_space<semaphore_mem>>) src(%dma_wait3A_243 : memref<2000xf32, #tpu.memory_space<hbm>>) dst(%arg17 : memref<2000xf32, #tpu.memory_space<vmem>>)
        tpu.yield
      }) : () -> ()
      %dma_wait3A_164 = arith.constant 0 : i32
      %dma_wait3A_165 = arith.constant 0 : i32
      %dma_wait3A_166 = tpu.memref_slice %arg6[%dma_wait3A_164, %dma_wait3A_165] : memref<100000x4xf32, #tpu.memory_space<hbm>> -> memref<100000x4xf32, #tpu.memory_space<hbm>>
      tpu.wait_indirect_dma semaphore(%arg19 : memref<!tpu.dma_semaphore, #tpu.memory_space<semaphore_mem>>) src(%dma_wait3A_166 : memref<100000x4xf32, #tpu.memory_space<hbm>>) dst(%arg12 : memref<2000x4xf32, #tpu.memory_space<vmem>>)
      %dma_wait3A_167 = arith.constant 0 : i32
      %dma_wait3A_168 = arith.constant 0 : i32
      %dma_wait3A_169 = tpu.memref_slice %arg6[%dma_wait3A_167, %dma_wait3A_168] : memref<100000x4xf32, #tpu.memory_space<hbm>> -> memref<100000x4xf32, #tpu.memory_space<hbm>>
      tpu.wait_indirect_dma semaphore(%arg19 : memref<!tpu.dma_semaphore, #tpu.memory_space<semaphore_mem>>) src(%dma_wait3A_169 : memref<100000x4xf32, #tpu.memory_space<hbm>>) dst(%arg13 : memref<2000x4xf32, #tpu.memory_space<vmem>>)
      %sub3A = arith.constant 2 : i32
      %sub3A_170 = arith.subi %mul3A_160, %sub3A : i32
      %add3A_171 = arith.addi %mul3A_2, %sub3A_170 : i32
      %mul3A_172 = arith.constant 2000 : i32
      %mul3A_173 = arith.muli %add3A_171, %mul3A_172 : i32
      %dma_wait3A_174 = tpu.memref_slice %arg9[%mul3A_173] : memref<6400000xf32, #tpu.memory_space<hbm>> -> memref<2000xf32, #tpu.memory_space<hbm>>
      %dma_wait3A_175 = tpu.memref_slice %arg9[%mul3A_173] : memref<6400000xf32, #tpu.memory_space<hbm>> -> memref<2000xf32, #tpu.memory_space<hbm>>
      tpu.wait_dma2 semaphore(%arg21 : memref<!tpu.dma_semaphore, #tpu.memory_space<semaphore_mem>>) src(%arg18 : memref<2000xf32, #tpu.memory_space<vmem>>) dst(%dma_wait3A_175 : memref<2000xf32, #tpu.memory_space<hbm>>)
      %add3A_176 = arith.constant 1 : i32
      %add3A_177 = arith.addi %mul3A_160, %add3A_176 : i32
      %add3A_178 = arith.addi %mul3A_2, %add3A_177 : i32
      %mul3A_179 = arith.constant 2000 : i32
      %mul3A_180 = arith.muli %add3A_178, %mul3A_179 : i32
      "tpu.region"() ({
        %run_scoped3A = tpu.sem_alloc : memref<!tpu.dma_semaphore, #tpu.memory_space<semaphore_mem>>
        %dma_start3A_240 = tpu.memref_slice %arg7[%mul3A_180] : memref<6400000xi32, #tpu.memory_space<hbm>> -> memref<2000xi32, #tpu.memory_space<hbm>>
        %dma_start3A_241 = tpu.memref_slice %arg7[%mul3A_180] : memref<6400000xi32, #tpu.memory_space<hbm>> -> memref<2000xi32, #tpu.memory_space<hbm>>
        tpu.enqueue_dma source(%dma_start3A_241 : memref<2000xi32, #tpu.memory_space<hbm>>) target(%arg22 : memref<2000xi32, #tpu.memory_space<vmem>>) target_semaphore(%run_scoped3A : memref<!tpu.dma_semaphore, #tpu.memory_space<semaphore_mem>>)
        %dma_wait3A_242 = tpu.memref_slice %arg7[%mul3A_180] : memref<6400000xi32, #tpu.memory_space<hbm>> -> memref<2000xi32, #tpu.memory_space<hbm>>
        %dma_wait3A_243 = tpu.memref_slice %arg7[%mul3A_180] : memref<6400000xi32, #tpu.memory_space<hbm>> -> memref<2000xi32, #tpu.memory_space<hbm>>
        tpu.wait_dma2 semaphore(%run_scoped3A : memref<!tpu.dma_semaphore, #tpu.memory_space<semaphore_mem>>) src(%dma_wait3A_243 : memref<2000xi32, #tpu.memory_space<hbm>>) dst(%arg22 : memref<2000xi32, #tpu.memory_space<vmem>>)
        tpu.yield
      }) : () -> ()
      "tpu.region"() ({
        %run_scoped3A = tpu.sem_alloc : memref<!tpu.dma_semaphore, #tpu.memory_space<semaphore_mem>>
        %dma_start3A_240 = tpu.memref_slice %arg8[%mul3A_180] : memref<6400000xi32, #tpu.memory_space<hbm>> -> memref<2000xi32, #tpu.memory_space<hbm>>
        %dma_start3A_241 = tpu.memref_slice %arg8[%mul3A_180] : memref<6400000xi32, #tpu.memory_space<hbm>> -> memref<2000xi32, #tpu.memory_space<hbm>>
        tpu.enqueue_dma source(%dma_start3A_241 : memref<2000xi32, #tpu.memory_space<hbm>>) target(%arg23 : memref<2000xi32, #tpu.memory_space<vmem>>) target_semaphore(%run_scoped3A : memref<!tpu.dma_semaphore, #tpu.memory_space<semaphore_mem>>)
        %dma_wait3A_242 = tpu.memref_slice %arg8[%mul3A_180] : memref<6400000xi32, #tpu.memory_space<hbm>> -> memref<2000xi32, #tpu.memory_space<hbm>>
        %dma_wait3A_243 = tpu.memref_slice %arg8[%mul3A_180] : memref<6400000xi32, #tpu.memory_space<hbm>> -> memref<2000xi32, #tpu.memory_space<hbm>>
        tpu.wait_dma2 semaphore(%run_scoped3A : memref<!tpu.dma_semaphore, #tpu.memory_space<semaphore_mem>>) src(%dma_wait3A_243 : memref<2000xi32, #tpu.memory_space<hbm>>) dst(%arg23 : memref<2000xi32, #tpu.memory_space<vmem>>)
        tpu.yield
      }) : () -> ()
      %dma_start3A_181 = arith.constant 0 : i32
      %dma_start3A_182 = arith.constant 0 : i32
      %dma_start3A_183 = tpu.memref_slice %arg6[%dma_start3A_181, %dma_start3A_182] : memref<100000x4xf32, #tpu.memory_space<hbm>> -> memref<100000x4xf32, #tpu.memory_space<hbm>>
      tpu.enqueue_indirect_dma source(%dma_start3A_183 : memref<100000x4xf32, #tpu.memory_space<hbm>>) target(%arg24 : memref<2000x4xf32, #tpu.memory_space<vmem>>) offsets(%arg22 : memref<2000xi32, #tpu.memory_space<vmem>>) semaphore(%arg31 : memref<!tpu.dma_semaphore, #tpu.memory_space<semaphore_mem>>)
      %dma_start3A_184 = arith.constant 0 : i32
      %dma_start3A_185 = arith.constant 0 : i32
      %dma_start3A_186 = tpu.memref_slice %arg6[%dma_start3A_184, %dma_start3A_185] : memref<100000x4xf32, #tpu.memory_space<hbm>> -> memref<100000x4xf32, #tpu.memory_space<hbm>>
      tpu.enqueue_indirect_dma source(%dma_start3A_186 : memref<100000x4xf32, #tpu.memory_space<hbm>>) target(%arg25 : memref<2000x4xf32, #tpu.memory_space<vmem>>) offsets(%arg23 : memref<2000xi32, #tpu.memory_space<vmem>>) semaphore(%arg31 : memref<!tpu.dma_semaphore, #tpu.memory_space<semaphore_mem>>)
      %add3A_187 = arith.addi %mul3A_2, %mul3A_160 : i32
      %mul3A_188 = arith.constant 2000 : i32
      %mul3A_189 = arith.muli %add3A_187, %mul3A_188 : i32
      %scan3A_190 = arith.constant 0 : i32
      %scan3A_191 = arith.constant 0 : i32
      %scan3A_192 = arith.constant 125 : i32
      %scan3A_193 = arith.addi %scan3A_191, %scan3A_192 : i32
      %scan3A_194 = arith.constant 1 : i32
      scf.for %scan3A_240 = %scan3A_191 to %scan3A_193 step %scan3A_194  : i32 {
        %mul3A_241 = arith.constant 16 : i32
        %mul3A_242 = arith.muli %scan3A_240, %mul3A_241 : i32
        %iota3A = tpu.iota {dimensions = array<i32: 0>} : vector<16xi32>
        %add3A_243 = vector.broadcast %mul3A_242 : i32 to vector<16xi32>
        %add3A_244 = arith.addi %iota3A, %add3A_243 : vector<16xi32>
        %broadcast_in_dim3A = arith.constant 0 : i32
        %broadcast_in_dim3A_245 = vector.broadcast %broadcast_in_dim3A : i32 to vector<16xi32>
        %add3A_246 = arith.constant 1 : i32
        %add3A_247 = vector.broadcast %add3A_246 : i32 to vector<16xi32>
        %add3A_248 = arith.addi %broadcast_in_dim3A_245, %add3A_247 : vector<16xi32>
        %add3A_249 = arith.constant 2 : i32
        %add3A_250 = vector.broadcast %add3A_249 : i32 to vector<16xi32>
        %add3A_251 = arith.addi %broadcast_in_dim3A_245, %add3A_250 : vector<16xi32>
        %add3A_252 = arith.constant 3 : i32
        %add3A_253 = vector.broadcast %add3A_252 : i32 to vector<16xi32>
        %add3A_254 = arith.addi %broadcast_in_dim3A_245, %add3A_253 : vector<16xi32>
        %get3A = arith.index_cast %mul3A_242 : i32 to index
        %get3A_255 = tpu.vector_load %arg14[%get3A] {strides = array<i32>} : memref<2000xf32, #tpu.memory_space<vmem>>, vector<16xf32>,
        %get3A_256 = arith.index_cast %mul3A_242 : i32 to index
        %get3A_257 = tpu.vector_load %arg15[%get3A_256] {strides = array<i32>} : memref<2000xf32, #tpu.memory_space<vmem>>, vector<16xf32>,
        %get3A_258 = arith.index_cast %mul3A_242 : i32 to index
        %get3A_259 = tpu.vector_load %arg16[%get3A_258] {strides = array<i32>} : memref<2000xf32, #tpu.memory_space<vmem>>, vector<16xf32>,
        %get3A_260 = arith.index_cast %mul3A_242 : i32 to index
        %get3A_261 = tpu.vector_load %arg17[%get3A_260] {strides = array<i32>} : memref<2000xf32, #tpu.memory_space<vmem>>, vector<16xf32>,
        %gather3A = tpu.vector_load_idx %arg12[%add3A_244, %broadcast_in_dim3A_245] : memref<2000x4xf32, #tpu.memory_space<vmem>>[vector<16xi32>, vector<16xi32>], vector<16xf32>,
        %gather3A_262 = tpu.vector_load_idx %arg12[%add3A_244, %add3A_248] : memref<2000x4xf32, #tpu.memory_space<vmem>>[vector<16xi32>, vector<16xi32>], vector<16xf32>,
        %gather3A_263 = tpu.vector_load_idx %arg12[%add3A_244, %add3A_251] : memref<2000x4xf32, #tpu.memory_space<vmem>>[vector<16xi32>, vector<16xi32>], vector<16xf32>,
        %gather3A_264 = tpu.vector_load_idx %arg12[%add3A_244, %add3A_254] : memref<2000x4xf32, #tpu.memory_space<vmem>>[vector<16xi32>, vector<16xi32>], vector<16xf32>,
        %gather3A_265 = tpu.vector_load_idx %arg13[%add3A_244, %broadcast_in_dim3A_245] : memref<2000x4xf32, #tpu.memory_space<vmem>>[vector<16xi32>, vector<16xi32>], vector<16xf32>,
        %gather3A_266 = tpu.vector_load_idx %arg13[%add3A_244, %add3A_248] : memref<2000x4xf32, #tpu.memory_space<vmem>>[vector<16xi32>, vector<16xi32>], vector<16xf32>,
        %gather3A_267 = tpu.vector_load_idx %arg13[%add3A_244, %add3A_251] : memref<2000x4xf32, #tpu.memory_space<vmem>>[vector<16xi32>, vector<16xi32>], vector<16xf32>,
        %gather3A_268 = tpu.vector_load_idx %arg13[%add3A_244, %add3A_254] : memref<2000x4xf32, #tpu.memory_space<vmem>>[vector<16xi32>, vector<16xi32>], vector<16xf32>,
        %mul3A_269 = arith.constant 5.000000e-01 : f32
        %mul3A_270 = vector.broadcast %mul3A_269 : f32 to vector<16xf32>
        %mul3A_271 = arith.mulf %get3A_255, %mul3A_270 : vector<16xf32>
        %mul3A_272 = arith.mulf %mul3A_271, %mul3A_271 : vector<16xf32>
        %mul3A_273 = arith.mulf %mul3A_272, %mul3A_271 : vector<16xf32>
        %mul3A_274 = arith.mulf %mul3A_273, %mul3A_271 : vector<16xf32>
        %mul3A_275 = arith.mulf %mul3A_274, %mul3A_271 : vector<16xf32>
        %mul3A_276 = arith.constant 1.000000e+01 : f32
        %mul3A_277 = vector.broadcast %mul3A_276 : f32 to vector<16xf32>
        %mul3A_278 = arith.mulf %mul3A_277, %mul3A_273 : vector<16xf32>
        %sub3A_279 = arith.constant 1.000000e+00 : f32
        %sub3A_280 = vector.broadcast %sub3A_279 : f32 to vector<16xf32>
        %sub3A_281 = arith.subf %sub3A_280, %mul3A_278 : vector<16xf32>
        %mul3A_282 = arith.constant 1.500000e+01 : f32
        %mul3A_283 = vector.broadcast %mul3A_282 : f32 to vector<16xf32>
        %mul3A_284 = arith.mulf %mul3A_283, %mul3A_274 : vector<16xf32>
        %add3A_285 = arith.addf %sub3A_281, %mul3A_284 : vector<16xf32>
        %mul3A_286 = arith.constant 6.000000e+00 : f32
        %mul3A_287 = vector.broadcast %mul3A_286 : f32 to vector<16xf32>
        %mul3A_288 = arith.mulf %mul3A_287, %mul3A_275 : vector<16xf32>
        %sub3A_289 = arith.subf %add3A_285, %mul3A_288 : vector<16xf32>
        %lt3A = arith.constant 1.000000e+00 : f32
        %lt3A_290 = vector.broadcast %lt3A : f32 to vector<16xf32>
        %lt3A_291 = arith.cmpf olt, %mul3A_271, %lt3A_290 : vector<16xf32>
        %broadcast_in_dim3A_292 = arith.constant 0.000000e+00 : f32
        %broadcast_in_dim3A_293 = vector.broadcast %broadcast_in_dim3A_292 : f32 to vector<16xf32>
        %select_n3A = arith.select %lt3A_291, %sub3A_289, %broadcast_in_dim3A_293 : vector<16xi1>, vector<16xf32>
        %mul3A_294 = arith.mulf %get3A_255, %get3A_255 : vector<16xf32>
        %bitcast3A = vector.bitcast %mul3A_294 : vector<16xf32> to vector<16xi32>
        %shift_right_arithmetic3A = arith.constant 1 : i32
        %shift_right_arithmetic3A_295 = vector.broadcast %shift_right_arithmetic3A : i32 to vector<16xi32>
        %shift_right_arithmetic3A_296 = arith.shrsi %bitcast3A, %shift_right_arithmetic3A_295 : vector<16xi32>
        %sub3A_297 = arith.constant 1597463007 : i32
        %sub3A_298 = vector.broadcast %sub3A_297 : i32 to vector<16xi32>
        %sub3A_299 = arith.subi %sub3A_298, %shift_right_arithmetic3A_296 : vector<16xi32>
        %bitcast3A_300 = vector.bitcast %sub3A_299 : vector<16xi32> to vector<16xf32>
        %mul3A_301 = arith.constant 5.000000e-01 : f32
        %mul3A_302 = vector.broadcast %mul3A_301 : f32 to vector<16xf32>
        %mul3A_303 = arith.mulf %mul3A_302, %mul3A_294 : vector<16xf32>
        %mul3A_304 = arith.mulf %mul3A_303, %bitcast3A_300 : vector<16xf32>
        %mul3A_305 = arith.mulf %mul3A_304, %bitcast3A_300 : vector<16xf32>
        %sub3A_306 = arith.constant 1.500000e+00 : f32
        %sub3A_307 = vector.broadcast %sub3A_306 : f32 to vector<16xf32>
        %sub3A_308 = arith.subf %sub3A_307, %mul3A_305 : vector<16xf32>
        %mul3A_309 = arith.mulf %bitcast3A_300, %sub3A_308 : vector<16xf32>
        %mul3A_310 = arith.constant 5.000000e-01 : f32
        %mul3A_311 = vector.broadcast %mul3A_310 : f32 to vector<16xf32>
        %mul3A_312 = arith.mulf %mul3A_311, %mul3A_294 : vector<16xf32>
        %mul3A_313 = arith.mulf %mul3A_312, %mul3A_309 : vector<16xf32>
        %mul3A_314 = arith.mulf %mul3A_313, %mul3A_309 : vector<16xf32>
        %sub3A_315 = arith.constant 1.500000e+00 : f32
        %sub3A_316 = vector.broadcast %sub3A_315 : f32 to vector<16xf32>
        %sub3A_317 = arith.subf %sub3A_316, %mul3A_314 : vector<16xf32>
        %mul3A_318 = arith.mulf %mul3A_309, %sub3A_317 : vector<16xf32>
        %mul3A_319 = arith.constant 5.000000e-01 : f32
        %mul3A_320 = vector.broadcast %mul3A_319 : f32 to vector<16xf32>
        %mul3A_321 = arith.mulf %mul3A_320, %mul3A_294 : vector<16xf32>
        %mul3A_322 = arith.mulf %mul3A_321, %mul3A_318 : vector<16xf32>
        %mul3A_323 = arith.mulf %mul3A_322, %mul3A_318 : vector<16xf32>
        %sub3A_324 = arith.constant 1.500000e+00 : f32
        %sub3A_325 = vector.broadcast %sub3A_324 : f32 to vector<16xf32>
        %sub3A_326 = arith.subf %sub3A_325, %mul3A_323 : vector<16xf32>
        %mul3A_327 = arith.mulf %mul3A_318, %sub3A_326 : vector<16xf32>
        %mul3A_328 = arith.mulf %get3A_255, %get3A_255 : vector<16xf32>
        %add3A_329 = arith.constant 1.000000e+00 : f32
        %add3A_330 = vector.broadcast %add3A_329 : f32 to vector<16xf32>
        %add3A_331 = arith.addf %mul3A_328, %add3A_330 : vector<16xf32>
        %bitcast3A_332 = vector.bitcast %add3A_331 : vector<16xf32> to vector<16xi32>
        %shift_right_arithmetic3A_333 = arith.constant 1 : i32
        %shift_right_arithmetic3A_334 = vector.broadcast %shift_right_arithmetic3A_333 : i32 to vector<16xi32>
        %shift_right_arithmetic3A_335 = arith.shrsi %bitcast3A_332, %shift_right_arithmetic3A_334 : vector<16xi32>
        %sub3A_336 = arith.constant 1597463007 : i32
        %sub3A_337 = vector.broadcast %sub3A_336 : i32 to vector<16xi32>
        %sub3A_338 = arith.subi %sub3A_337, %shift_right_arithmetic3A_335 : vector<16xi32>
        %bitcast3A_339 = vector.bitcast %sub3A_338 : vector<16xi32> to vector<16xf32>
        %mul3A_340 = arith.constant 5.000000e-01 : f32
        %mul3A_341 = vector.broadcast %mul3A_340 : f32 to vector<16xf32>
        %mul3A_342 = arith.mulf %mul3A_341, %add3A_331 : vector<16xf32>
        %mul3A_343 = arith.mulf %mul3A_342, %bitcast3A_339 : vector<16xf32>
        %mul3A_344 = arith.mulf %mul3A_343, %bitcast3A_339 : vector<16xf32>
        %sub3A_345 = arith.constant 1.500000e+00 : f32
        %sub3A_346 = vector.broadcast %sub3A_345 : f32 to vector<16xf32>
        %sub3A_347 = arith.subf %sub3A_346, %mul3A_344 : vector<16xf32>
        %mul3A_348 = arith.mulf %bitcast3A_339, %sub3A_347 : vector<16xf32>
        %mul3A_349 = arith.constant 5.000000e-01 : f32
        %mul3A_350 = vector.broadcast %mul3A_349 : f32 to vector<16xf32>
        %mul3A_351 = arith.mulf %mul3A_350, %add3A_331 : vector<16xf32>
        %mul3A_352 = arith.mulf %mul3A_351, %mul3A_348 : vector<16xf32>
        %mul3A_353 = arith.mulf %mul3A_352, %mul3A_348 : vector<16xf32>
        %sub3A_354 = arith.constant 1.500000e+00 : f32
        %sub3A_355 = vector.broadcast %sub3A_354 : f32 to vector<16xf32>
        %sub3A_356 = arith.subf %sub3A_355, %mul3A_353 : vector<16xf32>
        %mul3A_357 = arith.mulf %mul3A_348, %sub3A_356 : vector<16xf32>
        %mul3A_358 = arith.constant 5.000000e-01 : f32
        %mul3A_359 = vector.broadcast %mul3A_358 : f32 to vector<16xf32>
        %mul3A_360 = arith.mulf %mul3A_359, %add3A_331 : vector<16xf32>
        %mul3A_361 = arith.mulf %mul3A_360, %mul3A_357 : vector<16xf32>
        %mul3A_362 = arith.mulf %mul3A_361, %mul3A_357 : vector<16xf32>
        %sub3A_363 = arith.constant 1.500000e+00 : f32
        %sub3A_364 = vector.broadcast %sub3A_363 : f32 to vector<16xf32>
        %sub3A_365 = arith.subf %sub3A_364, %mul3A_362 : vector<16xf32>
        %mul3A_366 = arith.mulf %mul3A_357, %sub3A_365 : vector<16xf32>
        %mul3A_367 = arith.mulf %select_n3A, %mul3A_366 : vector<16xf32>
        %sub3A_368 = arith.constant 1.000000e+00 : f32
        %sub3A_369 = vector.broadcast %sub3A_368 : f32 to vector<16xf32>
        %sub3A_370 = arith.subf %sub3A_369, %select_n3A : vector<16xf32>
        %mul3A_371 = arith.mulf %sub3A_370, %mul3A_327 : vector<16xf32>
        %add3A_372 = arith.addf %mul3A_367, %mul3A_371 : vector<16xf32>
        %mul3A_373 = arith.mulf %add3A_372, %add3A_372 : vector<16xf32>
        %mul3A_374 = arith.mulf %mul3A_373, %add3A_372 : vector<16xf32>
        %mul3A_375 = arith.mulf %get3A_257, %mul3A_327 : vector<16xf32>
        %mul3A_376 = arith.mulf %get3A_259, %mul3A_327 : vector<16xf32>
        %mul3A_377 = arith.mulf %get3A_261, %mul3A_327 : vector<16xf32>
        %mul3A_378 = arith.mulf %mul3A_375, %gather3A_266 : vector<16xf32>
        %mul3A_379 = arith.mulf %mul3A_376, %gather3A_267 : vector<16xf32>
        %add3A_380 = arith.addf %mul3A_378, %mul3A_379 : vector<16xf32>
        %mul3A_381 = arith.mulf %mul3A_377, %gather3A_268 : vector<16xf32>
        %add3A_382 = arith.addf %add3A_380, %mul3A_381 : vector<16xf32>
        %mul3A_383 = arith.mulf %mul3A_375, %gather3A_262 : vector<16xf32>
        %mul3A_384 = arith.mulf %mul3A_376, %gather3A_263 : vector<16xf32>
        %add3A_385 = arith.addf %mul3A_383, %mul3A_384 : vector<16xf32>
        %mul3A_386 = arith.mulf %mul3A_377, %gather3A_264 : vector<16xf32>
        %add3A_387 = arith.addf %add3A_385, %mul3A_386 : vector<16xf32>
        %mul3A_388 = arith.mulf %gather3A_262, %gather3A_266 : vector<16xf32>
        %mul3A_389 = arith.mulf %gather3A_263, %gather3A_267 : vector<16xf32>
        %add3A_390 = arith.addf %mul3A_388, %mul3A_389 : vector<16xf32>
        %mul3A_391 = arith.mulf %gather3A_264, %gather3A_268 : vector<16xf32>
        %add3A_392 = arith.addf %add3A_390, %mul3A_391 : vector<16xf32>
        %mul3A_393 = arith.mulf %gather3A, %gather3A_265 : vector<16xf32>
        %mul3A_394 = arith.mulf %mul3A_393, %add3A_372 : vector<16xf32>
        %mul3A_395 = arith.constant 2.000000e+00 : f32
        %mul3A_396 = vector.broadcast %mul3A_395 : f32 to vector<16xf32>
        %mul3A_397 = arith.mulf %mul3A_396, %gather3A : vector<16xf32>
        %mul3A_398 = arith.mulf %mul3A_397, %add3A_382 : vector<16xf32>
        %mul3A_399 = arith.mulf %mul3A_398, %mul3A_373 : vector<16xf32>
        %add3A_400 = arith.addf %mul3A_394, %mul3A_399 : vector<16xf32>
        %mul3A_401 = arith.constant 3.000000e+00 : f32
        %mul3A_402 = vector.broadcast %mul3A_401 : f32 to vector<16xf32>
        %mul3A_403 = arith.mulf %mul3A_402, %add3A_382 : vector<16xf32>
        %mul3A_404 = arith.mulf %mul3A_403, %add3A_387 : vector<16xf32>
        %sub3A_405 = arith.subf %add3A_392, %mul3A_404 : vector<16xf32>
        %mul3A_406 = arith.mulf %sub3A_405, %mul3A_374 : vector<16xf32>
        %add3A_407 = arith.addf %add3A_400, %mul3A_406 : vector<16xf32>
        %mul3A_408 = arith.constant 7.1998229 : f32
        %mul3A_409 = vector.broadcast %mul3A_408 : f32 to vector<16xf32>
        %mul3A_410 = arith.mulf %mul3A_409, %add3A_407 : vector<16xf32>
        %le3A = arith.constant 1.000000e+01 : f32
        %le3A_411 = vector.broadcast %le3A : f32 to vector<16xf32>
        %le3A_412 = arith.cmpf ole, %get3A_255, %le3A_411 : vector<16xf32>
        %broadcast_in_dim3A_413 = arith.constant 0.000000e+00 : f32
        %broadcast_in_dim3A_414 = vector.broadcast %broadcast_in_dim3A_413 : f32 to vector<16xf32>
        %select_n3A_415 = arith.select %le3A_412, %mul3A_410, %broadcast_in_dim3A_414 : vector<16xi1>, vector<16xf32>
        %swap3A = arith.index_cast %mul3A_242 : i32 to index
        %swap3A_416 = tpu.vector_load %arg18[%swap3A] {strides = array<i32>} : memref<2000xf32, #tpu.memory_space<vmem>>, vector<16xf32>,
        tpu.vector_store %arg18[%swap3A], %select_n3A_415 {strides = array<i32>} : memref<2000xf32, #tpu.memory_space<vmem>>, vector<16xf32>,
      }
      %scan3A_195 = arith.constant 125 : i32
      %dma_start3A_196 = tpu.memref_slice %arg9[%mul3A_189] : memref<6400000xf32, #tpu.memory_space<hbm>> -> memref<2000xf32, #tpu.memory_space<hbm>>
      %dma_start3A_197 = tpu.memref_slice %arg9[%mul3A_189] : memref<6400000xf32, #tpu.memory_space<hbm>> -> memref<2000xf32, #tpu.memory_space<hbm>>
      tpu.enqueue_dma source(%arg18 : memref<2000xf32, #tpu.memory_space<vmem>>) target(%dma_start3A_197 : memref<2000xf32, #tpu.memory_space<hbm>>) target_semaphore(%arg21 : memref<!tpu.dma_semaphore, #tpu.memory_space<semaphore_mem>>)
      %add3A_198 = arith.constant 1 : i32
      %add3A_199 = arith.addi %mul3A_160, %add3A_198 : i32
      %add3A_200 = arith.addi %mul3A_2, %add3A_199 : i32
      %mul3A_201 = arith.constant 2000 : i32
      %mul3A_202 = arith.muli %add3A_200, %mul3A_201 : i32
      "tpu.region"() ({
        %run_scoped3A = tpu.sem_alloc : memref<!tpu.dma_semaphore, #tpu.memory_space<semaphore_mem>>
        %dma_start3A_240 = tpu.memref_slice %arg2[%mul3A_202] : memref<6400000xf32, #tpu.memory_space<hbm>> -> memref<2000xf32, #tpu.memory_space<hbm>>
        %dma_start3A_241 = tpu.memref_slice %arg2[%mul3A_202] : memref<6400000xf32, #tpu.memory_space<hbm>> -> memref<2000xf32, #tpu.memory_space<hbm>>
        tpu.enqueue_dma source(%dma_start3A_241 : memref<2000xf32, #tpu.memory_space<hbm>>) target(%arg26 : memref<2000xf32, #tpu.memory_space<vmem>>) target_semaphore(%run_scoped3A : memref<!tpu.dma_semaphore, #tpu.memory_space<semaphore_mem>>)
        %dma_wait3A_242 = tpu.memref_slice %arg2[%mul3A_202] : memref<6400000xf32, #tpu.memory_space<hbm>> -> memref<2000xf32, #tpu.memory_space<hbm>>
        %dma_wait3A_243 = tpu.memref_slice %arg2[%mul3A_202] : memref<6400000xf32, #tpu.memory_space<hbm>> -> memref<2000xf32, #tpu.memory_space<hbm>>
        tpu.wait_dma2 semaphore(%run_scoped3A : memref<!tpu.dma_semaphore, #tpu.memory_space<semaphore_mem>>) src(%dma_wait3A_243 : memref<2000xf32, #tpu.memory_space<hbm>>) dst(%arg26 : memref<2000xf32, #tpu.memory_space<vmem>>)
        tpu.yield
      }) : () -> ()
      "tpu.region"() ({
        %run_scoped3A = tpu.sem_alloc : memref<!tpu.dma_semaphore, #tpu.memory_space<semaphore_mem>>
        %dma_start3A_240 = tpu.memref_slice %arg3[%mul3A_202] : memref<6400000xf32, #tpu.memory_space<hbm>> -> memref<2000xf32, #tpu.memory_space<hbm>>
        %dma_start3A_241 = tpu.memref_slice %arg3[%mul3A_202] : memref<6400000xf32, #tpu.memory_space<hbm>> -> memref<2000xf32, #tpu.memory_space<hbm>>
        tpu.enqueue_dma source(%dma_start3A_241 : memref<2000xf32, #tpu.memory_space<hbm>>) target(%arg27 : memref<2000xf32, #tpu.memory_space<vmem>>) target_semaphore(%run_scoped3A : memref<!tpu.dma_semaphore, #tpu.memory_space<semaphore_mem>>)
        %dma_wait3A_242 = tpu.memref_slice %arg3[%mul3A_202] : memref<6400000xf32, #tpu.memory_space<hbm>> -> memref<2000xf32, #tpu.memory_space<hbm>>
        %dma_wait3A_243 = tpu.memref_slice %arg3[%mul3A_202] : memref<6400000xf32, #tpu.memory_space<hbm>> -> memref<2000xf32, #tpu.memory_space<hbm>>
        tpu.wait_dma2 semaphore(%run_scoped3A : memref<!tpu.dma_semaphore, #tpu.memory_space<semaphore_mem>>) src(%dma_wait3A_243 : memref<2000xf32, #tpu.memory_space<hbm>>) dst(%arg27 : memref<2000xf32, #tpu.memory_space<vmem>>)
        tpu.yield
      }) : () -> ()
      "tpu.region"() ({
        %run_scoped3A = tpu.sem_alloc : memref<!tpu.dma_semaphore, #tpu.memory_space<semaphore_mem>>
        %dma_start3A_240 = tpu.memref_slice %arg4[%mul3A_202] : memref<6400000xf32, #tpu.memory_space<hbm>> -> memref<2000xf32, #tpu.memory_space<hbm>>
        %dma_start3A_241 = tpu.memref_slice %arg4[%mul3A_202] : memref<6400000xf32, #tpu.memory_space<hbm>> -> memref<2000xf32, #tpu.memory_space<hbm>>
        tpu.enqueue_dma source(%dma_start3A_241 : memref<2000xf32, #tpu.memory_space<hbm>>) target(%arg28 : memref<2000xf32, #tpu.memory_space<vmem>>) target_semaphore(%run_scoped3A : memref<!tpu.dma_semaphore, #tpu.memory_space<semaphore_mem>>)
        %dma_wait3A_242 = tpu.memref_slice %arg4[%mul3A_202] : memref<6400000xf32, #tpu.memory_space<hbm>> -> memref<2000xf32, #tpu.memory_space<hbm>>
        %dma_wait3A_243 = tpu.memref_slice %arg4[%mul3A_202] : memref<6400000xf32, #tpu.memory_space<hbm>> -> memref<2000xf32, #tpu.memory_space<hbm>>
        tpu.wait_dma2 semaphore(%run_scoped3A : memref<!tpu.dma_semaphore, #tpu.memory_space<semaphore_mem>>) src(%dma_wait3A_243 : memref<2000xf32, #tpu.memory_space<hbm>>) dst(%arg28 : memref<2000xf32, #tpu.memory_space<vmem>>)
        tpu.yield
      }) : () -> ()
      "tpu.region"() ({
        %run_scoped3A = tpu.sem_alloc : memref<!tpu.dma_semaphore, #tpu.memory_space<semaphore_mem>>
        %dma_start3A_240 = tpu.memref_slice %arg5[%mul3A_202] : memref<6400000xf32, #tpu.memory_space<hbm>> -> memref<2000xf32, #tpu.memory_space<hbm>>
        %dma_start3A_241 = tpu.memref_slice %arg5[%mul3A_202] : memref<6400000xf32, #tpu.memory_space<hbm>> -> memref<2000xf32, #tpu.memory_space<hbm>>
        tpu.enqueue_dma source(%dma_start3A_241 : memref<2000xf32, #tpu.memory_space<hbm>>) target(%arg29 : memref<2000xf32, #tpu.memory_space<vmem>>) target_semaphore(%run_scoped3A : memref<!tpu.dma_semaphore, #tpu.memory_space<semaphore_mem>>)
        %dma_wait3A_242 = tpu.memref_slice %arg5[%mul3A_202] : memref<6400000xf32, #tpu.memory_space<hbm>> -> memref<2000xf32, #tpu.memory_space<hbm>>
        %dma_wait3A_243 = tpu.memref_slice %arg5[%mul3A_202] : memref<6400000xf32, #tpu.memory_space<hbm>> -> memref<2000xf32, #tpu.memory_space<hbm>>
        tpu.wait_dma2 semaphore(%run_scoped3A : memref<!tpu.dma_semaphore, #tpu.memory_space<semaphore_mem>>) src(%dma_wait3A_243 : memref<2000xf32, #tpu.memory_space<hbm>>) dst(%arg29 : memref<2000xf32, #tpu.memory_space<vmem>>)
        tpu.yield
      }) : () -> ()
      %dma_wait3A_203 = arith.constant 0 : i32
      %dma_wait3A_204 = arith.constant 0 : i32
      %dma_wait3A_205 = tpu.memref_slice %arg6[%dma_wait3A_203, %dma_wait3A_204] : memref<100000x4xf32, #tpu.memory_space<hbm>> -> memref<100000x4xf32, #tpu.memory_space<hbm>>
      tpu.wait_indirect_dma semaphore(%arg31 : memref<!tpu.dma_semaphore, #tpu.memory_space<semaphore_mem>>) src(%dma_wait3A_205 : memref<100000x4xf32, #tpu.memory_space<hbm>>) dst(%arg24 : memref<2000x4xf32, #tpu.memory_space<vmem>>)
      %dma_wait3A_206 = arith.constant 0 : i32
      %dma_wait3A_207 = arith.constant 0 : i32
      %dma_wait3A_208 = tpu.memref_slice %arg6[%dma_wait3A_206, %dma_wait3A_207] : memref<100000x4xf32, #tpu.memory_space<hbm>> -> memref<100000x4xf32, #tpu.memory_space<hbm>>
      tpu.wait_indirect_dma semaphore(%arg31 : memref<!tpu.dma_semaphore, #tpu.memory_space<semaphore_mem>>) src(%dma_wait3A_208 : memref<100000x4xf32, #tpu.memory_space<hbm>>) dst(%arg25 : memref<2000x4xf32, #tpu.memory_space<vmem>>)
      %sub3A_209 = arith.constant 1 : i32
      %sub3A_210 = arith.subi %mul3A_160, %sub3A_209 : i32
      %add3A_211 = arith.addi %mul3A_2, %sub3A_210 : i32
      %mul3A_212 = arith.constant 2000 : i32
      %mul3A_213 = arith.muli %add3A_211, %mul3A_212 : i32
      %dma_wait3A_214 = tpu.memref_slice %arg9[%mul3A_213] : memref<6400000xf32, #tpu.memory_space<hbm>> -> memref<2000xf32, #tpu.memory_space<hbm>>
      %dma_wait3A_215 = tpu.memref_slice %arg9[%mul3A_213] : memref<6400000xf32, #tpu.memory_space<hbm>> -> memref<2000xf32, #tpu.memory_space<hbm>>
      tpu.wait_dma2 semaphore(%arg33 : memref<!tpu.dma_semaphore, #tpu.memory_space<semaphore_mem>>) src(%arg30 : memref<2000xf32, #tpu.memory_space<vmem>>) dst(%dma_wait3A_215 : memref<2000xf32, #tpu.memory_space<hbm>>)
      %add3A_216 = arith.constant 2 : i32
      %add3A_217 = arith.addi %mul3A_160, %add3A_216 : i32
      %add3A_218 = arith.addi %mul3A_2, %add3A_217 : i32
      %mul3A_219 = arith.constant 2000 : i32
      %mul3A_220 = arith.muli %add3A_218, %mul3A_219 : i32
      "tpu.region"() ({
        %run_scoped3A = tpu.sem_alloc : memref<!tpu.dma_semaphore, #tpu.memory_space<semaphore_mem>>
        %dma_start3A_240 = tpu.memref_slice %arg7[%mul3A_220] : memref<6400000xi32, #tpu.memory_space<hbm>> -> memref<2000xi32, #tpu.memory_space<hbm>>
        %dma_start3A_241 = tpu.memref_slice %arg7[%mul3A_220] : memref<6400000xi32, #tpu.memory_space<hbm>> -> memref<2000xi32, #tpu.memory_space<hbm>>
        tpu.enqueue_dma source(%dma_start3A_241 : memref<2000xi32, #tpu.memory_space<hbm>>) target(%arg10 : memref<2000xi32, #tpu.memory_space<vmem>>) target_semaphore(%run_scoped3A : memref<!tpu.dma_semaphore, #tpu.memory_space<semaphore_mem>>)
        %dma_wait3A_242 = tpu.memref_slice %arg7[%mul3A_220] : memref<6400000xi32, #tpu.memory_space<hbm>> -> memref<2000xi32, #tpu.memory_space<hbm>>
        %dma_wait3A_243 = tpu.memref_slice %arg7[%mul3A_220] : memref<6400000xi32, #tpu.memory_space<hbm>> -> memref<2000xi32, #tpu.memory_space<hbm>>
        tpu.wait_dma2 semaphore(%run_scoped3A : memref<!tpu.dma_semaphore, #tpu.memory_space<semaphore_mem>>) src(%dma_wait3A_243 : memref<2000xi32, #tpu.memory_space<hbm>>) dst(%arg10 : memref<2000xi32, #tpu.memory_space<vmem>>)
        tpu.yield
      }) : () -> ()
      "tpu.region"() ({
        %run_scoped3A = tpu.sem_alloc : memref<!tpu.dma_semaphore, #tpu.memory_space<semaphore_mem>>
        %dma_start3A_240 = tpu.memref_slice %arg8[%mul3A_220] : memref<6400000xi32, #tpu.memory_space<hbm>> -> memref<2000xi32, #tpu.memory_space<hbm>>
        %dma_start3A_241 = tpu.memref_slice %arg8[%mul3A_220] : memref<6400000xi32, #tpu.memory_space<hbm>> -> memref<2000xi32, #tpu.memory_space<hbm>>
        tpu.enqueue_dma source(%dma_start3A_241 : memref<2000xi32, #tpu.memory_space<hbm>>) target(%arg11 : memref<2000xi32, #tpu.memory_space<vmem>>) target_semaphore(%run_scoped3A : memref<!tpu.dma_semaphore, #tpu.memory_space<semaphore_mem>>)
        %dma_wait3A_242 = tpu.memref_slice %arg8[%mul3A_220] : memref<6400000xi32, #tpu.memory_space<hbm>> -> memref<2000xi32, #tpu.memory_space<hbm>>
        %dma_wait3A_243 = tpu.memref_slice %arg8[%mul3A_220] : memref<6400000xi32, #tpu.memory_space<hbm>> -> memref<2000xi32, #tpu.memory_space<hbm>>
        tpu.wait_dma2 semaphore(%run_scoped3A : memref<!tpu.dma_semaphore, #tpu.memory_space<semaphore_mem>>) src(%dma_wait3A_243 : memref<2000xi32, #tpu.memory_space<hbm>>) dst(%arg11 : memref<2000xi32, #tpu.memory_space<vmem>>)
        tpu.yield
      }) : () -> ()
      %dma_start3A_221 = arith.constant 0 : i32
      %dma_start3A_222 = arith.constant 0 : i32
      %dma_start3A_223 = tpu.memref_slice %arg6[%dma_start3A_221, %dma_start3A_222] : memref<100000x4xf32, #tpu.memory_space<hbm>> -> memref<100000x4xf32, #tpu.memory_space<hbm>>
      tpu.enqueue_indirect_dma source(%dma_start3A_223 : memref<100000x4xf32, #tpu.memory_space<hbm>>) target(%arg12 : memref<2000x4xf32, #tpu.memory_space<vmem>>) offsets(%arg10 : memref<2000xi32, #tpu.memory_space<vmem>>) semaphore(%arg19 : memref<!tpu.dma_semaphore, #tpu.memory_space<semaphore_mem>>)
      %dma_start3A_224 = arith.constant 0 : i32
      %dma_start3A_225 = arith.constant 0 : i32
      %dma_start3A_226 = tpu.memref_slice %arg6[%dma_start3A_224, %dma_start3A_225] : memref<100000x4xf32, #tpu.memory_space<hbm>> -> memref<100000x4xf32, #tpu.memory_space<hbm>>
      tpu.enqueue_indirect_dma source(%dma_start3A_226 : memref<100000x4xf32, #tpu.memory_space<hbm>>) target(%arg13 : memref<2000x4xf32, #tpu.memory_space<vmem>>) offsets(%arg11 : memref<2000xi32, #tpu.memory_space<vmem>>) semaphore(%arg19 : memref<!tpu.dma_semaphore, #tpu.memory_space<semaphore_mem>>)
      %add3A_227 = arith.constant 1 : i32
      %add3A_228 = arith.addi %mul3A_160, %add3A_227 : i32
      %add3A_229 = arith.addi %mul3A_2, %add3A_228 : i32
      %mul3A_230 = arith.constant 2000 : i32
      %mul3A_231 = arith.muli %add3A_229, %mul3A_230 : i32
      %scan3A_232 = arith.constant 0 : i32
      %scan3A_233 = arith.constant 0 : i32
      %scan3A_234 = arith.constant 125 : i32
      %scan3A_235 = arith.addi %scan3A_233, %scan3A_234 : i32
      %scan3A_236 = arith.constant 1 : i32
      scf.for %scan3A_240 = %scan3A_233 to %scan3A_235 step %scan3A_236  : i32 {
        %mul3A_241 = arith.constant 16 : i32
        %mul3A_242 = arith.muli %scan3A_240, %mul3A_241 : i32
        %iota3A = tpu.iota {dimensions = array<i32: 0>} : vector<16xi32>
        %add3A_243 = vector.broadcast %mul3A_242 : i32 to vector<16xi32>
        %add3A_244 = arith.addi %iota3A, %add3A_243 : vector<16xi32>
        %broadcast_in_dim3A = arith.constant 0 : i32
        %broadcast_in_dim3A_245 = vector.broadcast %broadcast_in_dim3A : i32 to vector<16xi32>
        %add3A_246 = arith.constant 1 : i32
        %add3A_247 = vector.broadcast %add3A_246 : i32 to vector<16xi32>
        %add3A_248 = arith.addi %broadcast_in_dim3A_245, %add3A_247 : vector<16xi32>
        %add3A_249 = arith.constant 2 : i32
        %add3A_250 = vector.broadcast %add3A_249 : i32 to vector<16xi32>
        %add3A_251 = arith.addi %broadcast_in_dim3A_245, %add3A_250 : vector<16xi32>
        %add3A_252 = arith.constant 3 : i32
        %add3A_253 = vector.broadcast %add3A_252 : i32 to vector<16xi32>
        %add3A_254 = arith.addi %broadcast_in_dim3A_245, %add3A_253 : vector<16xi32>
        %get3A = arith.index_cast %mul3A_242 : i32 to index
        %get3A_255 = tpu.vector_load %arg26[%get3A] {strides = array<i32>} : memref<2000xf32, #tpu.memory_space<vmem>>, vector<16xf32>,
        %get3A_256 = arith.index_cast %mul3A_242 : i32 to index
        %get3A_257 = tpu.vector_load %arg27[%get3A_256] {strides = array<i32>} : memref<2000xf32, #tpu.memory_space<vmem>>, vector<16xf32>,
        %get3A_258 = arith.index_cast %mul3A_242 : i32 to index
        %get3A_259 = tpu.vector_load %arg28[%get3A_258] {strides = array<i32>} : memref<2000xf32, #tpu.memory_space<vmem>>, vector<16xf32>,
        %get3A_260 = arith.index_cast %mul3A_242 : i32 to index
        %get3A_261 = tpu.vector_load %arg29[%get3A_260] {strides = array<i32>} : memref<2000xf32, #tpu.memory_space<vmem>>, vector<16xf32>,
        %gather3A = tpu.vector_load_idx %arg24[%add3A_244, %broadcast_in_dim3A_245] : memref<2000x4xf32, #tpu.memory_space<vmem>>[vector<16xi32>, vector<16xi32>], vector<16xf32>,
        %gather3A_262 = tpu.vector_load_idx %arg24[%add3A_244, %add3A_248] : memref<2000x4xf32, #tpu.memory_space<vmem>>[vector<16xi32>, vector<16xi32>], vector<16xf32>,
        %gather3A_263 = tpu.vector_load_idx %arg24[%add3A_244, %add3A_251] : memref<2000x4xf32, #tpu.memory_space<vmem>>[vector<16xi32>, vector<16xi32>], vector<16xf32>,
        %gather3A_264 = tpu.vector_load_idx %arg24[%add3A_244, %add3A_254] : memref<2000x4xf32, #tpu.memory_space<vmem>>[vector<16xi32>, vector<16xi32>], vector<16xf32>,
        %gather3A_265 = tpu.vector_load_idx %arg25[%add3A_244, %broadcast_in_dim3A_245] : memref<2000x4xf32, #tpu.memory_space<vmem>>[vector<16xi32>, vector<16xi32>], vector<16xf32>,
        %gather3A_266 = tpu.vector_load_idx %arg25[%add3A_244, %add3A_248] : memref<2000x4xf32, #tpu.memory_space<vmem>>[vector<16xi32>, vector<16xi32>], vector<16xf32>,
        %gather3A_267 = tpu.vector_load_idx %arg25[%add3A_244, %add3A_251] : memref<2000x4xf32, #tpu.memory_space<vmem>>[vector<16xi32>, vector<16xi32>], vector<16xf32>,
        %gather3A_268 = tpu.vector_load_idx %arg25[%add3A_244, %add3A_254] : memref<2000x4xf32, #tpu.memory_space<vmem>>[vector<16xi32>, vector<16xi32>], vector<16xf32>,
        %mul3A_269 = arith.constant 5.000000e-01 : f32
        %mul3A_270 = vector.broadcast %mul3A_269 : f32 to vector<16xf32>
        %mul3A_271 = arith.mulf %get3A_255, %mul3A_270 : vector<16xf32>
        %mul3A_272 = arith.mulf %mul3A_271, %mul3A_271 : vector<16xf32>
        %mul3A_273 = arith.mulf %mul3A_272, %mul3A_271 : vector<16xf32>
        %mul3A_274 = arith.mulf %mul3A_273, %mul3A_271 : vector<16xf32>
        %mul3A_275 = arith.mulf %mul3A_274, %mul3A_271 : vector<16xf32>
        %mul3A_276 = arith.constant 1.000000e+01 : f32
        %mul3A_277 = vector.broadcast %mul3A_276 : f32 to vector<16xf32>
        %mul3A_278 = arith.mulf %mul3A_277, %mul3A_273 : vector<16xf32>
        %sub3A_279 = arith.constant 1.000000e+00 : f32
        %sub3A_280 = vector.broadcast %sub3A_279 : f32 to vector<16xf32>
        %sub3A_281 = arith.subf %sub3A_280, %mul3A_278 : vector<16xf32>
        %mul3A_282 = arith.constant 1.500000e+01 : f32
        %mul3A_283 = vector.broadcast %mul3A_282 : f32 to vector<16xf32>
        %mul3A_284 = arith.mulf %mul3A_283, %mul3A_274 : vector<16xf32>
        %add3A_285 = arith.addf %sub3A_281, %mul3A_284 : vector<16xf32>
        %mul3A_286 = arith.constant 6.000000e+00 : f32
        %mul3A_287 = vector.broadcast %mul3A_286 : f32 to vector<16xf32>
        %mul3A_288 = arith.mulf %mul3A_287, %mul3A_275 : vector<16xf32>
        %sub3A_289 = arith.subf %add3A_285, %mul3A_288 : vector<16xf32>
        %lt3A = arith.constant 1.000000e+00 : f32
        %lt3A_290 = vector.broadcast %lt3A : f32 to vector<16xf32>
        %lt3A_291 = arith.cmpf olt, %mul3A_271, %lt3A_290 : vector<16xf32>
        %broadcast_in_dim3A_292 = arith.constant 0.000000e+00 : f32
        %broadcast_in_dim3A_293 = vector.broadcast %broadcast_in_dim3A_292 : f32 to vector<16xf32>
        %select_n3A = arith.select %lt3A_291, %sub3A_289, %broadcast_in_dim3A_293 : vector<16xi1>, vector<16xf32>
        %mul3A_294 = arith.mulf %get3A_255, %get3A_255 : vector<16xf32>
        %bitcast3A = vector.bitcast %mul3A_294 : vector<16xf32> to vector<16xi32>
        %shift_right_arithmetic3A = arith.constant 1 : i32
        %shift_right_arithmetic3A_295 = vector.broadcast %shift_right_arithmetic3A : i32 to vector<16xi32>
        %shift_right_arithmetic3A_296 = arith.shrsi %bitcast3A, %shift_right_arithmetic3A_295 : vector<16xi32>
        %sub3A_297 = arith.constant 1597463007 : i32
        %sub3A_298 = vector.broadcast %sub3A_297 : i32 to vector<16xi32>
        %sub3A_299 = arith.subi %sub3A_298, %shift_right_arithmetic3A_296 : vector<16xi32>
        %bitcast3A_300 = vector.bitcast %sub3A_299 : vector<16xi32> to vector<16xf32>
        %mul3A_301 = arith.constant 5.000000e-01 : f32
        %mul3A_302 = vector.broadcast %mul3A_301 : f32 to vector<16xf32>
        %mul3A_303 = arith.mulf %mul3A_302, %mul3A_294 : vector<16xf32>
        %mul3A_304 = arith.mulf %mul3A_303, %bitcast3A_300 : vector<16xf32>
        %mul3A_305 = arith.mulf %mul3A_304, %bitcast3A_300 : vector<16xf32>
        %sub3A_306 = arith.constant 1.500000e+00 : f32
        %sub3A_307 = vector.broadcast %sub3A_306 : f32 to vector<16xf32>
        %sub3A_308 = arith.subf %sub3A_307, %mul3A_305 : vector<16xf32>
        %mul3A_309 = arith.mulf %bitcast3A_300, %sub3A_308 : vector<16xf32>
        %mul3A_310 = arith.constant 5.000000e-01 : f32
        %mul3A_311 = vector.broadcast %mul3A_310 : f32 to vector<16xf32>
        %mul3A_312 = arith.mulf %mul3A_311, %mul3A_294 : vector<16xf32>
        %mul3A_313 = arith.mulf %mul3A_312, %mul3A_309 : vector<16xf32>
        %mul3A_314 = arith.mulf %mul3A_313, %mul3A_309 : vector<16xf32>
        %sub3A_315 = arith.constant 1.500000e+00 : f32
        %sub3A_316 = vector.broadcast %sub3A_315 : f32 to vector<16xf32>
        %sub3A_317 = arith.subf %sub3A_316, %mul3A_314 : vector<16xf32>
        %mul3A_318 = arith.mulf %mul3A_309, %sub3A_317 : vector<16xf32>
        %mul3A_319 = arith.constant 5.000000e-01 : f32
        %mul3A_320 = vector.broadcast %mul3A_319 : f32 to vector<16xf32>
        %mul3A_321 = arith.mulf %mul3A_320, %mul3A_294 : vector<16xf32>
        %mul3A_322 = arith.mulf %mul3A_321, %mul3A_318 : vector<16xf32>
        %mul3A_323 = arith.mulf %mul3A_322, %mul3A_318 : vector<16xf32>
        %sub3A_324 = arith.constant 1.500000e+00 : f32
        %sub3A_325 = vector.broadcast %sub3A_324 : f32 to vector<16xf32>
        %sub3A_326 = arith.subf %sub3A_325, %mul3A_323 : vector<16xf32>
        %mul3A_327 = arith.mulf %mul3A_318, %sub3A_326 : vector<16xf32>
        %mul3A_328 = arith.mulf %get3A_255, %get3A_255 : vector<16xf32>
        %add3A_329 = arith.constant 1.000000e+00 : f32
        %add3A_330 = vector.broadcast %add3A_329 : f32 to vector<16xf32>
        %add3A_331 = arith.addf %mul3A_328, %add3A_330 : vector<16xf32>
        %bitcast3A_332 = vector.bitcast %add3A_331 : vector<16xf32> to vector<16xi32>
        %shift_right_arithmetic3A_333 = arith.constant 1 : i32
        %shift_right_arithmetic3A_334 = vector.broadcast %shift_right_arithmetic3A_333 : i32 to vector<16xi32>
        %shift_right_arithmetic3A_335 = arith.shrsi %bitcast3A_332, %shift_right_arithmetic3A_334 : vector<16xi32>
        %sub3A_336 = arith.constant 1597463007 : i32
        %sub3A_337 = vector.broadcast %sub3A_336 : i32 to vector<16xi32>
        %sub3A_338 = arith.subi %sub3A_337, %shift_right_arithmetic3A_335 : vector<16xi32>
        %bitcast3A_339 = vector.bitcast %sub3A_338 : vector<16xi32> to vector<16xf32>
        %mul3A_340 = arith.constant 5.000000e-01 : f32
        %mul3A_341 = vector.broadcast %mul3A_340 : f32 to vector<16xf32>
        %mul3A_342 = arith.mulf %mul3A_341, %add3A_331 : vector<16xf32>
        %mul3A_343 = arith.mulf %mul3A_342, %bitcast3A_339 : vector<16xf32>
        %mul3A_344 = arith.mulf %mul3A_343, %bitcast3A_339 : vector<16xf32>
        %sub3A_345 = arith.constant 1.500000e+00 : f32
        %sub3A_346 = vector.broadcast %sub3A_345 : f32 to vector<16xf32>
        %sub3A_347 = arith.subf %sub3A_346, %mul3A_344 : vector<16xf32>
        %mul3A_348 = arith.mulf %bitcast3A_339, %sub3A_347 : vector<16xf32>
        %mul3A_349 = arith.constant 5.000000e-01 : f32
        %mul3A_350 = vector.broadcast %mul3A_349 : f32 to vector<16xf32>
        %mul3A_351 = arith.mulf %mul3A_350, %add3A_331 : vector<16xf32>
        %mul3A_352 = arith.mulf %mul3A_351, %mul3A_348 : vector<16xf32>
        %mul3A_353 = arith.mulf %mul3A_352, %mul3A_348 : vector<16xf32>
        %sub3A_354 = arith.constant 1.500000e+00 : f32
        %sub3A_355 = vector.broadcast %sub3A_354 : f32 to vector<16xf32>
        %sub3A_356 = arith.subf %sub3A_355, %mul3A_353 : vector<16xf32>
        %mul3A_357 = arith.mulf %mul3A_348, %sub3A_356 : vector<16xf32>
        %mul3A_358 = arith.constant 5.000000e-01 : f32
        %mul3A_359 = vector.broadcast %mul3A_358 : f32 to vector<16xf32>
        %mul3A_360 = arith.mulf %mul3A_359, %add3A_331 : vector<16xf32>
        %mul3A_361 = arith.mulf %mul3A_360, %mul3A_357 : vector<16xf32>
        %mul3A_362 = arith.mulf %mul3A_361, %mul3A_357 : vector<16xf32>
        %sub3A_363 = arith.constant 1.500000e+00 : f32
        %sub3A_364 = vector.broadcast %sub3A_363 : f32 to vector<16xf32>
        %sub3A_365 = arith.subf %sub3A_364, %mul3A_362 : vector<16xf32>
        %mul3A_366 = arith.mulf %mul3A_357, %sub3A_365 : vector<16xf32>
        %mul3A_367 = arith.mulf %select_n3A, %mul3A_366 : vector<16xf32>
        %sub3A_368 = arith.constant 1.000000e+00 : f32
        %sub3A_369 = vector.broadcast %sub3A_368 : f32 to vector<16xf32>
        %sub3A_370 = arith.subf %sub3A_369, %select_n3A : vector<16xf32>
        %mul3A_371 = arith.mulf %sub3A_370, %mul3A_327 : vector<16xf32>
        %add3A_372 = arith.addf %mul3A_367, %mul3A_371 : vector<16xf32>
        %mul3A_373 = arith.mulf %add3A_372, %add3A_372 : vector<16xf32>
        %mul3A_374 = arith.mulf %mul3A_373, %add3A_372 : vector<16xf32>
        %mul3A_375 = arith.mulf %get3A_257, %mul3A_327 : vector<16xf32>
        %mul3A_376 = arith.mulf %get3A_259, %mul3A_327 : vector<16xf32>
        %mul3A_377 = arith.mulf %get3A_261, %mul3A_327 : vector<16xf32>
        %mul3A_378 = arith.mulf %mul3A_375, %gather3A_266 : vector<16xf32>
        %mul3A_379 = arith.mulf %mul3A_376, %gather3A_267 : vector<16xf32>
        %add3A_380 = arith.addf %mul3A_378, %mul3A_379 : vector<16xf32>
        %mul3A_381 = arith.mulf %mul3A_377, %gather3A_268 : vector<16xf32>
        %add3A_382 = arith.addf %add3A_380, %mul3A_381 : vector<16xf32>
        %mul3A_383 = arith.mulf %mul3A_375, %gather3A_262 : vector<16xf32>
        %mul3A_384 = arith.mulf %mul3A_376, %gather3A_263 : vector<16xf32>
        %add3A_385 = arith.addf %mul3A_383, %mul3A_384 : vector<16xf32>
        %mul3A_386 = arith.mulf %mul3A_377, %gather3A_264 : vector<16xf32>
        %add3A_387 = arith.addf %add3A_385, %mul3A_386 : vector<16xf32>
        %mul3A_388 = arith.mulf %gather3A_262, %gather3A_266 : vector<16xf32>
        %mul3A_389 = arith.mulf %gather3A_263, %gather3A_267 : vector<16xf32>
        %add3A_390 = arith.addf %mul3A_388, %mul3A_389 : vector<16xf32>
        %mul3A_391 = arith.mulf %gather3A_264, %gather3A_268 : vector<16xf32>
        %add3A_392 = arith.addf %add3A_390, %mul3A_391 : vector<16xf32>
        %mul3A_393 = arith.mulf %gather3A, %gather3A_265 : vector<16xf32>
        %mul3A_394 = arith.mulf %mul3A_393, %add3A_372 : vector<16xf32>
        %mul3A_395 = arith.constant 2.000000e+00 : f32
        %mul3A_396 = vector.broadcast %mul3A_395 : f32 to vector<16xf32>
        %mul3A_397 = arith.mulf %mul3A_396, %gather3A : vector<16xf32>
        %mul3A_398 = arith.mulf %mul3A_397, %add3A_382 : vector<16xf32>
        %mul3A_399 = arith.mulf %mul3A_398, %mul3A_373 : vector<16xf32>
        %add3A_400 = arith.addf %mul3A_394, %mul3A_399 : vector<16xf32>
        %mul3A_401 = arith.constant 3.000000e+00 : f32
        %mul3A_402 = vector.broadcast %mul3A_401 : f32 to vector<16xf32>
        %mul3A_403 = arith.mulf %mul3A_402, %add3A_382 : vector<16xf32>
        %mul3A_404 = arith.mulf %mul3A_403, %add3A_387 : vector<16xf32>
        %sub3A_405 = arith.subf %add3A_392, %mul3A_404 : vector<16xf32>
        %mul3A_406 = arith.mulf %sub3A_405, %mul3A_374 : vector<16xf32>
        %add3A_407 = arith.addf %add3A_400, %mul3A_406 : vector<16xf32>
        %mul3A_408 = arith.constant 7.1998229 : f32
        %mul3A_409 = vector.broadcast %mul3A_408 : f32 to vector<16xf32>
        %mul3A_410 = arith.mulf %mul3A_409, %add3A_407 : vector<16xf32>
        %le3A = arith.constant 1.000000e+01 : f32
        %le3A_411 = vector.broadcast %le3A : f32 to vector<16xf32>
        %le3A_412 = arith.cmpf ole, %get3A_255, %le3A_411 : vector<16xf32>
        %broadcast_in_dim3A_413 = arith.constant 0.000000e+00 : f32
        %broadcast_in_dim3A_414 = vector.broadcast %broadcast_in_dim3A_413 : f32 to vector<16xf32>
        %select_n3A_415 = arith.select %le3A_412, %mul3A_410, %broadcast_in_dim3A_414 : vector<16xi1>, vector<16xf32>
        %swap3A = arith.index_cast %mul3A_242 : i32 to index
        %swap3A_416 = tpu.vector_load %arg30[%swap3A] {strides = array<i32>} : memref<2000xf32, #tpu.memory_space<vmem>>, vector<16xf32>,
        tpu.vector_store %arg30[%swap3A], %select_n3A_415 {strides = array<i32>} : memref<2000xf32, #tpu.memory_space<vmem>>, vector<16xf32>,
      }
      %scan3A_237 = arith.constant 125 : i32
      %dma_start3A_238 = tpu.memref_slice %arg9[%mul3A_231] : memref<6400000xf32, #tpu.memory_space<hbm>> -> memref<2000xf32, #tpu.memory_space<hbm>>
      %dma_start3A_239 = tpu.memref_slice %arg9[%mul3A_231] : memref<6400000xf32, #tpu.memory_space<hbm>> -> memref<2000xf32, #tpu.memory_space<hbm>>
      tpu.enqueue_dma source(%arg30 : memref<2000xf32, #tpu.memory_space<vmem>>) target(%dma_start3A_239 : memref<2000xf32, #tpu.memory_space<hbm>>) target_semaphore(%arg33 : memref<!tpu.dma_semaphore, #tpu.memory_space<semaphore_mem>>)
    }
    %scan3A_79 = arith.constant 48 : i32
    %add3A_80 = arith.constant 98 : i32
    %add3A_81 = arith.addi %mul3A_2, %add3A_80 : i32
    %mul3A_82 = arith.constant 2000 : i32
    %mul3A_83 = arith.muli %add3A_81, %mul3A_82 : i32
    "tpu.region"() ({
      %run_scoped3A = tpu.sem_alloc : memref<!tpu.dma_semaphore, #tpu.memory_space<semaphore_mem>>
      %dma_start3A_158 = tpu.memref_slice %arg2[%mul3A_83] : memref<6400000xf32, #tpu.memory_space<hbm>> -> memref<2000xf32, #tpu.memory_space<hbm>>
      %dma_start3A_159 = tpu.memref_slice %arg2[%mul3A_83] : memref<6400000xf32, #tpu.memory_space<hbm>> -> memref<2000xf32, #tpu.memory_space<hbm>>
      tpu.enqueue_dma source(%dma_start3A_159 : memref<2000xf32, #tpu.memory_space<hbm>>) target(%arg14 : memref<2000xf32, #tpu.memory_space<vmem>>) target_semaphore(%run_scoped3A : memref<!tpu.dma_semaphore, #tpu.memory_space<semaphore_mem>>)
      %dma_wait3A_160 = tpu.memref_slice %arg2[%mul3A_83] : memref<6400000xf32, #tpu.memory_space<hbm>> -> memref<2000xf32, #tpu.memory_space<hbm>>
      %dma_wait3A_161 = tpu.memref_slice %arg2[%mul3A_83] : memref<6400000xf32, #tpu.memory_space<hbm>> -> memref<2000xf32, #tpu.memory_space<hbm>>
      tpu.wait_dma2 semaphore(%run_scoped3A : memref<!tpu.dma_semaphore, #tpu.memory_space<semaphore_mem>>) src(%dma_wait3A_161 : memref<2000xf32, #tpu.memory_space<hbm>>) dst(%arg14 : memref<2000xf32, #tpu.memory_space<vmem>>)
      tpu.yield
    }) : () -> ()
    "tpu.region"() ({
      %run_scoped3A = tpu.sem_alloc : memref<!tpu.dma_semaphore, #tpu.memory_space<semaphore_mem>>
      %dma_start3A_158 = tpu.memref_slice %arg3[%mul3A_83] : memref<6400000xf32, #tpu.memory_space<hbm>> -> memref<2000xf32, #tpu.memory_space<hbm>>
      %dma_start3A_159 = tpu.memref_slice %arg3[%mul3A_83] : memref<6400000xf32, #tpu.memory_space<hbm>> -> memref<2000xf32, #tpu.memory_space<hbm>>
      tpu.enqueue_dma source(%dma_start3A_159 : memref<2000xf32, #tpu.memory_space<hbm>>) target(%arg15 : memref<2000xf32, #tpu.memory_space<vmem>>) target_semaphore(%run_scoped3A : memref<!tpu.dma_semaphore, #tpu.memory_space<semaphore_mem>>)
      %dma_wait3A_160 = tpu.memref_slice %arg3[%mul3A_83] : memref<6400000xf32, #tpu.memory_space<hbm>> -> memref<2000xf32, #tpu.memory_space<hbm>>
      %dma_wait3A_161 = tpu.memref_slice %arg3[%mul3A_83] : memref<6400000xf32, #tpu.memory_space<hbm>> -> memref<2000xf32, #tpu.memory_space<hbm>>
      tpu.wait_dma2 semaphore(%run_scoped3A : memref<!tpu.dma_semaphore, #tpu.memory_space<semaphore_mem>>) src(%dma_wait3A_161 : memref<2000xf32, #tpu.memory_space<hbm>>) dst(%arg15 : memref<2000xf32, #tpu.memory_space<vmem>>)
      tpu.yield
    }) : () -> ()
    "tpu.region"() ({
      %run_scoped3A = tpu.sem_alloc : memref<!tpu.dma_semaphore, #tpu.memory_space<semaphore_mem>>
      %dma_start3A_158 = tpu.memref_slice %arg4[%mul3A_83] : memref<6400000xf32, #tpu.memory_space<hbm>> -> memref<2000xf32, #tpu.memory_space<hbm>>
      %dma_start3A_159 = tpu.memref_slice %arg4[%mul3A_83] : memref<6400000xf32, #tpu.memory_space<hbm>> -> memref<2000xf32, #tpu.memory_space<hbm>>
      tpu.enqueue_dma source(%dma_start3A_159 : memref<2000xf32, #tpu.memory_space<hbm>>) target(%arg16 : memref<2000xf32, #tpu.memory_space<vmem>>) target_semaphore(%run_scoped3A : memref<!tpu.dma_semaphore, #tpu.memory_space<semaphore_mem>>)
      %dma_wait3A_160 = tpu.memref_slice %arg4[%mul3A_83] : memref<6400000xf32, #tpu.memory_space<hbm>> -> memref<2000xf32, #tpu.memory_space<hbm>>
      %dma_wait3A_161 = tpu.memref_slice %arg4[%mul3A_83] : memref<6400000xf32, #tpu.memory_space<hbm>> -> memref<2000xf32, #tpu.memory_space<hbm>>
      tpu.wait_dma2 semaphore(%run_scoped3A : memref<!tpu.dma_semaphore, #tpu.memory_space<semaphore_mem>>) src(%dma_wait3A_161 : memref<2000xf32, #tpu.memory_space<hbm>>) dst(%arg16 : memref<2000xf32, #tpu.memory_space<vmem>>)
      tpu.yield
    }) : () -> ()
    "tpu.region"() ({
      %run_scoped3A = tpu.sem_alloc : memref<!tpu.dma_semaphore, #tpu.memory_space<semaphore_mem>>
      %dma_start3A_158 = tpu.memref_slice %arg5[%mul3A_83] : memref<6400000xf32, #tpu.memory_space<hbm>> -> memref<2000xf32, #tpu.memory_space<hbm>>
      %dma_start3A_159 = tpu.memref_slice %arg5[%mul3A_83] : memref<6400000xf32, #tpu.memory_space<hbm>> -> memref<2000xf32, #tpu.memory_space<hbm>>
      tpu.enqueue_dma source(%dma_start3A_159 : memref<2000xf32, #tpu.memory_space<hbm>>) target(%arg17 : memref<2000xf32, #tpu.memory_space<vmem>>) target_semaphore(%run_scoped3A : memref<!tpu.dma_semaphore, #tpu.memory_space<semaphore_mem>>)
      %dma_wait3A_160 = tpu.memref_slice %arg5[%mul3A_83] : memref<6400000xf32, #tpu.memory_space<hbm>> -> memref<2000xf32, #tpu.memory_space<hbm>>
      %dma_wait3A_161 = tpu.memref_slice %arg5[%mul3A_83] : memref<6400000xf32, #tpu.memory_space<hbm>> -> memref<2000xf32, #tpu.memory_space<hbm>>
      tpu.wait_dma2 semaphore(%run_scoped3A : memref<!tpu.dma_semaphore, #tpu.memory_space<semaphore_mem>>) src(%dma_wait3A_161 : memref<2000xf32, #tpu.memory_space<hbm>>) dst(%arg17 : memref<2000xf32, #tpu.memory_space<vmem>>)
      tpu.yield
    }) : () -> ()
    %dma_wait3A_84 = arith.constant 0 : i32
    %dma_wait3A_85 = arith.constant 0 : i32
    %dma_wait3A_86 = tpu.memref_slice %arg6[%dma_wait3A_84, %dma_wait3A_85] : memref<100000x4xf32, #tpu.memory_space<hbm>> -> memref<100000x4xf32, #tpu.memory_space<hbm>>
    tpu.wait_indirect_dma semaphore(%arg19 : memref<!tpu.dma_semaphore, #tpu.memory_space<semaphore_mem>>) src(%dma_wait3A_86 : memref<100000x4xf32, #tpu.memory_space<hbm>>) dst(%arg12 : memref<2000x4xf32, #tpu.memory_space<vmem>>)
    %dma_wait3A_87 = arith.constant 0 : i32
    %dma_wait3A_88 = arith.constant 0 : i32
    %dma_wait3A_89 = tpu.memref_slice %arg6[%dma_wait3A_87, %dma_wait3A_88] : memref<100000x4xf32, #tpu.memory_space<hbm>> -> memref<100000x4xf32, #tpu.memory_space<hbm>>
    tpu.wait_indirect_dma semaphore(%arg19 : memref<!tpu.dma_semaphore, #tpu.memory_space<semaphore_mem>>) src(%dma_wait3A_89 : memref<100000x4xf32, #tpu.memory_space<hbm>>) dst(%arg13 : memref<2000x4xf32, #tpu.memory_space<vmem>>)
    %add3A_90 = arith.constant 96 : i32
    %add3A_91 = arith.addi %mul3A_2, %add3A_90 : i32
    %mul3A_92 = arith.constant 2000 : i32
    %mul3A_93 = arith.muli %add3A_91, %mul3A_92 : i32
    %dma_wait3A_94 = tpu.memref_slice %arg9[%mul3A_93] : memref<6400000xf32, #tpu.memory_space<hbm>> -> memref<2000xf32, #tpu.memory_space<hbm>>
    %dma_wait3A_95 = tpu.memref_slice %arg9[%mul3A_93] : memref<6400000xf32, #tpu.memory_space<hbm>> -> memref<2000xf32, #tpu.memory_space<hbm>>
    tpu.wait_dma2 semaphore(%arg21 : memref<!tpu.dma_semaphore, #tpu.memory_space<semaphore_mem>>) src(%arg18 : memref<2000xf32, #tpu.memory_space<vmem>>) dst(%dma_wait3A_95 : memref<2000xf32, #tpu.memory_space<hbm>>)
    %add3A_96 = arith.constant 99 : i32
    %add3A_97 = arith.addi %mul3A_2, %add3A_96 : i32
    %mul3A_98 = arith.constant 2000 : i32
    %mul3A_99 = arith.muli %add3A_97, %mul3A_98 : i32
    "tpu.region"() ({
      %run_scoped3A = tpu.sem_alloc : memref<!tpu.dma_semaphore, #tpu.memory_space<semaphore_mem>>
      %dma_start3A_158 = tpu.memref_slice %arg7[%mul3A_99] : memref<6400000xi32, #tpu.memory_space<hbm>> -> memref<2000xi32, #tpu.memory_space<hbm>>
      %dma_start3A_159 = tpu.memref_slice %arg7[%mul3A_99] : memref<6400000xi32, #tpu.memory_space<hbm>> -> memref<2000xi32, #tpu.memory_space<hbm>>
      tpu.enqueue_dma source(%dma_start3A_159 : memref<2000xi32, #tpu.memory_space<hbm>>) target(%arg22 : memref<2000xi32, #tpu.memory_space<vmem>>) target_semaphore(%run_scoped3A : memref<!tpu.dma_semaphore, #tpu.memory_space<semaphore_mem>>)
      %dma_wait3A_160 = tpu.memref_slice %arg7[%mul3A_99] : memref<6400000xi32, #tpu.memory_space<hbm>> -> memref<2000xi32, #tpu.memory_space<hbm>>
      %dma_wait3A_161 = tpu.memref_slice %arg7[%mul3A_99] : memref<6400000xi32, #tpu.memory_space<hbm>> -> memref<2000xi32, #tpu.memory_space<hbm>>
      tpu.wait_dma2 semaphore(%run_scoped3A : memref<!tpu.dma_semaphore, #tpu.memory_space<semaphore_mem>>) src(%dma_wait3A_161 : memref<2000xi32, #tpu.memory_space<hbm>>) dst(%arg22 : memref<2000xi32, #tpu.memory_space<vmem>>)
      tpu.yield
    }) : () -> ()
    "tpu.region"() ({
      %run_scoped3A = tpu.sem_alloc : memref<!tpu.dma_semaphore, #tpu.memory_space<semaphore_mem>>
      %dma_start3A_158 = tpu.memref_slice %arg8[%mul3A_99] : memref<6400000xi32, #tpu.memory_space<hbm>> -> memref<2000xi32, #tpu.memory_space<hbm>>
      %dma_start3A_159 = tpu.memref_slice %arg8[%mul3A_99] : memref<6400000xi32, #tpu.memory_space<hbm>> -> memref<2000xi32, #tpu.memory_space<hbm>>
      tpu.enqueue_dma source(%dma_start3A_159 : memref<2000xi32, #tpu.memory_space<hbm>>) target(%arg23 : memref<2000xi32, #tpu.memory_space<vmem>>) target_semaphore(%run_scoped3A : memref<!tpu.dma_semaphore, #tpu.memory_space<semaphore_mem>>)
      %dma_wait3A_160 = tpu.memref_slice %arg8[%mul3A_99] : memref<6400000xi32, #tpu.memory_space<hbm>> -> memref<2000xi32, #tpu.memory_space<hbm>>
      %dma_wait3A_161 = tpu.memref_slice %arg8[%mul3A_99] : memref<6400000xi32, #tpu.memory_space<hbm>> -> memref<2000xi32, #tpu.memory_space<hbm>>
      tpu.wait_dma2 semaphore(%run_scoped3A : memref<!tpu.dma_semaphore, #tpu.memory_space<semaphore_mem>>) src(%dma_wait3A_161 : memref<2000xi32, #tpu.memory_space<hbm>>) dst(%arg23 : memref<2000xi32, #tpu.memory_space<vmem>>)
      tpu.yield
    }) : () -> ()
    %dma_start3A_100 = arith.constant 0 : i32
    %dma_start3A_101 = arith.constant 0 : i32
    %dma_start3A_102 = tpu.memref_slice %arg6[%dma_start3A_100, %dma_start3A_101] : memref<100000x4xf32, #tpu.memory_space<hbm>> -> memref<100000x4xf32, #tpu.memory_space<hbm>>
    tpu.enqueue_indirect_dma source(%dma_start3A_102 : memref<100000x4xf32, #tpu.memory_space<hbm>>) target(%arg24 : memref<2000x4xf32, #tpu.memory_space<vmem>>) offsets(%arg22 : memref<2000xi32, #tpu.memory_space<vmem>>) semaphore(%arg31 : memref<!tpu.dma_semaphore, #tpu.memory_space<semaphore_mem>>)
    %dma_start3A_103 = arith.constant 0 : i32
    %dma_start3A_104 = arith.constant 0 : i32
    %dma_start3A_105 = tpu.memref_slice %arg6[%dma_start3A_103, %dma_start3A_104] : memref<100000x4xf32, #tpu.memory_space<hbm>> -> memref<100000x4xf32, #tpu.memory_space<hbm>>
    tpu.enqueue_indirect_dma source(%dma_start3A_105 : memref<100000x4xf32, #tpu.memory_space<hbm>>) target(%arg25 : memref<2000x4xf32, #tpu.memory_space<vmem>>) offsets(%arg23 : memref<2000xi32, #tpu.memory_space<vmem>>) semaphore(%arg31 : memref<!tpu.dma_semaphore, #tpu.memory_space<semaphore_mem>>)
    %add3A_106 = arith.constant 98 : i32
    %add3A_107 = arith.addi %mul3A_2, %add3A_106 : i32
    %mul3A_108 = arith.constant 2000 : i32
    %mul3A_109 = arith.muli %add3A_107, %mul3A_108 : i32
    %scan3A_110 = arith.constant 0 : i32
    %scan3A_111 = arith.constant 0 : i32
    %scan3A_112 = arith.constant 125 : i32
    %scan3A_113 = arith.addi %scan3A_111, %scan3A_112 : i32
    %scan3A_114 = arith.constant 1 : i32
    scf.for %scan3A_158 = %scan3A_111 to %scan3A_113 step %scan3A_114  : i32 {
      %mul3A_159 = arith.constant 16 : i32
      %mul3A_160 = arith.muli %scan3A_158, %mul3A_159 : i32
      %iota3A = tpu.iota {dimensions = array<i32: 0>} : vector<16xi32>
      %add3A_161 = vector.broadcast %mul3A_160 : i32 to vector<16xi32>
      %add3A_162 = arith.addi %iota3A, %add3A_161 : vector<16xi32>
      %broadcast_in_dim3A = arith.constant 0 : i32
      %broadcast_in_dim3A_163 = vector.broadcast %broadcast_in_dim3A : i32 to vector<16xi32>
      %add3A_164 = arith.constant 1 : i32
      %add3A_165 = vector.broadcast %add3A_164 : i32 to vector<16xi32>
      %add3A_166 = arith.addi %broadcast_in_dim3A_163, %add3A_165 : vector<16xi32>
      %add3A_167 = arith.constant 2 : i32
      %add3A_168 = vector.broadcast %add3A_167 : i32 to vector<16xi32>
      %add3A_169 = arith.addi %broadcast_in_dim3A_163, %add3A_168 : vector<16xi32>
      %add3A_170 = arith.constant 3 : i32
      %add3A_171 = vector.broadcast %add3A_170 : i32 to vector<16xi32>
      %add3A_172 = arith.addi %broadcast_in_dim3A_163, %add3A_171 : vector<16xi32>
      %get3A = arith.index_cast %mul3A_160 : i32 to index
      %get3A_173 = tpu.vector_load %arg14[%get3A] {strides = array<i32>} : memref<2000xf32, #tpu.memory_space<vmem>>, vector<16xf32>,
      %get3A_174 = arith.index_cast %mul3A_160 : i32 to index
      %get3A_175 = tpu.vector_load %arg15[%get3A_174] {strides = array<i32>} : memref<2000xf32, #tpu.memory_space<vmem>>, vector<16xf32>,
      %get3A_176 = arith.index_cast %mul3A_160 : i32 to index
      %get3A_177 = tpu.vector_load %arg16[%get3A_176] {strides = array<i32>} : memref<2000xf32, #tpu.memory_space<vmem>>, vector<16xf32>,
      %get3A_178 = arith.index_cast %mul3A_160 : i32 to index
      %get3A_179 = tpu.vector_load %arg17[%get3A_178] {strides = array<i32>} : memref<2000xf32, #tpu.memory_space<vmem>>, vector<16xf32>,
      %gather3A = tpu.vector_load_idx %arg12[%add3A_162, %broadcast_in_dim3A_163] : memref<2000x4xf32, #tpu.memory_space<vmem>>[vector<16xi32>, vector<16xi32>], vector<16xf32>,
      %gather3A_180 = tpu.vector_load_idx %arg12[%add3A_162, %add3A_166] : memref<2000x4xf32, #tpu.memory_space<vmem>>[vector<16xi32>, vector<16xi32>], vector<16xf32>,
      %gather3A_181 = tpu.vector_load_idx %arg12[%add3A_162, %add3A_169] : memref<2000x4xf32, #tpu.memory_space<vmem>>[vector<16xi32>, vector<16xi32>], vector<16xf32>,
      %gather3A_182 = tpu.vector_load_idx %arg12[%add3A_162, %add3A_172] : memref<2000x4xf32, #tpu.memory_space<vmem>>[vector<16xi32>, vector<16xi32>], vector<16xf32>,
      %gather3A_183 = tpu.vector_load_idx %arg13[%add3A_162, %broadcast_in_dim3A_163] : memref<2000x4xf32, #tpu.memory_space<vmem>>[vector<16xi32>, vector<16xi32>], vector<16xf32>,
      %gather3A_184 = tpu.vector_load_idx %arg13[%add3A_162, %add3A_166] : memref<2000x4xf32, #tpu.memory_space<vmem>>[vector<16xi32>, vector<16xi32>], vector<16xf32>,
      %gather3A_185 = tpu.vector_load_idx %arg13[%add3A_162, %add3A_169] : memref<2000x4xf32, #tpu.memory_space<vmem>>[vector<16xi32>, vector<16xi32>], vector<16xf32>,
      %gather3A_186 = tpu.vector_load_idx %arg13[%add3A_162, %add3A_172] : memref<2000x4xf32, #tpu.memory_space<vmem>>[vector<16xi32>, vector<16xi32>], vector<16xf32>,
      %mul3A_187 = arith.constant 5.000000e-01 : f32
      %mul3A_188 = vector.broadcast %mul3A_187 : f32 to vector<16xf32>
      %mul3A_189 = arith.mulf %get3A_173, %mul3A_188 : vector<16xf32>
      %mul3A_190 = arith.mulf %mul3A_189, %mul3A_189 : vector<16xf32>
      %mul3A_191 = arith.mulf %mul3A_190, %mul3A_189 : vector<16xf32>
      %mul3A_192 = arith.mulf %mul3A_191, %mul3A_189 : vector<16xf32>
      %mul3A_193 = arith.mulf %mul3A_192, %mul3A_189 : vector<16xf32>
      %mul3A_194 = arith.constant 1.000000e+01 : f32
      %mul3A_195 = vector.broadcast %mul3A_194 : f32 to vector<16xf32>
      %mul3A_196 = arith.mulf %mul3A_195, %mul3A_191 : vector<16xf32>
      %sub3A = arith.constant 1.000000e+00 : f32
      %sub3A_197 = vector.broadcast %sub3A : f32 to vector<16xf32>
      %sub3A_198 = arith.subf %sub3A_197, %mul3A_196 : vector<16xf32>
      %mul3A_199 = arith.constant 1.500000e+01 : f32
      %mul3A_200 = vector.broadcast %mul3A_199 : f32 to vector<16xf32>
      %mul3A_201 = arith.mulf %mul3A_200, %mul3A_192 : vector<16xf32>
      %add3A_202 = arith.addf %sub3A_198, %mul3A_201 : vector<16xf32>
      %mul3A_203 = arith.constant 6.000000e+00 : f32
      %mul3A_204 = vector.broadcast %mul3A_203 : f32 to vector<16xf32>
      %mul3A_205 = arith.mulf %mul3A_204, %mul3A_193 : vector<16xf32>
      %sub3A_206 = arith.subf %add3A_202, %mul3A_205 : vector<16xf32>
      %lt3A = arith.constant 1.000000e+00 : f32
      %lt3A_207 = vector.broadcast %lt3A : f32 to vector<16xf32>
      %lt3A_208 = arith.cmpf olt, %mul3A_189, %lt3A_207 : vector<16xf32>
      %broadcast_in_dim3A_209 = arith.constant 0.000000e+00 : f32
      %broadcast_in_dim3A_210 = vector.broadcast %broadcast_in_dim3A_209 : f32 to vector<16xf32>
      %select_n3A = arith.select %lt3A_208, %sub3A_206, %broadcast_in_dim3A_210 : vector<16xi1>, vector<16xf32>
      %mul3A_211 = arith.mulf %get3A_173, %get3A_173 : vector<16xf32>
      %bitcast3A = vector.bitcast %mul3A_211 : vector<16xf32> to vector<16xi32>
      %shift_right_arithmetic3A = arith.constant 1 : i32
      %shift_right_arithmetic3A_212 = vector.broadcast %shift_right_arithmetic3A : i32 to vector<16xi32>
      %shift_right_arithmetic3A_213 = arith.shrsi %bitcast3A, %shift_right_arithmetic3A_212 : vector<16xi32>
      %sub3A_214 = arith.constant 1597463007 : i32
      %sub3A_215 = vector.broadcast %sub3A_214 : i32 to vector<16xi32>
      %sub3A_216 = arith.subi %sub3A_215, %shift_right_arithmetic3A_213 : vector<16xi32>
      %bitcast3A_217 = vector.bitcast %sub3A_216 : vector<16xi32> to vector<16xf32>
      %mul3A_218 = arith.constant 5.000000e-01 : f32
      %mul3A_219 = vector.broadcast %mul3A_218 : f32 to vector<16xf32>
      %mul3A_220 = arith.mulf %mul3A_219, %mul3A_211 : vector<16xf32>
      %mul3A_221 = arith.mulf %mul3A_220, %bitcast3A_217 : vector<16xf32>
      %mul3A_222 = arith.mulf %mul3A_221, %bitcast3A_217 : vector<16xf32>
      %sub3A_223 = arith.constant 1.500000e+00 : f32
      %sub3A_224 = vector.broadcast %sub3A_223 : f32 to vector<16xf32>
      %sub3A_225 = arith.subf %sub3A_224, %mul3A_222 : vector<16xf32>
      %mul3A_226 = arith.mulf %bitcast3A_217, %sub3A_225 : vector<16xf32>
      %mul3A_227 = arith.constant 5.000000e-01 : f32
      %mul3A_228 = vector.broadcast %mul3A_227 : f32 to vector<16xf32>
      %mul3A_229 = arith.mulf %mul3A_228, %mul3A_211 : vector<16xf32>
      %mul3A_230 = arith.mulf %mul3A_229, %mul3A_226 : vector<16xf32>
      %mul3A_231 = arith.mulf %mul3A_230, %mul3A_226 : vector<16xf32>
      %sub3A_232 = arith.constant 1.500000e+00 : f32
      %sub3A_233 = vector.broadcast %sub3A_232 : f32 to vector<16xf32>
      %sub3A_234 = arith.subf %sub3A_233, %mul3A_231 : vector<16xf32>
      %mul3A_235 = arith.mulf %mul3A_226, %sub3A_234 : vector<16xf32>
      %mul3A_236 = arith.constant 5.000000e-01 : f32
      %mul3A_237 = vector.broadcast %mul3A_236 : f32 to vector<16xf32>
      %mul3A_238 = arith.mulf %mul3A_237, %mul3A_211 : vector<16xf32>
      %mul3A_239 = arith.mulf %mul3A_238, %mul3A_235 : vector<16xf32>
      %mul3A_240 = arith.mulf %mul3A_239, %mul3A_235 : vector<16xf32>
      %sub3A_241 = arith.constant 1.500000e+00 : f32
      %sub3A_242 = vector.broadcast %sub3A_241 : f32 to vector<16xf32>
      %sub3A_243 = arith.subf %sub3A_242, %mul3A_240 : vector<16xf32>
      %mul3A_244 = arith.mulf %mul3A_235, %sub3A_243 : vector<16xf32>
      %mul3A_245 = arith.mulf %get3A_173, %get3A_173 : vector<16xf32>
      %add3A_246 = arith.constant 1.000000e+00 : f32
      %add3A_247 = vector.broadcast %add3A_246 : f32 to vector<16xf32>
      %add3A_248 = arith.addf %mul3A_245, %add3A_247 : vector<16xf32>
      %bitcast3A_249 = vector.bitcast %add3A_248 : vector<16xf32> to vector<16xi32>
      %shift_right_arithmetic3A_250 = arith.constant 1 : i32
      %shift_right_arithmetic3A_251 = vector.broadcast %shift_right_arithmetic3A_250 : i32 to vector<16xi32>
      %shift_right_arithmetic3A_252 = arith.shrsi %bitcast3A_249, %shift_right_arithmetic3A_251 : vector<16xi32>
      %sub3A_253 = arith.constant 1597463007 : i32
      %sub3A_254 = vector.broadcast %sub3A_253 : i32 to vector<16xi32>
      %sub3A_255 = arith.subi %sub3A_254, %shift_right_arithmetic3A_252 : vector<16xi32>
      %bitcast3A_256 = vector.bitcast %sub3A_255 : vector<16xi32> to vector<16xf32>
      %mul3A_257 = arith.constant 5.000000e-01 : f32
      %mul3A_258 = vector.broadcast %mul3A_257 : f32 to vector<16xf32>
      %mul3A_259 = arith.mulf %mul3A_258, %add3A_248 : vector<16xf32>
      %mul3A_260 = arith.mulf %mul3A_259, %bitcast3A_256 : vector<16xf32>
      %mul3A_261 = arith.mulf %mul3A_260, %bitcast3A_256 : vector<16xf32>
      %sub3A_262 = arith.constant 1.500000e+00 : f32
      %sub3A_263 = vector.broadcast %sub3A_262 : f32 to vector<16xf32>
      %sub3A_264 = arith.subf %sub3A_263, %mul3A_261 : vector<16xf32>
      %mul3A_265 = arith.mulf %bitcast3A_256, %sub3A_264 : vector<16xf32>
      %mul3A_266 = arith.constant 5.000000e-01 : f32
      %mul3A_267 = vector.broadcast %mul3A_266 : f32 to vector<16xf32>
      %mul3A_268 = arith.mulf %mul3A_267, %add3A_248 : vector<16xf32>
      %mul3A_269 = arith.mulf %mul3A_268, %mul3A_265 : vector<16xf32>
      %mul3A_270 = arith.mulf %mul3A_269, %mul3A_265 : vector<16xf32>
      %sub3A_271 = arith.constant 1.500000e+00 : f32
      %sub3A_272 = vector.broadcast %sub3A_271 : f32 to vector<16xf32>
      %sub3A_273 = arith.subf %sub3A_272, %mul3A_270 : vector<16xf32>
      %mul3A_274 = arith.mulf %mul3A_265, %sub3A_273 : vector<16xf32>
      %mul3A_275 = arith.constant 5.000000e-01 : f32
      %mul3A_276 = vector.broadcast %mul3A_275 : f32 to vector<16xf32>
      %mul3A_277 = arith.mulf %mul3A_276, %add3A_248 : vector<16xf32>
      %mul3A_278 = arith.mulf %mul3A_277, %mul3A_274 : vector<16xf32>
      %mul3A_279 = arith.mulf %mul3A_278, %mul3A_274 : vector<16xf32>
      %sub3A_280 = arith.constant 1.500000e+00 : f32
      %sub3A_281 = vector.broadcast %sub3A_280 : f32 to vector<16xf32>
      %sub3A_282 = arith.subf %sub3A_281, %mul3A_279 : vector<16xf32>
      %mul3A_283 = arith.mulf %mul3A_274, %sub3A_282 : vector<16xf32>
      %mul3A_284 = arith.mulf %select_n3A, %mul3A_283 : vector<16xf32>
      %sub3A_285 = arith.constant 1.000000e+00 : f32
      %sub3A_286 = vector.broadcast %sub3A_285 : f32 to vector<16xf32>
      %sub3A_287 = arith.subf %sub3A_286, %select_n3A : vector<16xf32>
      %mul3A_288 = arith.mulf %sub3A_287, %mul3A_244 : vector<16xf32>
      %add3A_289 = arith.addf %mul3A_284, %mul3A_288 : vector<16xf32>
      %mul3A_290 = arith.mulf %add3A_289, %add3A_289 : vector<16xf32>
      %mul3A_291 = arith.mulf %mul3A_290, %add3A_289 : vector<16xf32>
      %mul3A_292 = arith.mulf %get3A_175, %mul3A_244 : vector<16xf32>
      %mul3A_293 = arith.mulf %get3A_177, %mul3A_244 : vector<16xf32>
      %mul3A_294 = arith.mulf %get3A_179, %mul3A_244 : vector<16xf32>
      %mul3A_295 = arith.mulf %mul3A_292, %gather3A_184 : vector<16xf32>
      %mul3A_296 = arith.mulf %mul3A_293, %gather3A_185 : vector<16xf32>
      %add3A_297 = arith.addf %mul3A_295, %mul3A_296 : vector<16xf32>
      %mul3A_298 = arith.mulf %mul3A_294, %gather3A_186 : vector<16xf32>
      %add3A_299 = arith.addf %add3A_297, %mul3A_298 : vector<16xf32>
      %mul3A_300 = arith.mulf %mul3A_292, %gather3A_180 : vector<16xf32>
      %mul3A_301 = arith.mulf %mul3A_293, %gather3A_181 : vector<16xf32>
      %add3A_302 = arith.addf %mul3A_300, %mul3A_301 : vector<16xf32>
      %mul3A_303 = arith.mulf %mul3A_294, %gather3A_182 : vector<16xf32>
      %add3A_304 = arith.addf %add3A_302, %mul3A_303 : vector<16xf32>
      %mul3A_305 = arith.mulf %gather3A_180, %gather3A_184 : vector<16xf32>
      %mul3A_306 = arith.mulf %gather3A_181, %gather3A_185 : vector<16xf32>
      %add3A_307 = arith.addf %mul3A_305, %mul3A_306 : vector<16xf32>
      %mul3A_308 = arith.mulf %gather3A_182, %gather3A_186 : vector<16xf32>
      %add3A_309 = arith.addf %add3A_307, %mul3A_308 : vector<16xf32>
      %mul3A_310 = arith.mulf %gather3A, %gather3A_183 : vector<16xf32>
      %mul3A_311 = arith.mulf %mul3A_310, %add3A_289 : vector<16xf32>
      %mul3A_312 = arith.constant 2.000000e+00 : f32
      %mul3A_313 = vector.broadcast %mul3A_312 : f32 to vector<16xf32>
      %mul3A_314 = arith.mulf %mul3A_313, %gather3A : vector<16xf32>
      %mul3A_315 = arith.mulf %mul3A_314, %add3A_299 : vector<16xf32>
      %mul3A_316 = arith.mulf %mul3A_315, %mul3A_290 : vector<16xf32>
      %add3A_317 = arith.addf %mul3A_311, %mul3A_316 : vector<16xf32>
      %mul3A_318 = arith.constant 3.000000e+00 : f32
      %mul3A_319 = vector.broadcast %mul3A_318 : f32 to vector<16xf32>
      %mul3A_320 = arith.mulf %mul3A_319, %add3A_299 : vector<16xf32>
      %mul3A_321 = arith.mulf %mul3A_320, %add3A_304 : vector<16xf32>
      %sub3A_322 = arith.subf %add3A_309, %mul3A_321 : vector<16xf32>
      %mul3A_323 = arith.mulf %sub3A_322, %mul3A_291 : vector<16xf32>
      %add3A_324 = arith.addf %add3A_317, %mul3A_323 : vector<16xf32>
      %mul3A_325 = arith.constant 7.1998229 : f32
      %mul3A_326 = vector.broadcast %mul3A_325 : f32 to vector<16xf32>
      %mul3A_327 = arith.mulf %mul3A_326, %add3A_324 : vector<16xf32>
      %le3A = arith.constant 1.000000e+01 : f32
      %le3A_328 = vector.broadcast %le3A : f32 to vector<16xf32>
      %le3A_329 = arith.cmpf ole, %get3A_173, %le3A_328 : vector<16xf32>
      %broadcast_in_dim3A_330 = arith.constant 0.000000e+00 : f32
      %broadcast_in_dim3A_331 = vector.broadcast %broadcast_in_dim3A_330 : f32 to vector<16xf32>
      %select_n3A_332 = arith.select %le3A_329, %mul3A_327, %broadcast_in_dim3A_331 : vector<16xi1>, vector<16xf32>
      %swap3A = arith.index_cast %mul3A_160 : i32 to index
      %swap3A_333 = tpu.vector_load %arg18[%swap3A] {strides = array<i32>} : memref<2000xf32, #tpu.memory_space<vmem>>, vector<16xf32>,
      tpu.vector_store %arg18[%swap3A], %select_n3A_332 {strides = array<i32>} : memref<2000xf32, #tpu.memory_space<vmem>>, vector<16xf32>,
    }
    %scan3A_115 = arith.constant 125 : i32
    %dma_start3A_116 = tpu.memref_slice %arg9[%mul3A_109] : memref<6400000xf32, #tpu.memory_space<hbm>> -> memref<2000xf32, #tpu.memory_space<hbm>>
    %dma_start3A_117 = tpu.memref_slice %arg9[%mul3A_109] : memref<6400000xf32, #tpu.memory_space<hbm>> -> memref<2000xf32, #tpu.memory_space<hbm>>
    tpu.enqueue_dma source(%arg18 : memref<2000xf32, #tpu.memory_space<vmem>>) target(%dma_start3A_117 : memref<2000xf32, #tpu.memory_space<hbm>>) target_semaphore(%arg21 : memref<!tpu.dma_semaphore, #tpu.memory_space<semaphore_mem>>)
    %add3A_118 = arith.constant 99 : i32
    %add3A_119 = arith.addi %mul3A_2, %add3A_118 : i32
    %mul3A_120 = arith.constant 2000 : i32
    %mul3A_121 = arith.muli %add3A_119, %mul3A_120 : i32
    "tpu.region"() ({
      %run_scoped3A = tpu.sem_alloc : memref<!tpu.dma_semaphore, #tpu.memory_space<semaphore_mem>>
      %dma_start3A_158 = tpu.memref_slice %arg2[%mul3A_121] : memref<6400000xf32, #tpu.memory_space<hbm>> -> memref<2000xf32, #tpu.memory_space<hbm>>
      %dma_start3A_159 = tpu.memref_slice %arg2[%mul3A_121] : memref<6400000xf32, #tpu.memory_space<hbm>> -> memref<2000xf32, #tpu.memory_space<hbm>>
      tpu.enqueue_dma source(%dma_start3A_159 : memref<2000xf32, #tpu.memory_space<hbm>>) target(%arg26 : memref<2000xf32, #tpu.memory_space<vmem>>) target_semaphore(%run_scoped3A : memref<!tpu.dma_semaphore, #tpu.memory_space<semaphore_mem>>)
      %dma_wait3A_160 = tpu.memref_slice %arg2[%mul3A_121] : memref<6400000xf32, #tpu.memory_space<hbm>> -> memref<2000xf32, #tpu.memory_space<hbm>>
      %dma_wait3A_161 = tpu.memref_slice %arg2[%mul3A_121] : memref<6400000xf32, #tpu.memory_space<hbm>> -> memref<2000xf32, #tpu.memory_space<hbm>>
      tpu.wait_dma2 semaphore(%run_scoped3A : memref<!tpu.dma_semaphore, #tpu.memory_space<semaphore_mem>>) src(%dma_wait3A_161 : memref<2000xf32, #tpu.memory_space<hbm>>) dst(%arg26 : memref<2000xf32, #tpu.memory_space<vmem>>)
      tpu.yield
    }) : () -> ()
    "tpu.region"() ({
      %run_scoped3A = tpu.sem_alloc : memref<!tpu.dma_semaphore, #tpu.memory_space<semaphore_mem>>
      %dma_start3A_158 = tpu.memref_slice %arg3[%mul3A_121] : memref<6400000xf32, #tpu.memory_space<hbm>> -> memref<2000xf32, #tpu.memory_space<hbm>>
      %dma_start3A_159 = tpu.memref_slice %arg3[%mul3A_121] : memref<6400000xf32, #tpu.memory_space<hbm>> -> memref<2000xf32, #tpu.memory_space<hbm>>
      tpu.enqueue_dma source(%dma_start3A_159 : memref<2000xf32, #tpu.memory_space<hbm>>) target(%arg27 : memref<2000xf32, #tpu.memory_space<vmem>>) target_semaphore(%run_scoped3A : memref<!tpu.dma_semaphore, #tpu.memory_space<semaphore_mem>>)
      %dma_wait3A_160 = tpu.memref_slice %arg3[%mul3A_121] : memref<6400000xf32, #tpu.memory_space<hbm>> -> memref<2000xf32, #tpu.memory_space<hbm>>
      %dma_wait3A_161 = tpu.memref_slice %arg3[%mul3A_121] : memref<6400000xf32, #tpu.memory_space<hbm>> -> memref<2000xf32, #tpu.memory_space<hbm>>
      tpu.wait_dma2 semaphore(%run_scoped3A : memref<!tpu.dma_semaphore, #tpu.memory_space<semaphore_mem>>) src(%dma_wait3A_161 : memref<2000xf32, #tpu.memory_space<hbm>>) dst(%arg27 : memref<2000xf32, #tpu.memory_space<vmem>>)
      tpu.yield
    }) : () -> ()
    "tpu.region"() ({
      %run_scoped3A = tpu.sem_alloc : memref<!tpu.dma_semaphore, #tpu.memory_space<semaphore_mem>>
      %dma_start3A_158 = tpu.memref_slice %arg4[%mul3A_121] : memref<6400000xf32, #tpu.memory_space<hbm>> -> memref<2000xf32, #tpu.memory_space<hbm>>
      %dma_start3A_159 = tpu.memref_slice %arg4[%mul3A_121] : memref<6400000xf32, #tpu.memory_space<hbm>> -> memref<2000xf32, #tpu.memory_space<hbm>>
      tpu.enqueue_dma source(%dma_start3A_159 : memref<2000xf32, #tpu.memory_space<hbm>>) target(%arg28 : memref<2000xf32, #tpu.memory_space<vmem>>) target_semaphore(%run_scoped3A : memref<!tpu.dma_semaphore, #tpu.memory_space<semaphore_mem>>)
      %dma_wait3A_160 = tpu.memref_slice %arg4[%mul3A_121] : memref<6400000xf32, #tpu.memory_space<hbm>> -> memref<2000xf32, #tpu.memory_space<hbm>>
      %dma_wait3A_161 = tpu.memref_slice %arg4[%mul3A_121] : memref<6400000xf32, #tpu.memory_space<hbm>> -> memref<2000xf32, #tpu.memory_space<hbm>>
      tpu.wait_dma2 semaphore(%run_scoped3A : memref<!tpu.dma_semaphore, #tpu.memory_space<semaphore_mem>>) src(%dma_wait3A_161 : memref<2000xf32, #tpu.memory_space<hbm>>) dst(%arg28 : memref<2000xf32, #tpu.memory_space<vmem>>)
      tpu.yield
    }) : () -> ()
    "tpu.region"() ({
      %run_scoped3A = tpu.sem_alloc : memref<!tpu.dma_semaphore, #tpu.memory_space<semaphore_mem>>
      %dma_start3A_158 = tpu.memref_slice %arg5[%mul3A_121] : memref<6400000xf32, #tpu.memory_space<hbm>> -> memref<2000xf32, #tpu.memory_space<hbm>>
      %dma_start3A_159 = tpu.memref_slice %arg5[%mul3A_121] : memref<6400000xf32, #tpu.memory_space<hbm>> -> memref<2000xf32, #tpu.memory_space<hbm>>
      tpu.enqueue_dma source(%dma_start3A_159 : memref<2000xf32, #tpu.memory_space<hbm>>) target(%arg29 : memref<2000xf32, #tpu.memory_space<vmem>>) target_semaphore(%run_scoped3A : memref<!tpu.dma_semaphore, #tpu.memory_space<semaphore_mem>>)
      %dma_wait3A_160 = tpu.memref_slice %arg5[%mul3A_121] : memref<6400000xf32, #tpu.memory_space<hbm>> -> memref<2000xf32, #tpu.memory_space<hbm>>
      %dma_wait3A_161 = tpu.memref_slice %arg5[%mul3A_121] : memref<6400000xf32, #tpu.memory_space<hbm>> -> memref<2000xf32, #tpu.memory_space<hbm>>
      tpu.wait_dma2 semaphore(%run_scoped3A : memref<!tpu.dma_semaphore, #tpu.memory_space<semaphore_mem>>) src(%dma_wait3A_161 : memref<2000xf32, #tpu.memory_space<hbm>>) dst(%arg29 : memref<2000xf32, #tpu.memory_space<vmem>>)
      tpu.yield
    }) : () -> ()
    %dma_wait3A_122 = arith.constant 0 : i32
    %dma_wait3A_123 = arith.constant 0 : i32
    %dma_wait3A_124 = tpu.memref_slice %arg6[%dma_wait3A_122, %dma_wait3A_123] : memref<100000x4xf32, #tpu.memory_space<hbm>> -> memref<100000x4xf32, #tpu.memory_space<hbm>>
    tpu.wait_indirect_dma semaphore(%arg31 : memref<!tpu.dma_semaphore, #tpu.memory_space<semaphore_mem>>) src(%dma_wait3A_124 : memref<100000x4xf32, #tpu.memory_space<hbm>>) dst(%arg24 : memref<2000x4xf32, #tpu.memory_space<vmem>>)
    %dma_wait3A_125 = arith.constant 0 : i32
    %dma_wait3A_126 = arith.constant 0 : i32
    %dma_wait3A_127 = tpu.memref_slice %arg6[%dma_wait3A_125, %dma_wait3A_126] : memref<100000x4xf32, #tpu.memory_space<hbm>> -> memref<100000x4xf32, #tpu.memory_space<hbm>>
    tpu.wait_indirect_dma semaphore(%arg31 : memref<!tpu.dma_semaphore, #tpu.memory_space<semaphore_mem>>) src(%dma_wait3A_127 : memref<100000x4xf32, #tpu.memory_space<hbm>>) dst(%arg25 : memref<2000x4xf32, #tpu.memory_space<vmem>>)
    %add3A_128 = arith.constant 97 : i32
    %add3A_129 = arith.addi %mul3A_2, %add3A_128 : i32
    %mul3A_130 = arith.constant 2000 : i32
    %mul3A_131 = arith.muli %add3A_129, %mul3A_130 : i32
    %dma_wait3A_132 = tpu.memref_slice %arg9[%mul3A_131] : memref<6400000xf32, #tpu.memory_space<hbm>> -> memref<2000xf32, #tpu.memory_space<hbm>>
    %dma_wait3A_133 = tpu.memref_slice %arg9[%mul3A_131] : memref<6400000xf32, #tpu.memory_space<hbm>> -> memref<2000xf32, #tpu.memory_space<hbm>>
    tpu.wait_dma2 semaphore(%arg33 : memref<!tpu.dma_semaphore, #tpu.memory_space<semaphore_mem>>) src(%arg30 : memref<2000xf32, #tpu.memory_space<vmem>>) dst(%dma_wait3A_133 : memref<2000xf32, #tpu.memory_space<hbm>>)
    %add3A_134 = arith.constant 99 : i32
    %add3A_135 = arith.addi %mul3A_2, %add3A_134 : i32
    %mul3A_136 = arith.constant 2000 : i32
    %mul3A_137 = arith.muli %add3A_135, %mul3A_136 : i32
    %scan3A_138 = arith.constant 0 : i32
    %scan3A_139 = arith.constant 0 : i32
    %scan3A_140 = arith.constant 125 : i32
    %scan3A_141 = arith.addi %scan3A_139, %scan3A_140 : i32
    %scan3A_142 = arith.constant 1 : i32
    scf.for %scan3A_158 = %scan3A_139 to %scan3A_141 step %scan3A_142  : i32 {
      %mul3A_159 = arith.constant 16 : i32
      %mul3A_160 = arith.muli %scan3A_158, %mul3A_159 : i32
      %iota3A = tpu.iota {dimensions = array<i32: 0>} : vector<16xi32>
      %add3A_161 = vector.broadcast %mul3A_160 : i32 to vector<16xi32>
      %add3A_162 = arith.addi %iota3A, %add3A_161 : vector<16xi32>
      %broadcast_in_dim3A = arith.constant 0 : i32
      %broadcast_in_dim3A_163 = vector.broadcast %broadcast_in_dim3A : i32 to vector<16xi32>
      %add3A_164 = arith.constant 1 : i32
      %add3A_165 = vector.broadcast %add3A_164 : i32 to vector<16xi32>
      %add3A_166 = arith.addi %broadcast_in_dim3A_163, %add3A_165 : vector<16xi32>
      %add3A_167 = arith.constant 2 : i32
      %add3A_168 = vector.broadcast %add3A_167 : i32 to vector<16xi32>
      %add3A_169 = arith.addi %broadcast_in_dim3A_163, %add3A_168 : vector<16xi32>
      %add3A_170 = arith.constant 3 : i32
      %add3A_171 = vector.broadcast %add3A_170 : i32 to vector<16xi32>
      %add3A_172 = arith.addi %broadcast_in_dim3A_163, %add3A_171 : vector<16xi32>
      %get3A = arith.index_cast %mul3A_160 : i32 to index
      %get3A_173 = tpu.vector_load %arg26[%get3A] {strides = array<i32>} : memref<2000xf32, #tpu.memory_space<vmem>>, vector<16xf32>,
      %get3A_174 = arith.index_cast %mul3A_160 : i32 to index
      %get3A_175 = tpu.vector_load %arg27[%get3A_174] {strides = array<i32>} : memref<2000xf32, #tpu.memory_space<vmem>>, vector<16xf32>,
      %get3A_176 = arith.index_cast %mul3A_160 : i32 to index
      %get3A_177 = tpu.vector_load %arg28[%get3A_176] {strides = array<i32>} : memref<2000xf32, #tpu.memory_space<vmem>>, vector<16xf32>,
      %get3A_178 = arith.index_cast %mul3A_160 : i32 to index
      %get3A_179 = tpu.vector_load %arg29[%get3A_178] {strides = array<i32>} : memref<2000xf32, #tpu.memory_space<vmem>>, vector<16xf32>,
      %gather3A = tpu.vector_load_idx %arg24[%add3A_162, %broadcast_in_dim3A_163] : memref<2000x4xf32, #tpu.memory_space<vmem>>[vector<16xi32>, vector<16xi32>], vector<16xf32>,
      %gather3A_180 = tpu.vector_load_idx %arg24[%add3A_162, %add3A_166] : memref<2000x4xf32, #tpu.memory_space<vmem>>[vector<16xi32>, vector<16xi32>], vector<16xf32>,
      %gather3A_181 = tpu.vector_load_idx %arg24[%add3A_162, %add3A_169] : memref<2000x4xf32, #tpu.memory_space<vmem>>[vector<16xi32>, vector<16xi32>], vector<16xf32>,
      %gather3A_182 = tpu.vector_load_idx %arg24[%add3A_162, %add3A_172] : memref<2000x4xf32, #tpu.memory_space<vmem>>[vector<16xi32>, vector<16xi32>], vector<16xf32>,
      %gather3A_183 = tpu.vector_load_idx %arg25[%add3A_162, %broadcast_in_dim3A_163] : memref<2000x4xf32, #tpu.memory_space<vmem>>[vector<16xi32>, vector<16xi32>], vector<16xf32>,
      %gather3A_184 = tpu.vector_load_idx %arg25[%add3A_162, %add3A_166] : memref<2000x4xf32, #tpu.memory_space<vmem>>[vector<16xi32>, vector<16xi32>], vector<16xf32>,
      %gather3A_185 = tpu.vector_load_idx %arg25[%add3A_162, %add3A_169] : memref<2000x4xf32, #tpu.memory_space<vmem>>[vector<16xi32>, vector<16xi32>], vector<16xf32>,
      %gather3A_186 = tpu.vector_load_idx %arg25[%add3A_162, %add3A_172] : memref<2000x4xf32, #tpu.memory_space<vmem>>[vector<16xi32>, vector<16xi32>], vector<16xf32>,
      %mul3A_187 = arith.constant 5.000000e-01 : f32
      %mul3A_188 = vector.broadcast %mul3A_187 : f32 to vector<16xf32>
      %mul3A_189 = arith.mulf %get3A_173, %mul3A_188 : vector<16xf32>
      %mul3A_190 = arith.mulf %mul3A_189, %mul3A_189 : vector<16xf32>
      %mul3A_191 = arith.mulf %mul3A_190, %mul3A_189 : vector<16xf32>
      %mul3A_192 = arith.mulf %mul3A_191, %mul3A_189 : vector<16xf32>
      %mul3A_193 = arith.mulf %mul3A_192, %mul3A_189 : vector<16xf32>
      %mul3A_194 = arith.constant 1.000000e+01 : f32
      %mul3A_195 = vector.broadcast %mul3A_194 : f32 to vector<16xf32>
      %mul3A_196 = arith.mulf %mul3A_195, %mul3A_191 : vector<16xf32>
      %sub3A = arith.constant 1.000000e+00 : f32
      %sub3A_197 = vector.broadcast %sub3A : f32 to vector<16xf32>
      %sub3A_198 = arith.subf %sub3A_197, %mul3A_196 : vector<16xf32>
      %mul3A_199 = arith.constant 1.500000e+01 : f32
      %mul3A_200 = vector.broadcast %mul3A_199 : f32 to vector<16xf32>
      %mul3A_201 = arith.mulf %mul3A_200, %mul3A_192 : vector<16xf32>
      %add3A_202 = arith.addf %sub3A_198, %mul3A_201 : vector<16xf32>
      %mul3A_203 = arith.constant 6.000000e+00 : f32
      %mul3A_204 = vector.broadcast %mul3A_203 : f32 to vector<16xf32>
      %mul3A_205 = arith.mulf %mul3A_204, %mul3A_193 : vector<16xf32>
      %sub3A_206 = arith.subf %add3A_202, %mul3A_205 : vector<16xf32>
      %lt3A = arith.constant 1.000000e+00 : f32
      %lt3A_207 = vector.broadcast %lt3A : f32 to vector<16xf32>
      %lt3A_208 = arith.cmpf olt, %mul3A_189, %lt3A_207 : vector<16xf32>
      %broadcast_in_dim3A_209 = arith.constant 0.000000e+00 : f32
      %broadcast_in_dim3A_210 = vector.broadcast %broadcast_in_dim3A_209 : f32 to vector<16xf32>
      %select_n3A = arith.select %lt3A_208, %sub3A_206, %broadcast_in_dim3A_210 : vector<16xi1>, vector<16xf32>
      %mul3A_211 = arith.mulf %get3A_173, %get3A_173 : vector<16xf32>
      %bitcast3A = vector.bitcast %mul3A_211 : vector<16xf32> to vector<16xi32>
      %shift_right_arithmetic3A = arith.constant 1 : i32
      %shift_right_arithmetic3A_212 = vector.broadcast %shift_right_arithmetic3A : i32 to vector<16xi32>
      %shift_right_arithmetic3A_213 = arith.shrsi %bitcast3A, %shift_right_arithmetic3A_212 : vector<16xi32>
      %sub3A_214 = arith.constant 1597463007 : i32
      %sub3A_215 = vector.broadcast %sub3A_214 : i32 to vector<16xi32>
      %sub3A_216 = arith.subi %sub3A_215, %shift_right_arithmetic3A_213 : vector<16xi32>
      %bitcast3A_217 = vector.bitcast %sub3A_216 : vector<16xi32> to vector<16xf32>
      %mul3A_218 = arith.constant 5.000000e-01 : f32
      %mul3A_219 = vector.broadcast %mul3A_218 : f32 to vector<16xf32>
      %mul3A_220 = arith.mulf %mul3A_219, %mul3A_211 : vector<16xf32>
      %mul3A_221 = arith.mulf %mul3A_220, %bitcast3A_217 : vector<16xf32>
      %mul3A_222 = arith.mulf %mul3A_221, %bitcast3A_217 : vector<16xf32>
      %sub3A_223 = arith.constant 1.500000e+00 : f32
      %sub3A_224 = vector.broadcast %sub3A_223 : f32 to vector<16xf32>
      %sub3A_225 = arith.subf %sub3A_224, %mul3A_222 : vector<16xf32>
      %mul3A_226 = arith.mulf %bitcast3A_217, %sub3A_225 : vector<16xf32>
      %mul3A_227 = arith.constant 5.000000e-01 : f32
      %mul3A_228 = vector.broadcast %mul3A_227 : f32 to vector<16xf32>
      %mul3A_229 = arith.mulf %mul3A_228, %mul3A_211 : vector<16xf32>
      %mul3A_230 = arith.mulf %mul3A_229, %mul3A_226 : vector<16xf32>
      %mul3A_231 = arith.mulf %mul3A_230, %mul3A_226 : vector<16xf32>
      %sub3A_232 = arith.constant 1.500000e+00 : f32
      %sub3A_233 = vector.broadcast %sub3A_232 : f32 to vector<16xf32>
      %sub3A_234 = arith.subf %sub3A_233, %mul3A_231 : vector<16xf32>
      %mul3A_235 = arith.mulf %mul3A_226, %sub3A_234 : vector<16xf32>
      %mul3A_236 = arith.constant 5.000000e-01 : f32
      %mul3A_237 = vector.broadcast %mul3A_236 : f32 to vector<16xf32>
      %mul3A_238 = arith.mulf %mul3A_237, %mul3A_211 : vector<16xf32>
      %mul3A_239 = arith.mulf %mul3A_238, %mul3A_235 : vector<16xf32>
      %mul3A_240 = arith.mulf %mul3A_239, %mul3A_235 : vector<16xf32>
      %sub3A_241 = arith.constant 1.500000e+00 : f32
      %sub3A_242 = vector.broadcast %sub3A_241 : f32 to vector<16xf32>
      %sub3A_243 = arith.subf %sub3A_242, %mul3A_240 : vector<16xf32>
      %mul3A_244 = arith.mulf %mul3A_235, %sub3A_243 : vector<16xf32>
      %mul3A_245 = arith.mulf %get3A_173, %get3A_173 : vector<16xf32>
      %add3A_246 = arith.constant 1.000000e+00 : f32
      %add3A_247 = vector.broadcast %add3A_246 : f32 to vector<16xf32>
      %add3A_248 = arith.addf %mul3A_245, %add3A_247 : vector<16xf32>
      %bitcast3A_249 = vector.bitcast %add3A_248 : vector<16xf32> to vector<16xi32>
      %shift_right_arithmetic3A_250 = arith.constant 1 : i32
      %shift_right_arithmetic3A_251 = vector.broadcast %shift_right_arithmetic3A_250 : i32 to vector<16xi32>
      %shift_right_arithmetic3A_252 = arith.shrsi %bitcast3A_249, %shift_right_arithmetic3A_251 : vector<16xi32>
      %sub3A_253 = arith.constant 1597463007 : i32
      %sub3A_254 = vector.broadcast %sub3A_253 : i32 to vector<16xi32>
      %sub3A_255 = arith.subi %sub3A_254, %shift_right_arithmetic3A_252 : vector<16xi32>
      %bitcast3A_256 = vector.bitcast %sub3A_255 : vector<16xi32> to vector<16xf32>
      %mul3A_257 = arith.constant 5.000000e-01 : f32
      %mul3A_258 = vector.broadcast %mul3A_257 : f32 to vector<16xf32>
      %mul3A_259 = arith.mulf %mul3A_258, %add3A_248 : vector<16xf32>
      %mul3A_260 = arith.mulf %mul3A_259, %bitcast3A_256 : vector<16xf32>
      %mul3A_261 = arith.mulf %mul3A_260, %bitcast3A_256 : vector<16xf32>
      %sub3A_262 = arith.constant 1.500000e+00 : f32
      %sub3A_263 = vector.broadcast %sub3A_262 : f32 to vector<16xf32>
      %sub3A_264 = arith.subf %sub3A_263, %mul3A_261 : vector<16xf32>
      %mul3A_265 = arith.mulf %bitcast3A_256, %sub3A_264 : vector<16xf32>
      %mul3A_266 = arith.constant 5.000000e-01 : f32
      %mul3A_267 = vector.broadcast %mul3A_266 : f32 to vector<16xf32>
      %mul3A_268 = arith.mulf %mul3A_267, %add3A_248 : vector<16xf32>
      %mul3A_269 = arith.mulf %mul3A_268, %mul3A_265 : vector<16xf32>
      %mul3A_270 = arith.mulf %mul3A_269, %mul3A_265 : vector<16xf32>
      %sub3A_271 = arith.constant 1.500000e+00 : f32
      %sub3A_272 = vector.broadcast %sub3A_271 : f32 to vector<16xf32>
      %sub3A_273 = arith.subf %sub3A_272, %mul3A_270 : vector<16xf32>
      %mul3A_274 = arith.mulf %mul3A_265, %sub3A_273 : vector<16xf32>
      %mul3A_275 = arith.constant 5.000000e-01 : f32
      %mul3A_276 = vector.broadcast %mul3A_275 : f32 to vector<16xf32>
      %mul3A_277 = arith.mulf %mul3A_276, %add3A_248 : vector<16xf32>
      %mul3A_278 = arith.mulf %mul3A_277, %mul3A_274 : vector<16xf32>
      %mul3A_279 = arith.mulf %mul3A_278, %mul3A_274 : vector<16xf32>
      %sub3A_280 = arith.constant 1.500000e+00 : f32
      %sub3A_281 = vector.broadcast %sub3A_280 : f32 to vector<16xf32>
      %sub3A_282 = arith.subf %sub3A_281, %mul3A_279 : vector<16xf32>
      %mul3A_283 = arith.mulf %mul3A_274, %sub3A_282 : vector<16xf32>
      %mul3A_284 = arith.mulf %select_n3A, %mul3A_283 : vector<16xf32>
      %sub3A_285 = arith.constant 1.000000e+00 : f32
      %sub3A_286 = vector.broadcast %sub3A_285 : f32 to vector<16xf32>
      %sub3A_287 = arith.subf %sub3A_286, %select_n3A : vector<16xf32>
      %mul3A_288 = arith.mulf %sub3A_287, %mul3A_244 : vector<16xf32>
      %add3A_289 = arith.addf %mul3A_284, %mul3A_288 : vector<16xf32>
      %mul3A_290 = arith.mulf %add3A_289, %add3A_289 : vector<16xf32>
      %mul3A_291 = arith.mulf %mul3A_290, %add3A_289 : vector<16xf32>
      %mul3A_292 = arith.mulf %get3A_175, %mul3A_244 : vector<16xf32>
      %mul3A_293 = arith.mulf %get3A_177, %mul3A_244 : vector<16xf32>
      %mul3A_294 = arith.mulf %get3A_179, %mul3A_244 : vector<16xf32>
      %mul3A_295 = arith.mulf %mul3A_292, %gather3A_184 : vector<16xf32>
      %mul3A_296 = arith.mulf %mul3A_293, %gather3A_185 : vector<16xf32>
      %add3A_297 = arith.addf %mul3A_295, %mul3A_296 : vector<16xf32>
      %mul3A_298 = arith.mulf %mul3A_294, %gather3A_186 : vector<16xf32>
      %add3A_299 = arith.addf %add3A_297, %mul3A_298 : vector<16xf32>
      %mul3A_300 = arith.mulf %mul3A_292, %gather3A_180 : vector<16xf32>
      %mul3A_301 = arith.mulf %mul3A_293, %gather3A_181 : vector<16xf32>
      %add3A_302 = arith.addf %mul3A_300, %mul3A_301 : vector<16xf32>
      %mul3A_303 = arith.mulf %mul3A_294, %gather3A_182 : vector<16xf32>
      %add3A_304 = arith.addf %add3A_302, %mul3A_303 : vector<16xf32>
      %mul3A_305 = arith.mulf %gather3A_180, %gather3A_184 : vector<16xf32>
      %mul3A_306 = arith.mulf %gather3A_181, %gather3A_185 : vector<16xf32>
      %add3A_307 = arith.addf %mul3A_305, %mul3A_306 : vector<16xf32>
      %mul3A_308 = arith.mulf %gather3A_182, %gather3A_186 : vector<16xf32>
      %add3A_309 = arith.addf %add3A_307, %mul3A_308 : vector<16xf32>
      %mul3A_310 = arith.mulf %gather3A, %gather3A_183 : vector<16xf32>
      %mul3A_311 = arith.mulf %mul3A_310, %add3A_289 : vector<16xf32>
      %mul3A_312 = arith.constant 2.000000e+00 : f32
      %mul3A_313 = vector.broadcast %mul3A_312 : f32 to vector<16xf32>
      %mul3A_314 = arith.mulf %mul3A_313, %gather3A : vector<16xf32>
      %mul3A_315 = arith.mulf %mul3A_314, %add3A_299 : vector<16xf32>
      %mul3A_316 = arith.mulf %mul3A_315, %mul3A_290 : vector<16xf32>
      %add3A_317 = arith.addf %mul3A_311, %mul3A_316 : vector<16xf32>
      %mul3A_318 = arith.constant 3.000000e+00 : f32
      %mul3A_319 = vector.broadcast %mul3A_318 : f32 to vector<16xf32>
      %mul3A_320 = arith.mulf %mul3A_319, %add3A_299 : vector<16xf32>
      %mul3A_321 = arith.mulf %mul3A_320, %add3A_304 : vector<16xf32>
      %sub3A_322 = arith.subf %add3A_309, %mul3A_321 : vector<16xf32>
      %mul3A_323 = arith.mulf %sub3A_322, %mul3A_291 : vector<16xf32>
      %add3A_324 = arith.addf %add3A_317, %mul3A_323 : vector<16xf32>
      %mul3A_325 = arith.constant 7.1998229 : f32
      %mul3A_326 = vector.broadcast %mul3A_325 : f32 to vector<16xf32>
      %mul3A_327 = arith.mulf %mul3A_326, %add3A_324 : vector<16xf32>
      %le3A = arith.constant 1.000000e+01 : f32
      %le3A_328 = vector.broadcast %le3A : f32 to vector<16xf32>
      %le3A_329 = arith.cmpf ole, %get3A_173, %le3A_328 : vector<16xf32>
      %broadcast_in_dim3A_330 = arith.constant 0.000000e+00 : f32
      %broadcast_in_dim3A_331 = vector.broadcast %broadcast_in_dim3A_330 : f32 to vector<16xf32>
      %select_n3A_332 = arith.select %le3A_329, %mul3A_327, %broadcast_in_dim3A_331 : vector<16xi1>, vector<16xf32>
      %swap3A = arith.index_cast %mul3A_160 : i32 to index
      %swap3A_333 = tpu.vector_load %arg30[%swap3A] {strides = array<i32>} : memref<2000xf32, #tpu.memory_space<vmem>>, vector<16xf32>,
      tpu.vector_store %arg30[%swap3A], %select_n3A_332 {strides = array<i32>} : memref<2000xf32, #tpu.memory_space<vmem>>, vector<16xf32>,
    }
    %scan3A_143 = arith.constant 125 : i32
    %dma_start3A_144 = tpu.memref_slice %arg9[%mul3A_137] : memref<6400000xf32, #tpu.memory_space<hbm>> -> memref<2000xf32, #tpu.memory_space<hbm>>
    %dma_start3A_145 = tpu.memref_slice %arg9[%mul3A_137] : memref<6400000xf32, #tpu.memory_space<hbm>> -> memref<2000xf32, #tpu.memory_space<hbm>>
    tpu.enqueue_dma source(%arg30 : memref<2000xf32, #tpu.memory_space<vmem>>) target(%dma_start3A_145 : memref<2000xf32, #tpu.memory_space<hbm>>) target_semaphore(%arg33 : memref<!tpu.dma_semaphore, #tpu.memory_space<semaphore_mem>>)
    %add3A_146 = arith.constant 98 : i32
    %add3A_147 = arith.addi %mul3A_2, %add3A_146 : i32
    %mul3A_148 = arith.constant 2000 : i32
    %mul3A_149 = arith.muli %add3A_147, %mul3A_148 : i32
    %dma_wait3A_150 = tpu.memref_slice %arg9[%mul3A_149] : memref<6400000xf32, #tpu.memory_space<hbm>> -> memref<2000xf32, #tpu.memory_space<hbm>>
    %dma_wait3A_151 = tpu.memref_slice %arg9[%mul3A_149] : memref<6400000xf32, #tpu.memory_space<hbm>> -> memref<2000xf32, #tpu.memory_space<hbm>>
    tpu.wait_dma2 semaphore(%arg21 : memref<!tpu.dma_semaphore, #tpu.memory_space<semaphore_mem>>) src(%arg18 : memref<2000xf32, #tpu.memory_space<vmem>>) dst(%dma_wait3A_151 : memref<2000xf32, #tpu.memory_space<hbm>>)
    %add3A_152 = arith.constant 99 : i32
    %add3A_153 = arith.addi %mul3A_2, %add3A_152 : i32
    %mul3A_154 = arith.constant 2000 : i32
    %mul3A_155 = arith.muli %add3A_153, %mul3A_154 : i32
    %dma_wait3A_156 = tpu.memref_slice %arg9[%mul3A_155] : memref<6400000xf32, #tpu.memory_space<hbm>> -> memref<2000xf32, #tpu.memory_space<hbm>>
    %dma_wait3A_157 = tpu.memref_slice %arg9[%mul3A_155] : memref<6400000xf32, #tpu.memory_space<hbm>> -> memref<2000xf32, #tpu.memory_space<hbm>>
    tpu.wait_dma2 semaphore(%arg33 : memref<!tpu.dma_semaphore, #tpu.memory_space<semaphore_mem>>) src(%arg30 : memref<2000xf32, #tpu.memory_space<vmem>>) dst(%dma_wait3A_157 : memref<2000xf32, #tpu.memory_space<hbm>>)
    return
  }
}

</mosaic_0001>

<sc_bundles>
// kernel: kernel.3.cloned.1.call-start
scs
__scs_entry_jumppad:
0x0: {  	(pc) =	sbr.rel $0x88, $3  }
0x1: {  	(tag) =	ssettag $0x0;
	lr =	simm.s32 $0x1  }
0x2: {  	[smem:$0x3F9B] =	sst lr;
	_ =	strace $0xD0000000  }
0x3: {  	_ = 	snop  }
0x4: {  	_ = 	snop  }
0x5: {  	_ = 	snop  }
0x6: {  	_ = 	snop  }
0x7: {  	_ = 	snop  }
__scs_overlays_trampoline_lowered:
0x8: {  	[smem:$0x3FAA] =	sst s0  }
0x9: {  	[smem:$0x3FAB] =	sst s1  }
0xa: {  	[smem:$0x3FAC] =	sst s2  }
0xb: {  	[smem:$0x3FAD] =	sst s3  }
0xc: {  	[smem:$0x3FAE] =	sst s4  }
0xd: {  	[smem:$0x3FAF] =	sst s5  }
0xe: {  	[smem:$0x3FB0] =	sst s6  }
0xf: {  	[smem:$0x3FB1] =	sst s7  }
0x10: {  	[smem:$0x3FB2] =	sst s8  }
0x11: {  	[smem:$0x3FB3] =	sst s9;
	s0 =	simm.s32 @!p0 $0x0  }
0x12: {  	s1 =	sld [smem:$0x3F99];
	s0 =	simm.s32 @p0 $0x1  }
0x13: {  	[smem:$0x3FB4] =	sst s0;
	s0 =	simm.s32 @!p1 $0x0  }
0x14: {  	s2 =	sld [smem:$0x3F98];
	s0 =	simm.s32 @p1 $0x1  }
0x15: {  	[smem:$0x3FB5] =	sst s0;
	s0 =	simm.s32 @!p2 $0x0  }
0x16: {  	s3 =	sld [smem:$0x3FDB];
	s0 =	simm.s32 @p2 $0x1  }
0x17: {  	s4 =	simm.s32 $0x1BF5;
	[smem:$0x3FB7] =	sst s0  }
0x18: {  	s0 =	sld [smem:$0x3F9A];
	_ =	swait.ge [sflag:s4], $0x0  }
0x19: {  	s7 =	sld [smem:$0x3F9B]  }
0x1a: {  	s8 =	sadd.s32 $0xFFFFE003, lr  }
0x1b: {  	s9 =	sadd.s32 $0xFFFFFEF7, lr;
	s5 =	simm.s32 $0xFFFFFFFF;
	p2 =	slt.u32 s8, $0xFFFFF086  }
0x1c: {  	p1 =	slt.u32 s9, $0xF7A;
	s5 =	simm.s32 @!p2 $0x0  }
0x1d: {  	s5 =	simm.s32 @p1 $0x1;
	p0 =	seq.s32 s7, s2  }
0x1e: {  	s7 =	smul.u32 @!p0 $0xF7A, s2;
	p2 =	seq.s32 @!p0 s5, $0x0  }
0x1f: {  	s9 =	smul.u32 $0xF7A, s1;
	s8 =	simm.s32 @!p0 $0x1BF5;
	p2 =	por !p2, p0  }
0x20: {  	[sflag:s8] =	ssyncset.s32 @!p0 $0xFFFFF086;
	s6 =	sadd.s32 @!p0 s3, s7;
	s7 =	simm.s32 @!p0 $0x108  }
0x21: {  	s3 =	sadd.s32 s3, s9;
	s6 =	sadd.s32 @!p0 $0x88, s6;
	s7 =	simm.s32 @p2 $0x1082  }
0x22: {  	[simem:s7], [sflag:s8] =	dma.local @!p0 [hbm:s6], $0xF7A  }
0x23: {  	s9 =	sor.u32 $0xD0000000, s2;
	s6 =	simm.s32 $0x108;
	_ =	swait.ge @!p0 [sflag:s8], $0x0  }
0x24: {  	s3 =	sadd.s32 $0x88, s3;
	s6 =	simm.s32 @!p1 $0x1082;
	[sflag:s4] =	ssyncset.s32 $0xFFFFF086  }
0x25: {  	[simem:s6], [sflag:s4] =	dma.local [hbm:s3], $0xF7A  }
0x26: {  	[smem:$0x3F9B] =	sst s1;
	(tag) =	ssettag s2;
	_ =	strace s9  }
0x27: {  	s1 =	sld [smem:$0x3FAB]  }
0x28: {  	s2 =	sld [smem:$0x3FAC]  }
0x29: {  	s4 =	sld [smem:$0x3FAE]  }
0x2a: {  	p0 =	seq.s32 s5, $0x0;
	s5 =	sld [smem:$0x3FAF]  }
0x2b: {  	s6 =	sld [smem:$0x3FB0]  }
0x2c: {  	s7 =	sld [smem:$0x3FB1]  }
0x2d: {  	s3 =	simm.s32 $0x108;
	s8 =	sld [smem:$0x3FB2]  }
0x2e: {  	s3 =	simm.s32 @!p0 $0x1082;
	s9 =	sld [smem:$0x3FB3]  }
0x2f: {  	lr =	sadd.s32 s0, s3;
	s0 =	sld [smem:$0x3FAA]  }
0x30: {  	s3 =	sld [smem:$0x3FAD]  }
0x31: {  	[smem:$0x3FB6] =	sst s10  }
0x32: {  	s10 =	sld [smem:$0x3FB4];
	_ =	sdelay $0x3  }
0x33: {  	p0 =	seq.s32 s10, $0x1;
	s10 =	sld [smem:$0x3FB6];
	_ =	sdelay $0x3  }
0x34: {  	[smem:$0x3FB6] =	sst s10  }
0x35: {  	s10 =	sld [smem:$0x3FB5];
	_ =	sdelay $0x3  }
0x36: {  	p1 =	seq.s32 s10, $0x1;
	s10 =	sld [smem:$0x3FB6];
	_ =	sdelay $0x3  }
0x37: {  	[smem:$0x3FB6] =	sst s10  }
0x38: {  	s10 =	sld [smem:$0x3FB7]  }
0x39: {  	_ = 	snop;
	(pc) =	sbr.ind lr, $3  }
0x3a: {  	_ = 	snop  }
0x3b: {  	_ = 	snop  }
0x3c: {  	p2 =	seq.s32 s10, $0x1;
	s10 =	sld [smem:$0x3FB6]  }
0x3d: {  	_ =	shalt  }
0x3e: {  	_ =	shalt  }
0x3f: {  	_ =	shalt  }
0x40: {  	_ =	shalt  }
0x41: {  	_ =	shalt  }
0x42: {  	_ =	shalt  }
0x43: {  	_ =	shalt  }
0x44: {  	_ =	shalt  }
0x45: {  	_ =	shalt  }
0x46: {  	_ =	shalt  }
0x47: {  	_ =	shalt  }
0x48: {  	_ =	shalt  }
0x49: {  	_ =	shalt  }
0x4a: {  	_ =	shalt  }
0x4b: {  	_ =	shalt  }
0x4c: {  	_ =	shalt  }
0x4d: {  	_ =	shalt  }
0x4e: {  	_ =	shalt  }
0x4f: {  	_ =	shalt  }
0x50: {  	_ =	shalt  }
0x51: {  	_ =	shalt  }
0x52: {  	_ =	shalt  }
0x53: {  	_ =	shalt  }
0x54: {  	_ =	shalt  }
0x55: {  	_ =	shalt  }
0x56: {  	_ =	shalt  }
0x57: {  	_ =	shalt  }
0x58: {  	_ =	shalt  }
0x59: {  	_ =	shalt  }
0x5a: {  	_ =	shalt  }
0x5b: {  	_ =	shalt  }
0x5c: {  	_ =	shalt  }
0x5d: {  	_ =	shalt  }
0x5e: {  	_ =	shalt  }
0x5f: {  	_ =	shalt  }
0x60: {  	_ =	shalt  }
0x61: {  	_ =	shalt  }
0x62: {  	_ =	shalt  }
0x63: {  	_ =	shalt  }
0x64: {  	_ =	shalt  }
0x65: {  	_ =	shalt  }
0x66: {  	_ =	shalt  }
0x67: {  	_ =	shalt  }
0x68: {  	_ =	shalt  }
0x69: {  	_ =	shalt  }
0x6a: {  	_ =	shalt  }
0x6b: {  	_ =	shalt  }
0x6c: {  	_ =	shalt  }
0x6d: {  	_ =	shalt  }
0x6e: {  	_ =	shalt  }
0x6f: {  	_ =	shalt  }
0x70: {  	_ =	shalt  }
0x71: {  	_ =	shalt  }
0x72: {  	_ =	shalt  }
0x73: {  	_ =	shalt  }
0x74: {  	_ =	shalt  }
0x75: {  	_ =	shalt  }
0x76: {  	_ =	shalt  }
0x77: {  	_ =	shalt  }
0x78: {  	_ =	shalt  }
0x79: {  	_ =	shalt  }
0x7a: {  	_ =	shalt  }
0x7b: {  	_ =	shalt  }
0x7c: {  	_ =	shalt  }
0x7d: {  	_ =	shalt  }
0x7e: {  	_ =	shalt  }
0x7f: {  	_ =	shalt  }
0x80: {  	_ =	shalt  }
0x81: {  	_ =	shalt  }
0x82: {  	_ =	shalt  }
0x83: {  	_ =	shalt  }
0x84: {  	_ =	shalt  }
0x85: {  	_ =	shalt  }
0x86: {  	_ =	shalt  }
0x87: {  	_ =	shalt  }
.Lfunc_end0:
.L_simem_size_0:
called_computation_lowered:
.L_overlay_start_0:
0x88: {  	s2 =	sld [smem:$0x3FD9]  }
0x89: {  	s3 =	sld [smem:$0x3FFE];
	_ =	sdelay $0x1  }
0x8a: {  	s1 =	srdreg.scid  }
0x8b: {  	s0 =	sand.u32 $0x1, s1  }
0x8c: {  	s17 =	sshll.u32 s0, $0xA;
	s2 =	sadd.s32 s3, s2  }
0x8d: {  	s2 =	sadd.s32 s2, s17  }
0x8e: {  	[smem:$0x3FC2] =	sst s2  }
0x8f: {  	_ = 	snop  }
0x90: {  	s2 =	sld [smem:$0x3FC9]  }
0x91: {  	s18 =	sld [smem:$0x3FC5]  }
0x92: {  	s4 =	sld [smem:$0x3FC4]  }
0x93: {  	s5 =	sld [smem:$0x3FD0];
	(tm) =	ssettm $0x1  }
0x94: {  	s6 =	sld [smem:$0x3FFB];
	_ =	sdelay $0x3  }
0x95: {  	_ =	strace s6  }
0x96: {  	s6 =	sld [smem:$0x3FFC];
	_ =	sdelay $0x3  }
0x97: {  	_ =	strace s6  }
0x98: {  	s6 =	sld [smem:$0x3FFD];
	_ =	sdelay $0x3  }
0x99: {  	_ =	strace s6  }
0x9a: {  	_ =	strace $0x8FFFFFFF  }
0x9b: {  	s19 =	sld [smem:$0x3FDB];
	_ =	sdelay $0x1  }
0x9c: {  	s7 =	simm.s32 $_scs_section_size  }
0x9d: {  	s8 =	simm.s32 $_size__tile_overlayer_lowered;
	s9 =	simm.s32 $_tile_overlayer_lowered  }
0x9e: {  	s22 =	simm.s32 $0x1BFF;
	s21 =	sshll.u32 s9, $0x1;
	s6 =	sadd.s32 s7, s19  }
0x9f: {  	s10 =	simm.s32 $0x0;
	s20 =	sshll.u32 s8, $0x1;
	s8 =	sadd.s32 s21, s6  }
0xa0: {  	[timem:s10], [sflag:s22] =	dma.local [hbm:s8], s20  }
0xa1: {  	_ =	swait.ge [sflag:s22], s20  }
0xa2: {  	s7 =	ssub.s32 $0x0, s20;
	[sflag:s22] =	ssyncset.done $0x0  }
0xa3: {  	[sflag:s22] =	ssyncadd.s32 s7;
	_ =	sdelay $0x1  }
0xa4: {  	s23 =	simm.s32 $0x1B8B  }
0xa5: {  	_ =	swait.ge [sflag:s23], $0x1  }
0xa6: {  	[sflag:s23] =	ssyncset.done $0x0  }
0xa7: {  	s25 =	simm.s32 $0x1B8E;
	s24 =	sld [smem:$0x3FFE];
	[sflag:s23] =	ssyncadd.s32 $0xFFFFFFFF  }
0xa8: {  	s26 =	simm.s32 $execute0_lowered;
	[smem:$0x3FD2] =	sst s25  }
0xa9: {  	s8 =	sshll.u32 s26, $0x1;
	_ =	strace $0x80000046;
	[dreg:$0x1] =	wrdreg $0xFFFFFFFF  }
0xaa: {  	s28 =	simm.s32 $_size_execute0_lowered;
	s6 =	sadd.s32 s6, s8;
	[dreg:$0x0] =	wrdreg $0x0  }
0xab: {  	s8 =	sshll.u32 s28, $0x1;
	[dreg:$0x2] =	wrdreg s6  }
0xac: {  	[dreg:$0x3] =	wrdreg s8  }
0xad: {  	[dreg:$0x4] =	wrdreg $0xC0  }
0xae: {  	_ =	task [dreg:s10], $0x5FFFF  }
0xaf: {  	[dreg:$0x1] =	wrdreg $0xFFFFFFFF  }
0xb0: {  	[dreg:$0x0] =	wrdreg $0x60  }
0xb1: {  	[dreg:$0x2] =	wrdreg s2  }
0xb2: {  	[dreg:$0x3] =	wrdreg s24  }
0xb3: {  	[dreg:$0x4] =	wrdreg s18  }
0xb4: {  	[dreg:$0x5] =	wrdreg s4  }
0xb5: {  	[dreg:$0x6] =	wrdreg s5  }
0xb6: {  	[dreg:$0x7] =	wrdreg $0x9  }
0xb7: {  	_ =	task.clear_ibuf [dreg:s10], $0x8FFFF;
	_ =	strace $0x90000046  }
0xb8: {  	s29 =	simm.s32 $0x9;
	_ =	strace $0x80000048  }
0xb9: {  	_ =	swait.ge [sflag:s29], $0x1  }
0xba: {  	[sflag:s29] =	ssyncadd.s32 $0xFFFFFFFF  }
0xbb: {  	_ =	strace $0x90000048  }
0xbc: {  	_ =	sfence  }
0xbd: {  	s30 =	sld [smem:$0x0];
	_ =	sdelay $0x2  }
0xbe: {  	s31 =	sshll.u32 s1, $0xD;
	s1 =	sshrl.u32 s1, $0x2  }
0xbf: {  	s3 =	sand.u32 $0x4000, s31;
	s1 =	sadd.s32 s1, s30  }
0xc0: {  	s0 =	sor.u32 s3, s0;
	s1 =	sshll.u32 s1, $0x11  }
0xc1: {  	s0 =	sor.u32 s1, s0  }
0xc2: {  	s0 =	sadd.s32 $0x8F2B, s0  }
0xc3: {  	[sflag:s0] =	ssyncadd.remote.s32 $0x1  }
0xc4: {  	_ =	sfence.sel $0xFFFF  }
0xc5: {  	[dreg:$0x0] =	wrdreg $0xFFFFFFFF;
	(pc) =	sbr.abs _section_cstart, $3  }
0xc6: {  	[dreg:$0x1] =	wrdreg $0xFFFFFFFF  }
0xc7: {  	_ =	task.clear_ibuf [dreg:s10], $0x2FFFF;
	_ =	strace $0x9FFFFFFF  }
0xc8: {  	(tm) =	ssettm $0x7FFFFFFF  }
0xc9: {  	_ =	shalt  }
tec
execute0_lowered:
.L_overlay_start_1:
0x0: {  	(tag) =	ssettag $0x1  }
0x1: {  	s12 =	rddreg [dreg:$0x0]  }
0x2: {  	s0 =	rddreg [dreg:$0x1]  }
0x3: {  	s5 =	rddreg [dreg:$0x2]  }
0x4: {  	s13 =	rddreg [dreg:$0x3]  }
0x5: {  	s21 =	rddreg [dreg:$0x4]  }
0x6: {  	s1 =	srdreg.scid;
	s2 =	stileid.u32  }
0x7: {  	s17 =	simm.s32 $0x0;
	s1 =	sand.u32 $0x1, s1;
	s2 =	sshll.u32 s2, $0x1  }
0x8: {  	[smem:$0x7FF] =	sst s17;
	s2 =	sor.u32 s1, s2  }
0x9: {  	s7 =	sadd.s32 $0x19FA00, s0;
	s8 =	sadd.s32 $0xDC400, s0;
	s3 =	smul.u32 $0x61A8, s2  }
0xa: {  	s9 =	sadd.s32 $0x18E00, s0;
	s10 =	sadd.s32 $0x600, s0;
	s1 =	ssub.s32 $0x2, s1  }
0xb: {  	_ =	strace $0x80000047;
	s4 =	sshrl.u32 s1, $0x1;
	s24 =	sadd.s32 s5, s3  }
0xc: {  	s6 =	smul.u32 $0x30D40, s2;
	s25 =	sadd.s32 s13, s3;
	[dreg:$0x6] =	wrdreg s24  }
0xd: {  	s0 =	ssub.s32 s1, s4;
	s26 =	sadd.s32 s12, s3;
	[dreg:$0x7] =	wrdreg s25  }
0xe: {  	s1 =	sshrl.u32 s6, $0x3;
	s6 =	sadd.s32 s7, s3;
	[dreg:$0x8] =	wrdreg s26  }
0xf: {  	s14 =	sadd.s32 s8, s3;
	[dreg:$0x9] =	wrdreg s6  }
0x10: {  	s15 =	sadd.s32 s9, s3;
	[dreg:$0xa] =	wrdreg s14  }
0x11: {  	s3 =	sadd.s32 s21, s3;
	[dreg:$0xb] =	wrdreg s15  }
0x12: {  	s0 =	smax.u32 s0, $0x1;
	s11 =	sadd.s32 $0xFA, s1;
	[dreg:$0xe] =	wrdreg s3  }
0x13: {  	[smem:$0x7FB] =	sst s0;
	s16 =	sadd.s32 s5, s11  }
0x14: {  	s19 =	sadd.s32 $0x1F4, s1;
	s18 =	sadd.s32 s13, s11;
	[dreg:$0xc] =	wrdreg s16  }
0x15: {  	s20 =	sadd.s32 s5, s19;
	[dreg:$0xd] =	wrdreg s18  }
0x16: {  	s3 =	sadd.s32 s13, s19;
	[dreg:$0xf] =	wrdreg s20  }
0x17: {  	s22 =	sadd.s32 s12, s11;
	[dreg:$0x10] =	wrdreg s3  }
0x18: {  	s23 =	sadd.s32 s7, s11;
	[dreg:$0x11] =	wrdreg s22  }
0x19: {  	s24 =	sadd.s32 s8, s11;
	[dreg:$0x12] =	wrdreg s23  }
0x1a: {  	s4 =	smul.u32 $0x64, s2;
	s25 =	sadd.s32 s9, s11;
	[dreg:$0x13] =	wrdreg s24  }
0x1b: {  	s26 =	sadd.s32 $0x5FB4, s1;
	s2 =	sadd.s32 s21, s11;
	[dreg:$0x14] =	wrdreg s25  }
0x1c: {  	s6 =	sadd.s32 s12, s26;
	[dreg:$0x15] =	wrdreg s2  }
0x1d: {  	s11 =	sadd.s32 s7, s26;
	[dreg:$0x16] =	wrdreg s6  }
0x1e: {  	s14 =	sadd.s32 s8, s26;
	[dreg:$0x17] =	wrdreg s11  }
0x1f: {  	s1 =	sadd.s32 $0x60AE, s1;
	s15 =	sadd.s32 s9, s26;
	[dreg:$0x18] =	wrdreg s14  }
0x20: {  	s19 =	sadd.s32 s12, s1;
	[dreg:$0x19] =	wrdreg s15  }
0x21: {  	s2 =	sadd.s32 s21, s26;
	[dreg:$0x1d] =	wrdreg s19  }
0x22: {  	s28 =	simm.s32 $0xB3B0;
	s16 =	sadd.s32 s5, s1;
	[dreg:$0x1a] =	wrdreg s2  }
0x23: {  	s29 =	simm.s32 $0xBB80;
	s18 =	sadd.s32 s13, s1;
	[dreg:$0x1b] =	wrdreg s16  }
0x24: {  	s30 =	simm.s32 $0xC350;
	s22 =	sadd.s32 s7, s1;
	[dreg:$0x1c] =	wrdreg s18  }
0x25: {  	s31 =	simm.s32 $0x101D0;
	s23 =	sadd.s32 s8, s1;
	[dreg:$0x1e] =	wrdreg s22  }
0x26: {  	s20 =	smov.u32 s13;
	s24 =	sadd.s32 s9, s1;
	[dreg:$0x1f] =	wrdreg s23  }
0x27: {  	s5 =	smov.u32 s12;
	s1 =	sadd.s32 s21, s1;
	[smem:$0x7F9] =	sst s24  }
0x28: {  	s25 =	sor.u32 $0x1, s4;
	s11 =	smov.u32 s4;
	[smem:$0x7FA] =	sst s1  }
0x29: {  	s26 =	sor.u32 $0x2, s4;
	s4 =	simm.s32 $0x3;
	[smem:$0x7FC] =	sst s25  }
0x2a: {  	s13 =	simm.s32 $0x2;
	s14 =	simm.s32 $0x4;
	[smem:$0x7FD] =	sst s26  }
0x2b: {  	v0 =	vlaneseq.u32;
	s22 =	simm.s32 $0x5;
	s23 =	simm.s32 $0x7D0;
	s24 =	simm.s32 $0xFA0  }
0x2c: {  	v0 =	vmul.u32 $0x8, v0;
	s25 =	simm.s32 $0x4E20;
	s26 =	simm.s32 $0x1;
	s1 =	simm.s32 $0x0  }
.LBB2_1:
0x2d: {  	[smem:$0x7F8] =	sst s1  }
0x2e: {  	s0 =	rddreg [dreg:$0x6]  }
0x2f: {  	[tilespmem:s17], [sflag:$0x5] =	stream.linear.gather [hbm4b:s0+s17], $0x7D0, $0x38;
	[tilespmem:$0x16760] =	vst v63  }
0x30: {  	_ =	swait.ge [sflag:s22], $0x7D0  }
0x31: {  	[sflag:s22] =	ssyncset.done $0x0  }
0x32: {  	s18 =	rddreg [dreg:$0x7];
	[sflag:s22] =	ssyncadd.s32 $0xFFFFF830  }
0x33: {  	[tilespmem:s23], [sflag:$0x5] =	stream.linear.gather [hbm4b:s18+s17], $0x7D0, $0x38;
	[tilespmem:$0x16760] =	vst v63  }
0x34: {  	_ =	swait.ge [sflag:s22], $0x7D0  }
0x35: {  	[sflag:s22] =	ssyncset.done $0x0  }
0x36: {  	[sflag:s22] =	ssyncadd.s32 $0xFFFFF830  }
0x37: {  	[tilespmem:s24], [sflag:$0x1] =	stream.indirect.gather [hbm4b:s10+s23], $0x4, s17, s23, $0xb8;
	[tilespmem:$0x16760] =	vst v63  }
0x38: {  	_ = 	snop  }
0x39: {  	[tilespmem:s25], [sflag:$0x1] =	stream.indirect.gather [hbm4b:s10+s23], $0x4, s23, s23, $0xb8;
	[tilespmem:$0x16760] =	vst v63  }
0x3a: {  	s19 =	simm.s32 $0x8CA0;
	s2 =	rddreg [dreg:$0x8]  }
0x3b: {  	[tilespmem:s19], [sflag:$0x5] =	stream.linear.gather [hbm4b:s2+s17], $0x7D0, $0x38;
	[tilespmem:$0x16760] =	vst v63  }
0x3c: {  	_ =	swait.ge [sflag:s22], $0x7D0  }
0x3d: {  	[sflag:s22] =	ssyncset.done $0x0  }
0x3e: {  	s12 =	simm.s32 $0x9470;
	s3 =	rddreg [dreg:$0x9];
	[sflag:s22] =	ssyncadd.s32 $0xFFFFF830  }
0x3f: {  	[tilespmem:s12], [sflag:$0x5] =	stream.linear.gather [hbm4b:s3+s17], $0x7D0, $0x38;
	[tilespmem:$0x16760] =	vst v63  }
0x40: {  	_ =	swait.ge [sflag:s22], $0x7D0  }
0x41: {  	[sflag:s22] =	ssyncset.done $0x0  }
0x42: {  	s15 =	simm.s32 $0x9C40;
	s6 =	rddreg [dreg:$0xa];
	[sflag:s22] =	ssyncadd.s32 $0xFFFFF830  }
0x43: {  	[tilespmem:s15], [sflag:$0x5] =	stream.linear.gather [hbm4b:s6+s17], $0x7D0, $0x38;
	[tilespmem:$0x16760] =	vst v63  }
0x44: {  	_ =	swait.ge [sflag:s22], $0x7D0  }
0x45: {  	[sflag:s22] =	ssyncset.done $0x0  }
0x46: {  	s0 =	simm.s32 $0xA410;
	s2 =	rddreg [dreg:$0xb];
	[sflag:s22] =	ssyncadd.s32 $0xFFFFF830  }
0x47: {  	[tilespmem:s0], [sflag:$0x5] =	stream.linear.gather [hbm4b:s2+s17], $0x7D0, $0x38;
	[tilespmem:$0x16760] =	vst v63  }
0x48: {  	_ =	swait.ge [sflag:s22], $0x7D0  }
0x49: {  	[sflag:s22] =	ssyncset.done $0x0  }
0x4a: {  	[sflag:s22] =	ssyncadd.s32 $0xFFFFF830  }
0x4b: {  	_ =	swait.ge [sflag:s26], $0x1F40  }
0x4c: {  	[sflag:s26] =	ssyncset.done $0x0  }
0x4d: {  	[sflag:s26] =	ssyncadd.s32 $0xFFFFE0C0  }
0x4e: {  	_ =	swait.ge [sflag:s26], $0x1F40  }
0x4f: {  	[sflag:s26] =	ssyncset.done $0x0  }
0x50: {  	s16 =	rddreg [dreg:$0xc];
	[sflag:s26] =	ssyncadd.s32 $0xFFFFE0C0  }
0x51: {  	[tilespmem:s28], [sflag:$0x5] =	stream.linear.gather [hbm4b:s16+s17], $0x7D0, $0x38;
	[tilespmem:$0x16760] =	vst v63  }
0x52: {  	_ =	swait.ge [sflag:s22], $0x7D0  }
0x53: {  	[sflag:s22] =	ssyncset.done $0x0  }
0x54: {  	s18 =	rddreg [dreg:$0xd];
	[sflag:s22] =	ssyncadd.s32 $0xFFFFF830  }
0x55: {  	[tilespmem:s29], [sflag:$0x5] =	stream.linear.gather [hbm4b:s18+s17], $0x7D0, $0x38;
	[tilespmem:$0x16760] =	vst v63  }
0x56: {  	_ =	swait.ge [sflag:s22], $0x7D0  }
0x57: {  	[sflag:s22] =	ssyncset.done $0x0  }
0x58: {  	[sflag:s22] =	ssyncadd.s32 $0xFFFFF830  }
0x59: {  	[tilespmem:s30], [sflag:$0x3] =	stream.indirect.gather [hbm4b:s10+s23], $0x4, s28, s23, $0xb8;
	[tilespmem:$0x16760] =	vst v63  }
0x5a: {  	_ = 	snop  }
0x5b: {  	[tilespmem:s31], [sflag:$0x3] =	stream.indirect.gather [hbm4b:s10+s23], $0x4, s29, s23, $0xb8;
	[tilespmem:$0x16760] =	vst v63  }
0x5c: {  	v1 =	vld [tilespmem:s19+$0x0];
	_ =	sdelay $0x4  }
0x5d: {  	v2 =	vmul.f32 v1, v1;
	_ =	sdelay $0x1  }
0x5e: {  	v3 =	vshra.s32 v2, $0x1;
	v4 =	vmul.f32 $5.000000000e-01, v2  }
0x5f: {  	v3 =	vsub.s32 $0x5F3759DF, v3  }
0x60: {  	v5 =	vmul.f32 v3, v4  }
0x61: {  	v2 =	vadd.f32 $1.000000000e+00, v2  }
0x62: {  	v5 =	vmul.f32 v3, v5  }
0x63: {  	v6 =	vshra.s32 v2, $0x1;
	v2 =	vmul.f32 $5.000000000e-01, v2  }
0x64: {  	v6 =	vsub.s32 $0x5F3759DF, v6;
	v5 =	vsub.f32 $1.500000000e+00, v5  }
0x65: {  	v7 =	vmul.f32 v6, v2  }
0x66: {  	v3 =	vmul.f32 v3, v5  }
0x67: {  	v7 =	vmul.f32 v6, v7  }
0x68: {  	v8 =	vmov s17;
	v41 =	vmul.f32 v3, v4  }
0x69: {  	v40 =	vshll.u32 v8, $0x3;
	v7 =	vsub.f32 $1.500000000e+00, v7  }
0x6a: {  	v5 =	vor.u32 v0, v40;
	v8 =	vmul.f32 v41, v3  }
0x6b: {  	v11 =	vmul.f32 $5.000000000e-01, v1;
	v9 =	vor.u32 $0x2, v5;
	v6 =	vmul.f32 v6, v7  }
0x6c: {  	v42 =	vsub.f32 $1.500000000e+00, v8  }
0x6d: {  	v43 =	vmul.f32 v11, v11;
	v12 =	vmul.f32 v6, v2  }
0x6e: {  	v16 =	vld [tilespmem:s15+$0x0];
	v10 =	vor.u32 $0x1, v5;
	v3 =	vmul.f32 v42, v3  }
0x6f: {  	v17 =	vld [tilespmem:s12+$0x0];
	v8 =	vmul.f32 v43, v11;
	v45 =	vmul.f32 v12, v6  }
0x70: {  	v13 =	vld.idx.msk [tilespmem:v9+s24+$0x0], $0xffff;
	v4 =	vmul.f32 v3, v4  }
0x71: {  	v14 =	vor.u32 $0x3, v5;
	v44 =	vld.idx.msk [tilespmem:v9+s25+$0x0], $0xffff;
	v15 =	vmul.f32 v8, v11;
	v9 =	vsub.f32 $1.500000000e+00, v45  }
0x72: {  	v47 =	vld [tilespmem:s0+$0x0];
	v8 =	vmul.f32 $1.000000000e+01, v8;
	v4 =	vmul.f32 v4, v3  }
0x73: {  	v46 =	vld.idx.msk [tilespmem:v10+s24+$0x0], $0xffff;
	v18 =	vmul.f32 v15, v11;
	v6 =	vmul.f32 v9, v6  }
0x74: {  	v10 =	vld.idx.msk [tilespmem:v10+s25+$0x0], $0xffff;
	v8 =	vsub.f32 $1.000000000e+00, v8;
	v15 =	vmul.f32 $1.500000000e+01, v15;
	v4 =	vsub.f32 $1.500000000e+00, v4  }
0x75: {  	v2 =	vmul.f32 v6, v2  }
0x76: {  	v20 =	vld.idx.msk [tilespmem:v14+s25+$0x0], $0xffff;
	v8 =	vadd.f32 v15, v8;
	v48 =	vmul.f32 $-6.000000000e+00, v18;
	v3 =	vmul.f32 v4, v3  }
0x77: {  	vm0 =	vlt.f32 v11, $1.000000000e+00;
	v19 =	vmul.f32 v44, v13;
	v2 =	vmul.f32 v2, v6  }
0x78: {  	v51 =	vld.idx.msk [tilespmem:v5+s24+$0x0], $0xffff;
	v8 =	vadd.f32 v48, v8;
	v50 =	vmul.f32 v3, v17;
	v16 =	vmul.f32 v3, v16  }
0x79: {  	v14 =	vld.idx.msk [tilespmem:v14+s24+$0x0], $0xffff;
	v49 =	vmul.f32 v10, v46;
	v2 =	vsub.f32 $1.500000000e+00, v2;
	v9 =	vmul.f32 v3, v47  }
0x7a: {  	v8 =	vnsel vm0, $0x0, v8;
	v10 =	vmul.f32 v50, v10;
	v7 =	vmul.f32 v16, v44  }
0x7b: {  	v52 =	vsub.f32 $1.000000000e+00, v8;
	v2 =	vmul.f32 v2, v6;
	v53 =	vmul.f32 v9, v20  }
0x7c: {  	v5 =	vld.idx.msk [tilespmem:v5+s25+$0x0], $0xffff;
	v54 =	vmul.f32 v50, v46;
	v55 =	vmul.f32 v16, v13;
	v7 =	vadd.f32 v7, v10  }
0x7d: {  	v59 =	vadd.f32 v51, v51;
	v3 =	vmul.f32 v3, v52;
	v2 =	vmul.f32 v2, v8  }
0x7e: {  	v58 =	vmul.f32 v9, v14;
	v57 =	vadd.f32 v55, v54;
	v56 =	vadd.f32 v7, v53  }
0x7f: {  	v4 =	vadd.f32 v19, v49;
	v2 =	vadd.f32 v2, v3  }
0x80: {  	v3 =	vmul.f32 v20, v14;
	v7 =	vadd.f32 v57, v58;
	v60 =	vmul.f32 $-3.000000000e+00, v56  }
0x81: {  	v5 =	vmul.f32 v5, v51;
	v61 =	vmul.f32 v2, v2  }
0x82: {  	v3 =	vadd.f32 v3, v4;
	v62 =	vmul.f32 v56, v59;
	v63 =	vmul.f32 v60, v7  }
0x83: {  	v5 =	vmul.f32 v2, v5  }
0x84: {  	v2 =	vmul.f32 v61, v2;
	v4 =	vmul.f32 v62, v61;
	v3 =	vadd.f32 v63, v3;
	_ =	sdelay $0x1  }
0x85: {  	v4 =	vadd.f32 v4, v5;
	v2 =	vmul.f32 v3, v2;
	_ =	sdelay $0x1  }
0x86: {  	v2 =	vadd.f32 v2, v4;
	_ =	sdelay $0x1  }
0x87: {  	v2 =	vmul.f32 $7.199822900e+00, v2  }
0x88: {  	vm15 =	vle.f32 v1, $1.000000000e+01  }
0x89: {  	s19 =	simm.s32 $0xABE0;
	v1 =	vnsel vm15, $0x0, v2  }
0x8a: {  	s1 =	simm.s32 $0x8CB0;
	[tilespmem:s19+$0x0] =	vst v1  }
0x8b: {  	s6 =	simm.s32 $0xABE0;
	s2 =	simm.s32 $0x20;
	s16 =	simm.s32 $0x10;
	v1 =	vld [tilespmem:s1+$0x0]  }
.LBB2_2:
0x8c: {  	p0 =	sne.s32 s2, $0x7C0;
	_ =	sdelay $0x3  }
0x8d: {  	v2 =	vmul.f32 v1, v1;
	_ =	sdelay $0x1  }
0x8e: {  	v3 =	vshra.s32 v2, $0x1;
	v4 =	vmul.f32 $5.000000000e-01, v2  }
0x8f: {  	v3 =	vsub.s32 $0x5F3759DF, v3  }
0x90: {  	v5 =	vmul.f32 v3, v4  }
0x91: {  	v2 =	vadd.f32 $1.000000000e+00, v2  }
0x92: {  	v5 =	vmul.f32 v3, v5  }
0x93: {  	v6 =	vshra.s32 v2, $0x1;
	v2 =	vmul.f32 $5.000000000e-01, v2  }
0x94: {  	v6 =	vsub.s32 $0x5F3759DF, v6;
	v5 =	vsub.f32 $1.500000000e+00, v5  }
0x95: {  	v7 =	vmul.f32 v6, v2  }
0x96: {  	v8 =	vmov s16;
	s16 =	smov.u32 s2;
	v3 =	vmul.f32 v3, v5  }
0x97: {  	v7 =	vmul.f32 v6, v7;
	v5 =	vshll.u32 v8, $0x3  }
0x98: {  	v5 =	vor.u32 v0, v5;
	v8 =	vmul.f32 v3, v4  }
0x99: {  	v7 =	vsub.f32 $1.500000000e+00, v7;
	v9 =	vor.u32 $0x2, v5  }
0x9a: {  	v8 =	vmul.f32 v8, v3  }
0x9b: {  	v11 =	vmul.f32 $5.000000000e-01, v1;
	v10 =	vor.u32 $0x1, v5;
	v6 =	vmul.f32 v6, v7  }
0x9c: {  	v7 =	vsub.f32 $1.500000000e+00, v8  }
0x9d: {  	v12 =	vmul.f32 v6, v2;
	v8 =	vmul.f32 v11, v11  }
0x9e: {  	v13 =	vld.idx.msk [tilespmem:v9+s24+$0x0], $0xffff;
	v3 =	vmul.f32 v7, v3  }
0x9f: {  	v8 =	vmul.f32 v8, v11;
	v7 =	vld.idx.msk [tilespmem:v9+s25+$0x0], $0xffff;
	v9 =	vmul.f32 v12, v6  }
0xa0: {  	v14 =	vor.u32 $0x3, v5;
	v12 =	vld.idx.msk [tilespmem:v10+s24+$0x0], $0xffff;
	v4 =	vmul.f32 v3, v4  }
0xa1: {  	s15 =	sadd.s32 $0x10, s15;
	v15 =	vmul.f32 v8, v11;
	v10 =	vld.idx.msk [tilespmem:v10+s25+$0x0], $0xffff;
	v9 =	vsub.f32 $1.500000000e+00, v9  }
0xa2: {  	s12 =	sadd.s32 $0x10, s12;
	v8 =	vmul.f32 $1.000000000e+01, v8;
	v16 =	vld [tilespmem:s15+$0x0];
	v4 =	vmul.f32 v4, v3  }
0xa3: {  	s0 =	sadd.s32 $0x10, s0;
	v18 =	vmul.f32 v15, v11;
	v17 =	vld [tilespmem:s12+$0x0];
	v6 =	vmul.f32 v9, v6  }
0xa4: {  	v8 =	vsub.f32 $1.000000000e+00, v8;
	v15 =	vmul.f32 $1.500000000e+01, v15;
	v9 =	vld [tilespmem:s0+$0x0];
	v4 =	vsub.f32 $1.500000000e+00, v4  }
0xa5: {  	v20 =	vmul.f32 v7, v13;
	v19 =	vld.idx.msk [tilespmem:v14+s25+$0x0], $0xffff;
	v2 =	vmul.f32 v6, v2  }
0xa6: {  	v8 =	vadd.f32 v15, v8;
	v15 =	vmul.f32 $-6.000000000e+00, v18;
	v3 =	vmul.f32 v4, v3  }
0xa7: {  	v4 =	vmul.f32 v10, v12;
	v2 =	vmul.f32 v2, v6  }
0xa8: {  	v8 =	vadd.f32 v15, v8;
	v14 =	vld.idx.msk [tilespmem:v14+s24+$0x0], $0xffff;
	v15 =	vmul.f32 v3, v17;
	v16 =	vmul.f32 v3, v16  }
0xa9: {  	vm0 =	vlt.f32 v11, $1.000000000e+00;
	v17 =	vld.idx.msk [tilespmem:v5+s24+$0x0], $0xffff;
	v2 =	vsub.f32 $1.500000000e+00, v2;
	v9 =	vmul.f32 v3, v9  }
0xaa: {  	v8 =	vnsel vm0, $0x0, v8;
	v10 =	vmul.f32 v15, v10;
	v7 =	vmul.f32 v16, v7  }
0xab: {  	v5 =	vld.idx.msk [tilespmem:v5+s25+$0x0], $0xffff;
	v2 =	vmul.f32 v2, v6;
	v6 =	vsub.f32 $1.000000000e+00, v8;
	v11 =	vmul.f32 v9, v19  }
0xac: {  	v7 =	vadd.f32 v7, v10;
	v10 =	vmul.f32 v15, v12;
	v12 =	vmul.f32 v16, v13  }
0xad: {  	v2 =	vmul.f32 v2, v8;
	v3 =	vmul.f32 v3, v6  }
0xae: {  	v8 =	vmul.f32 v9, v14;
	v6 =	vadd.f32 v7, v11;
	v7 =	vadd.f32 v12, v10  }
0xaf: {  	v9 =	vadd.f32 v17, v17;
	v2 =	vadd.f32 v2, v3;
	v3 =	vmul.f32 v19, v14  }
0xb0: {  	v4 =	vadd.f32 v20, v4;
	v7 =	vadd.f32 v7, v8;
	v8 =	vmul.f32 $-3.000000000e+00, v6  }
0xb1: {  	v5 =	vmul.f32 v5, v17;
	v10 =	vmul.f32 v2, v2  }
0xb2: {  	v3 =	vadd.f32 v3, v4;
	v4 =	vmul.f32 v6, v9;
	v6 =	vmul.f32 v8, v7  }
0xb3: {  	v5 =	vmul.f32 v2, v5  }
0xb4: {  	v2 =	vmul.f32 v10, v2;
	v4 =	vmul.f32 v4, v10;
	v3 =	vadd.f32 v6, v3;
	_ =	sdelay $0x1  }
0xb5: {  	v4 =	vadd.f32 v4, v5;
	v2 =	vmul.f32 v3, v2;
	_ =	sdelay $0x1  }
0xb6: {  	v2 =	vadd.f32 v2, v4;
	_ =	sdelay $0x1  }
.Ltmp0:
0xb7: {  	v2 =	vmul.f32 $7.199822900e+00, v2;
	(pc) =	sbr.rel @p0 .LBB2_2-.Ltmp0, $4  }
0xb8: {  	vm0 =	vle.f32 v1, $1.000000000e+01  }
0xb9: {  	s6 =	sadd.s32 $0x10, s6;
	v1 =	vnsel vm0, $0x0, v2  }
0xba: {  	s1 =	sadd.s32 $0x10, s1;
	[tilespmem:s6+$0x0] =	vst v1  }
0xbb: {  	s2 =	sadd.s32 $0x10, s2;
	v1 =	vld [tilespmem:s1+$0x0]  }
0xbc: {  	_ =	sdelay $0x3  }
0xbd: {  	v2 =	vmul.f32 v1, v1;
	_ =	sdelay $0x1  }
0xbe: {  	v3 =	vshra.s32 v2, $0x1;
	v4 =	vmul.f32 $5.000000000e-01, v2  }
0xbf: {  	v3 =	vsub.s32 $0x5F3759DF, v3  }
0xc0: {  	v5 =	vmul.f32 v3, v4  }
0xc1: {  	v2 =	vadd.f32 $1.000000000e+00, v2  }
0xc2: {  	v5 =	vmul.f32 v3, v5  }
0xc3: {  	v6 =	vshra.s32 v2, $0x1;
	v2 =	vmul.f32 $5.000000000e-01, v2  }
0xc4: {  	v6 =	vsub.s32 $0x5F3759DF, v6;
	v5 =	vsub.f32 $1.500000000e+00, v5  }
0xc5: {  	v7 =	vmul.f32 v6, v2  }
0xc6: {  	v3 =	vmul.f32 v3, v5  }
0xc7: {  	v7 =	vmul.f32 v6, v7  }
0xc8: {  	v8 =	vmov s16;
	v49 =	vmul.f32 v3, v4  }
0xc9: {  	v48 =	vshll.u32 v8, $0x3;
	v7 =	vsub.f32 $1.500000000e+00, v7  }
0xca: {  	v5 =	vor.u32 v0, v48;
	v8 =	vmul.f32 v49, v3  }
0xcb: {  	v11 =	vmul.f32 $5.000000000e-01, v1;
	v9 =	vor.u32 $0x2, v5;
	v6 =	vmul.f32 v6, v7  }
0xcc: {  	v50 =	vsub.f32 $1.500000000e+00, v8  }
0xcd: {  	s1 =	sadd.s32 $0x10, s15;
	v51 =	vmul.f32 v11, v11;
	v12 =	vmul.f32 v6, v2  }
0xce: {  	s19 =	sadd.s32 $0x10, s12;
	v16 =	vld [tilespmem:s1+$0x0];
	v10 =	vor.u32 $0x1, v5;
	v3 =	vmul.f32 v50, v3  }
0xcf: {  	v17 =	vld [tilespmem:s19+$0x0];
	v8 =	vmul.f32 v51, v11;
	v53 =	vmul.f32 v12, v6  }
0xd0: {  	v13 =	vld.idx.msk [tilespmem:v9+s24+$0x0], $0xffff;
	v4 =	vmul.f32 v3, v4  }
0xd1: {  	s0 =	sadd.s32 $0x10, s0;
	v14 =	vor.u32 $0x3, v5;
	v52 =	vld.idx.msk [tilespmem:v9+s25+$0x0], $0xffff;
	v15 =	vmul.f32 v8, v11;
	v9 =	vsub.f32 $1.500000000e+00, v53  }
0xd2: {  	v55 =	vld [tilespmem:s0+$0x0];
	v8 =	vmul.f32 $1.000000000e+01, v8;
	v4 =	vmul.f32 v4, v3  }
0xd3: {  	v54 =	vld.idx.msk [tilespmem:v10+s24+$0x0], $0xffff;
	v18 =	vmul.f32 v15, v11;
	v6 =	vmul.f32 v9, v6  }
0xd4: {  	v10 =	vld.idx.msk [tilespmem:v10+s25+$0x0], $0xffff;
	v8 =	vsub.f32 $1.000000000e+00, v8;
	v15 =	vmul.f32 $1.500000000e+01, v15;
	v4 =	vsub.f32 $1.500000000e+00, v4  }
0xd5: {  	v2 =	vmul.f32 v6, v2  }
0xd6: {  	v20 =	vld.idx.msk [tilespmem:v14+s25+$0x0], $0xffff;
	v8 =	vadd.f32 v15, v8;
	v56 =	vmul.f32 $-6.000000000e+00, v18;
	v3 =	vmul.f32 v4, v3  }
0xd7: {  	vm0 =	vlt.f32 v11, $1.000000000e+00;
	v19 =	vmul.f32 v52, v13;
	v2 =	vmul.f32 v2, v6  }
0xd8: {  	v59 =	vld.idx.msk [tilespmem:v5+s24+$0x0], $0xffff;
	v8 =	vadd.f32 v56, v8;
	v58 =	vmul.f32 v3, v17;
	v16 =	vmul.f32 v3, v16  }
0xd9: {  	v14 =	vld.idx.msk [tilespmem:v14+s24+$0x0], $0xffff;
	v57 =	vmul.f32 v10, v54;
	v2 =	vsub.f32 $1.500000000e+00, v2;
	v9 =	vmul.f32 v3, v55  }
0xda: {  	v8 =	vnsel vm0, $0x0, v8;
	v10 =	vmul.f32 v58, v10;
	v7 =	vmul.f32 v16, v52  }
0xdb: {  	v60 =	vsub.f32 $1.000000000e+00, v8;
	v2 =	vmul.f32 v2, v6;
	v61 =	vmul.f32 v9, v20  }
0xdc: {  	v5 =	vld.idx.msk [tilespmem:v5+s25+$0x0], $0xffff;
	v62 =	vmul.f32 v58, v54;
	v63 =	vmul.f32 v16, v13;
	v7 =	vadd.f32 v7, v10  }
0xdd: {  	v18 =	vadd.f32 v59, v59;
	v3 =	vmul.f32 v3, v60;
	v2 =	vmul.f32 v2, v8  }
0xde: {  	v17 =	vmul.f32 v9, v14;
	v16 =	vadd.f32 v63, v62;
	v15 =	vadd.f32 v7, v61  }
0xdf: {  	v4 =	vadd.f32 v19, v57;
	v2 =	vadd.f32 v2, v3  }
0xe0: {  	v3 =	vmul.f32 v20, v14;
	v7 =	vadd.f32 v16, v17;
	v19 =	vmul.f32 $-3.000000000e+00, v15  }
0xe1: {  	v5 =	vmul.f32 v5, v59;
	v20 =	vmul.f32 v2, v2  }
0xe2: {  	v3 =	vadd.f32 v3, v4;
	v21 =	vmul.f32 v15, v18;
	v22 =	vmul.f32 v19, v7  }
0xe3: {  	v5 =	vmul.f32 v2, v5  }
0xe4: {  	v2 =	vmul.f32 v20, v2;
	v4 =	vmul.f32 v21, v20;
	v3 =	vadd.f32 v22, v3;
	_ =	sdelay $0x1  }
0xe5: {  	v4 =	vadd.f32 v4, v5;
	v2 =	vmul.f32 v3, v2;
	_ =	sdelay $0x1  }
0xe6: {  	v2 =	vadd.f32 v2, v4;
	_ =	sdelay $0x1  }
0xe7: {  	v2 =	vmul.f32 $7.199822900e+00, v2  }
0xe8: {  	vm13 =	vle.f32 v1, $1.000000000e+01  }
0xe9: {  	s2 =	sadd.s32 $0x10, s6;
	v1 =	vnsel vm13, $0x0, v2  }
0xea: {  	s3 =	rddreg [dreg:$0xe];
	s1 =	simm.s32 $0x0;
	[tilespmem:s2+$0x0] =	vst v1;
	s2 =	simm.s32 $0xABE0  }
0xeb: {  	[hbm4b:s3+s1] =	stream.linear.scatter [tilespmem:s2], [sflag:$0x2], $0x7D0, $0x38;
	[tilespmem:$0x16760] =	vst v63  }
0xec: {  	s6 =	simm.s32 $0x14050;
	s12 =	rddreg [dreg:$0x11]  }
0xed: {  	[tilespmem:s6], [sflag:$0x5] =	stream.linear.gather [hbm4b:s12+s1], $0x7D0, $0x38;
	[tilespmem:$0x16760] =	vst v63  }
0xee: {  	_ =	swait.ge [sflag:s22], $0x7D0  }
0xef: {  	[sflag:s22] =	ssyncset.done $0x0  }
0xf0: {  	s12 =	simm.s32 $0x14820;
	s15 =	rddreg [dreg:$0x12];
	[sflag:s22] =	ssyncadd.s32 $0xFFFFF830  }
0xf1: {  	[tilespmem:s12], [sflag:$0x5] =	stream.linear.gather [hbm4b:s15+s1], $0x7D0, $0x38;
	[tilespmem:$0x16760] =	vst v63  }
0xf2: {  	_ =	swait.ge [sflag:s22], $0x7D0  }
0xf3: {  	[sflag:s22] =	ssyncset.done $0x0  }
0xf4: {  	s15 =	simm.s32 $0x14FF0;
	s16 =	rddreg [dreg:$0x13];
	[sflag:s22] =	ssyncadd.s32 $0xFFFFF830  }
0xf5: {  	[tilespmem:s15], [sflag:$0x5] =	stream.linear.gather [hbm4b:s16+s1], $0x7D0, $0x38;
	[tilespmem:$0x16760] =	vst v63  }
0xf6: {  	_ =	swait.ge [sflag:s22], $0x7D0  }
0xf7: {  	[sflag:s22] =	ssyncset.done $0x0  }
0xf8: {  	s0 =	simm.s32 $0x157C0;
	s3 =	rddreg [dreg:$0x14];
	[sflag:s22] =	ssyncadd.s32 $0xFFFFF830  }
0xf9: {  	[tilespmem:s0], [sflag:$0x5] =	stream.linear.gather [hbm4b:s3+s1], $0x7D0, $0x38;
	[tilespmem:$0x16760] =	vst v63  }
0xfa: {  	_ =	swait.ge [sflag:s22], $0x7D0  }
0xfb: {  	[sflag:s22] =	ssyncset.done $0x0  }
0xfc: {  	[sflag:s22] =	ssyncadd.s32 $0xFFFFF830  }
0xfd: {  	_ =	swait.ge [sflag:s4], $0x1F40  }
0xfe: {  	[sflag:s4] =	ssyncset.done $0x0  }
0xff: {  	[sflag:s4] =	ssyncadd.s32 $0xFFFFE0C0  }
0x100: {  	_ =	swait.ge [sflag:s4], $0x1F40  }
0x101: {  	[sflag:s4] =	ssyncset.done $0x0  }
0x102: {  	s18 =	rddreg [dreg:$0xf];
	[sflag:s4] =	ssyncadd.s32 $0xFFFFE0C0  }
0x103: {  	[tilespmem:s1], [sflag:$0x5] =	stream.linear.gather [hbm4b:s18+s1], $0x7D0, $0x38;
	[tilespmem:$0x16760] =	vst v63  }
0x104: {  	_ =	swait.ge [sflag:s22], $0x7D0  }
0x105: {  	[sflag:s22] =	ssyncset.done $0x0  }
0x106: {  	s19 =	rddreg [dreg:$0x10];
	[sflag:s22] =	ssyncadd.s32 $0xFFFFF830  }
0x107: {  	[tilespmem:s23], [sflag:$0x5] =	stream.linear.gather [hbm4b:s19+s1], $0x7D0, $0x38;
	[tilespmem:$0x16760] =	vst v63  }
0x108: {  	_ =	swait.ge [sflag:s22], $0x7D0  }
0x109: {  	[sflag:s22] =	ssyncset.done $0x0  }
0x10a: {  	[sflag:s22] =	ssyncadd.s32 $0xFFFFF830  }
0x10b: {  	[tilespmem:s24], [sflag:$0x1] =	stream.indirect.gather [hbm4b:s10+s23], $0x4, s1, s23, $0xb8;
	[tilespmem:$0x16760] =	vst v63  }
0x10c: {  	_ = 	snop  }
0x10d: {  	[tilespmem:s25], [sflag:$0x1] =	stream.indirect.gather [hbm4b:s10+s23], $0x4, s23, s23, $0xb8;
	[tilespmem:$0x16760] =	vst v63  }
0x10e: {  	v1 =	vld [tilespmem:s6+$0x0];
	_ =	sdelay $0x4  }
0x10f: {  	v2 =	vmul.f32 v1, v1;
	_ =	sdelay $0x1  }
0x110: {  	v3 =	vshra.s32 v2, $0x1;
	v23 =	vmul.f32 $5.000000000e-01, v2  }
0x111: {  	v3 =	vsub.s32 $0x5F3759DF, v3  }
0x112: {  	v24 =	vmul.f32 v3, v23  }
0x113: {  	v2 =	vadd.f32 $1.000000000e+00, v2  }
0x114: {  	v5 =	vmul.f32 v3, v24  }
0x115: {  	v25 =	vshra.s32 v2, $0x1;
	v2 =	vmul.f32 $5.000000000e-01, v2  }
0x116: {  	v6 =	vsub.s32 $0x5F3759DF, v25;
	v5 =	vsub.f32 $1.500000000e+00, v5  }
0x117: {  	v26 =	vmul.f32 v6, v2  }
0x118: {  	v3 =	vmul.f32 v3, v5  }
0x119: {  	v7 =	vmul.f32 v6, v26  }
0x11a: {  	v29 =	vmul.f32 v3, v23  }
0x11b: {  	v27 =	vmov s1;
	v7 =	vsub.f32 $1.500000000e+00, v7  }
0x11c: {  	v28 =	vshll.u32 v27, $0x3;
	v8 =	vmul.f32 v29, v3  }
0x11d: {  	v32 =	vmul.f32 $5.000000000e-01, v1;
	v5 =	vor.u32 v0, v28;
	v6 =	vmul.f32 v6, v7  }
0x11e: {  	v30 =	vor.u32 $0x2, v5;
	v33 =	vsub.f32 $1.500000000e+00, v8  }
0x11f: {  	v34 =	vmul.f32 v32, v32;
	v35 =	vmul.f32 v6, v2  }
0x120: {  	v42 =	vld [tilespmem:s15+$0x0];
	v31 =	vor.u32 $0x1, v5;
	v3 =	vmul.f32 v33, v3  }
0x121: {  	v43 =	vld [tilespmem:s12+$0x0];
	v8 =	vmul.f32 v34, v32;
	v38 =	vmul.f32 v35, v6  }
0x122: {  	v45 =	vld [tilespmem:s0+$0x0];
	v4 =	vmul.f32 v3, v23  }
0x123: {  	v40 =	vor.u32 $0x3, v5;
	v36 =	vld.idx.msk [tilespmem:v30+s30+$0x0], $0xffff;
	v41 =	vmul.f32 v8, v32;
	v9 =	vsub.f32 $1.500000000e+00, v38  }
0x124: {  	v37 =	vld.idx.msk [tilespmem:v30+s31+$0x0], $0xffff;
	v8 =	vmul.f32 $1.000000000e+01, v8;
	v4 =	vmul.f32 v4, v3  }
0x125: {  	v39 =	vld.idx.msk [tilespmem:v31+s30+$0x0], $0xffff;
	v44 =	vmul.f32 v41, v32;
	v6 =	vmul.f32 v9, v6  }
0x126: {  	v10 =	vld.idx.msk [tilespmem:v31+s31+$0x0], $0xffff;
	v8 =	vsub.f32 $1.000000000e+00, v8;
	v15 =	vmul.f32 $1.500000000e+01, v41;
	v4 =	vsub.f32 $1.500000000e+00, v4  }
0x127: {  	v2 =	vmul.f32 v6, v2  }
0x128: {  	v47 =	vld.idx.msk [tilespmem:v40+s31+$0x0], $0xffff;
	v8 =	vadd.f32 v15, v8;
	v48 =	vmul.f32 $-6.000000000e+00, v44;
	v3 =	vmul.f32 v4, v3  }
0x129: {  	vm14 =	vlt.f32 v32, $1.000000000e+00;
	v46 =	vmul.f32 v37, v36;
	v2 =	vmul.f32 v2, v6  }
0x12a: {  	v51 =	vld.idx.msk [tilespmem:v5+s30+$0x0], $0xffff;
	v8 =	vadd.f32 v48, v8;
	v50 =	vmul.f32 v3, v43;
	v16 =	vmul.f32 v3, v42  }
0x12b: {  	v14 =	vld.idx.msk [tilespmem:v40+s30+$0x0], $0xffff;
	v49 =	vmul.f32 v10, v39;
	v2 =	vsub.f32 $1.500000000e+00, v2;
	v9 =	vmul.f32 v3, v45  }
0x12c: {  	v8 =	vnsel vm14, $0x0, v8;
	v10 =	vmul.f32 v50, v10;
	v7 =	vmul.f32 v16, v37  }
0x12d: {  	v52 =	vsub.f32 $1.000000000e+00, v8;
	v2 =	vmul.f32 v2, v6;
	v53 =	vmul.f32 v9, v47  }
0x12e: {  	v5 =	vld.idx.msk [tilespmem:v5+s31+$0x0], $0xffff;
	v54 =	vmul.f32 v50, v39;
	v55 =	vmul.f32 v16, v36;
	v7 =	vadd.f32 v7, v10  }
0x12f: {  	v59 =	vadd.f32 v51, v51;
	v3 =	vmul.f32 v3, v52;
	v2 =	vmul.f32 v2, v8  }
0x130: {  	v58 =	vmul.f32 v9, v14;
	v57 =	vadd.f32 v55, v54;
	v56 =	vadd.f32 v7, v53  }
0x131: {  	v4 =	vadd.f32 v46, v49;
	v2 =	vadd.f32 v2, v3  }
0x132: {  	v3 =	vmul.f32 v47, v14;
	v7 =	vadd.f32 v57, v58;
	v60 =	vmul.f32 $-3.000000000e+00, v56  }
0x133: {  	v5 =	vmul.f32 v5, v51;
	v61 =	vmul.f32 v2, v2  }
0x134: {  	v3 =	vadd.f32 v3, v4;
	v62 =	vmul.f32 v56, v59;
	v63 =	vmul.f32 v60, v7  }
0x135: {  	v5 =	vmul.f32 v2, v5  }
0x136: {  	v2 =	vmul.f32 v61, v2;
	v4 =	vmul.f32 v62, v61;
	v3 =	vadd.f32 v63, v3;
	_ =	sdelay $0x1  }
0x137: {  	v4 =	vadd.f32 v4, v5;
	v2 =	vmul.f32 v3, v2;
	_ =	sdelay $0x1  }
0x138: {  	v2 =	vadd.f32 v2, v4;
	_ =	sdelay $0x1  }
0x139: {  	v2 =	vmul.f32 $7.199822900e+00, v2  }
0x13a: {  	vm15 =	vle.f32 v1, $1.000000000e+01  }
0x13b: {  	s16 =	simm.s32 $0x15F90;
	v1 =	vnsel vm15, $0x0, v2  }
0x13c: {  	s1 =	simm.s32 $0x14060;
	[tilespmem:s16+$0x0] =	vst v1  }
0x13d: {  	s2 =	simm.s32 $0x20;
	s6 =	simm.s32 $0x10;
	v1 =	vld [tilespmem:s1+$0x0]  }
.LBB2_4:
0x13e: {  	p0 =	sne.s32 s2, $0x7C0;
	_ =	sdelay $0x3  }
0x13f: {  	v2 =	vmul.f32 v1, v1;
	_ =	sdelay $0x1  }
0x140: {  	v3 =	vshra.s32 v2, $0x1;
	v4 =	vmul.f32 $5.000000000e-01, v2  }
0x141: {  	v3 =	vsub.s32 $0x5F3759DF, v3  }
0x142: {  	v5 =	vmul.f32 v3, v4  }
0x143: {  	v2 =	vadd.f32 $1.000000000e+00, v2  }
0x144: {  	v5 =	vmul.f32 v3, v5  }
0x145: {  	v6 =	vshra.s32 v2, $0x1;
	v2 =	vmul.f32 $5.000000000e-01, v2  }
0x146: {  	v6 =	vsub.s32 $0x5F3759DF, v6;
	v5 =	vsub.f32 $1.500000000e+00, v5  }
0x147: {  	v7 =	vmul.f32 v6, v2  }
0x148: {  	v8 =	vmov s6;
	s6 =	smov.u32 s2;
	v3 =	vmul.f32 v3, v5  }
0x149: {  	v7 =	vmul.f32 v6, v7;
	v5 =	vshll.u32 v8, $0x3  }
0x14a: {  	v5 =	vor.u32 v0, v5;
	v8 =	vmul.f32 v3, v4  }
0x14b: {  	v7 =	vsub.f32 $1.500000000e+00, v7;
	v9 =	vor.u32 $0x2, v5  }
0x14c: {  	v8 =	vmul.f32 v8, v3  }
0x14d: {  	v11 =	vmul.f32 $5.000000000e-01, v1;
	v10 =	vor.u32 $0x1, v5;
	v6 =	vmul.f32 v6, v7  }
0x14e: {  	v7 =	vsub.f32 $1.500000000e+00, v8  }
0x14f: {  	v12 =	vmul.f32 v6, v2;
	v8 =	vmul.f32 v11, v11  }
0x150: {  	v13 =	vld.idx.msk [tilespmem:v9+s30+$0x0], $0xffff;
	v3 =	vmul.f32 v7, v3  }
0x151: {  	v8 =	vmul.f32 v8, v11;
	v7 =	vld.idx.msk [tilespmem:v9+s31+$0x0], $0xffff;
	v9 =	vmul.f32 v12, v6  }
0x152: {  	v14 =	vor.u32 $0x3, v5;
	v12 =	vld.idx.msk [tilespmem:v10+s30+$0x0], $0xffff;
	v4 =	vmul.f32 v3, v4  }
0x153: {  	s15 =	sadd.s32 $0x10, s15;
	v15 =	vmul.f32 v8, v11;
	v10 =	vld.idx.msk [tilespmem:v10+s31+$0x0], $0xffff;
	v9 =	vsub.f32 $1.500000000e+00, v9  }
0x154: {  	s12 =	sadd.s32 $0x10, s12;
	v8 =	vmul.f32 $1.000000000e+01, v8;
	v16 =	vld [tilespmem:s15+$0x0];
	v4 =	vmul.f32 v4, v3  }
0x155: {  	s0 =	sadd.s32 $0x10, s0;
	v18 =	vmul.f32 v15, v11;
	v17 =	vld [tilespmem:s12+$0x0];
	v6 =	vmul.f32 v9, v6  }
0x156: {  	v8 =	vsub.f32 $1.000000000e+00, v8;
	v15 =	vmul.f32 $1.500000000e+01, v15;
	v9 =	vld [tilespmem:s0+$0x0];
	v4 =	vsub.f32 $1.500000000e+00, v4  }
0x157: {  	v20 =	vmul.f32 v7, v13;
	v19 =	vld.idx.msk [tilespmem:v14+s31+$0x0], $0xffff;
	v2 =	vmul.f32 v6, v2  }
0x158: {  	v8 =	vadd.f32 v15, v8;
	v15 =	vmul.f32 $-6.000000000e+00, v18;
	v3 =	vmul.f32 v4, v3  }
0x159: {  	v4 =	vmul.f32 v10, v12;
	v2 =	vmul.f32 v2, v6  }
0x15a: {  	v8 =	vadd.f32 v15, v8;
	v14 =	vld.idx.msk [tilespmem:v14+s30+$0x0], $0xffff;
	v15 =	vmul.f32 v3, v17;
	v16 =	vmul.f32 v3, v16  }
0x15b: {  	vm0 =	vlt.f32 v11, $1.000000000e+00;
	v17 =	vld.idx.msk [tilespmem:v5+s30+$0x0], $0xffff;
	v2 =	vsub.f32 $1.500000000e+00, v2;
	v9 =	vmul.f32 v3, v9  }
0x15c: {  	v8 =	vnsel vm0, $0x0, v8;
	v10 =	vmul.f32 v15, v10;
	v7 =	vmul.f32 v16, v7  }
0x15d: {  	v5 =	vld.idx.msk [tilespmem:v5+s31+$0x0], $0xffff;
	v2 =	vmul.f32 v2, v6;
	v6 =	vsub.f32 $1.000000000e+00, v8;
	v11 =	vmul.f32 v9, v19  }
0x15e: {  	v7 =	vadd.f32 v7, v10;
	v10 =	vmul.f32 v15, v12;
	v12 =	vmul.f32 v16, v13  }
0x15f: {  	v2 =	vmul.f32 v2, v8;
	v3 =	vmul.f32 v3, v6  }
0x160: {  	v8 =	vmul.f32 v9, v14;
	v6 =	vadd.f32 v7, v11;
	v7 =	vadd.f32 v12, v10  }
0x161: {  	v9 =	vadd.f32 v17, v17;
	v2 =	vadd.f32 v2, v3;
	v3 =	vmul.f32 v19, v14  }
0x162: {  	v4 =	vadd.f32 v20, v4;
	v7 =	vadd.f32 v7, v8;
	v8 =	vmul.f32 $-3.000000000e+00, v6  }
0x163: {  	v5 =	vmul.f32 v5, v17;
	v10 =	vmul.f32 v2, v2  }
0x164: {  	v3 =	vadd.f32 v3, v4;
	v4 =	vmul.f32 v6, v9;
	v6 =	vmul.f32 v8, v7  }
0x165: {  	v5 =	vmul.f32 v2, v5  }
0x166: {  	v2 =	vmul.f32 v10, v2;
	v4 =	vmul.f32 v4, v10;
	v3 =	vadd.f32 v6, v3;
	_ =	sdelay $0x1  }
0x167: {  	v4 =	vadd.f32 v4, v5;
	v2 =	vmul.f32 v3, v2;
	_ =	sdelay $0x1  }
0x168: {  	v2 =	vadd.f32 v2, v4;
	_ =	sdelay $0x1  }
.Ltmp1:
0x169: {  	v2 =	vmul.f32 $7.199822900e+00, v2;
	(pc) =	sbr.rel @p0 .LBB2_4-.Ltmp1, $4  }
0x16a: {  	vm0 =	vle.f32 v1, $1.000000000e+01  }
0x16b: {  	s16 =	sadd.s32 $0x10, s16;
	v1 =	vnsel vm0, $0x0, v2  }
0x16c: {  	s1 =	sadd.s32 $0x10, s1;
	[tilespmem:s16+$0x0] =	vst v1  }
0x16d: {  	s2 =	sadd.s32 $0x10, s2;
	v1 =	vld [tilespmem:s1+$0x0]  }
0x16e: {  	_ =	sdelay $0x3  }
0x16f: {  	v2 =	vmul.f32 v1, v1;
	_ =	sdelay $0x1  }
0x170: {  	v3 =	vshra.s32 v2, $0x1;
	v4 =	vmul.f32 $5.000000000e-01, v2  }
0x171: {  	v3 =	vsub.s32 $0x5F3759DF, v3  }
0x172: {  	v5 =	vmul.f32 v3, v4  }
0x173: {  	v2 =	vadd.f32 $1.000000000e+00, v2  }
0x174: {  	v5 =	vmul.f32 v3, v5  }
0x175: {  	v6 =	vshra.s32 v2, $0x1;
	v2 =	vmul.f32 $5.000000000e-01, v2  }
0x176: {  	v6 =	vsub.s32 $0x5F3759DF, v6;
	v5 =	vsub.f32 $1.500000000e+00, v5  }
0x177: {  	v7 =	vmul.f32 v6, v2  }
0x178: {  	v3 =	vmul.f32 v3, v5  }
0x179: {  	v7 =	vmul.f32 v6, v7  }
0x17a: {  	v8 =	vmov s6;
	v41 =	vmul.f32 v3, v4  }
0x17b: {  	v40 =	vshll.u32 v8, $0x3;
	v7 =	vsub.f32 $1.500000000e+00, v7  }
0x17c: {  	v5 =	vor.u32 v0, v40;
	v8 =	vmul.f32 v41, v3  }
0x17d: {  	v11 =	vmul.f32 $5.000000000e-01, v1;
	v9 =	vor.u32 $0x2, v5;
	v6 =	vmul.f32 v6, v7  }
0x17e: {  	v42 =	vsub.f32 $1.500000000e+00, v8  }
0x17f: {  	s1 =	sadd.s32 $0x10, s15;
	v43 =	vmul.f32 v11, v11;
	v12 =	vmul.f32 v6, v2  }
0x180: {  	s15 =	sadd.s32 $0x10, s12;
	v16 =	vld [tilespmem:s1+$0x0];
	v10 =	vor.u32 $0x1, v5;
	v3 =	vmul.f32 v42, v3  }
0x181: {  	v17 =	vld [tilespmem:s15+$0x0];
	v8 =	vmul.f32 v43, v11;
	v45 =	vmul.f32 v12, v6  }
0x182: {  	v13 =	vld.idx.msk [tilespmem:v9+s30+$0x0], $0xffff;
	v4 =	vmul.f32 v3, v4  }
0x183: {  	s0 =	sadd.s32 $0x10, s0;
	v14 =	vor.u32 $0x3, v5;
	v44 =	vld.idx.msk [tilespmem:v9+s31+$0x0], $0xffff;
	v15 =	vmul.f32 v8, v11;
	v9 =	vsub.f32 $1.500000000e+00, v45  }
0x184: {  	v47 =	vld [tilespmem:s0+$0x0];
	v8 =	vmul.f32 $1.000000000e+01, v8;
	v4 =	vmul.f32 v4, v3  }
0x185: {  	v46 =	vld.idx.msk [tilespmem:v10+s30+$0x0], $0xffff;
	v18 =	vmul.f32 v15, v11;
	v6 =	vmul.f32 v9, v6  }
0x186: {  	v10 =	vld.idx.msk [tilespmem:v10+s31+$0x0], $0xffff;
	v8 =	vsub.f32 $1.000000000e+00, v8;
	v15 =	vmul.f32 $1.500000000e+01, v15;
	v4 =	vsub.f32 $1.500000000e+00, v4  }
0x187: {  	v2 =	vmul.f32 v6, v2  }
0x188: {  	v20 =	vld.idx.msk [tilespmem:v14+s31+$0x0], $0xffff;
	v8 =	vadd.f32 v15, v8;
	v48 =	vmul.f32 $-6.000000000e+00, v18;
	v3 =	vmul.f32 v4, v3  }
0x189: {  	vm0 =	vlt.f32 v11, $1.000000000e+00;
	v19 =	vmul.f32 v44, v13;
	v2 =	vmul.f32 v2, v6  }
0x18a: {  	v51 =	vld.idx.msk [tilespmem:v5+s30+$0x0], $0xffff;
	v8 =	vadd.f32 v48, v8;
	v50 =	vmul.f32 v3, v17;
	v16 =	vmul.f32 v3, v16  }
0x18b: {  	v14 =	vld.idx.msk [tilespmem:v14+s30+$0x0], $0xffff;
	v49 =	vmul.f32 v10, v46;
	v2 =	vsub.f32 $1.500000000e+00, v2;
	v9 =	vmul.f32 v3, v47  }
0x18c: {  	v8 =	vnsel vm0, $0x0, v8;
	v10 =	vmul.f32 v50, v10;
	v7 =	vmul.f32 v16, v44  }
0x18d: {  	v52 =	vsub.f32 $1.000000000e+00, v8;
	v2 =	vmul.f32 v2, v6;
	v53 =	vmul.f32 v9, v20  }
0x18e: {  	v5 =	vld.idx.msk [tilespmem:v5+s31+$0x0], $0xffff;
	v54 =	vmul.f32 v50, v46;
	v55 =	vmul.f32 v16, v13;
	v7 =	vadd.f32 v7, v10  }
0x18f: {  	v59 =	vadd.f32 v51, v51;
	v3 =	vmul.f32 v3, v52;
	v2 =	vmul.f32 v2, v8  }
0x190: {  	v58 =	vmul.f32 v9, v14;
	v57 =	vadd.f32 v55, v54;
	v56 =	vadd.f32 v7, v53  }
0x191: {  	v4 =	vadd.f32 v19, v49;
	v2 =	vadd.f32 v2, v3  }
0x192: {  	v3 =	vmul.f32 v20, v14;
	v7 =	vadd.f32 v57, v58;
	v60 =	vmul.f32 $-3.000000000e+00, v56  }
0x193: {  	v5 =	vmul.f32 v5, v51;
	v61 =	vmul.f32 v2, v2  }
0x194: {  	v3 =	vadd.f32 v3, v4;
	v62 =	vmul.f32 v56, v59;
	v63 =	vmul.f32 v60, v7  }
0x195: {  	v5 =	vmul.f32 v2, v5  }
0x196: {  	v2 =	vmul.f32 v61, v2;
	v4 =	vmul.f32 v62, v61;
	v3 =	vadd.f32 v63, v3;
	_ =	sdelay $0x1  }
0x197: {  	v4 =	vadd.f32 v4, v5;
	v2 =	vmul.f32 v3, v2;
	_ =	sdelay $0x1  }
0x198: {  	v2 =	vadd.f32 v2, v4;
	_ =	sdelay $0x1  }
0x199: {  	v2 =	vmul.f32 $7.199822900e+00, v2  }
0x19a: {  	vm15 =	vle.f32 v1, $1.000000000e+01  }
0x19b: {  	s16 =	sadd.s32 $0x10, s16;
	v1 =	vnsel vm15, $0x0, v2  }
0x19c: {  	s18 =	rddreg [dreg:$0x15];
	s19 =	simm.s32 $0x15F90;
	[tilespmem:s16+$0x0] =	vst v1;
	s16 =	simm.s32 $0x1  }
0x19d: {  	[hbm4b:s18+s17] =	stream.linear.scatter [tilespmem:s19], [sflag:$0x4], $0x7D0, $0x38;
	[tilespmem:$0x16760] =	vst v63  }
.LBB2_6:
0x19e: {  	s18 =	sshll.u32 s16, $0x1  }
0x19f: {  	s0 =	sadd.s32 s11, s18  }
0x1a0: {  	s19 =	smul.u32 $0xFA, s0;
	_ =	sdelay $0x1  }
0x1a1: {  	s1 =	simm.s32 $0x0;
	s2 =	simm.s32 $0x8CA0;
	s0 =	sadd.s32 s5, s19  }
0x1a2: {  	[tilespmem:s2], [sflag:$0x5] =	stream.linear.gather [hbm4b:s0+s1], $0x7D0, $0x38;
	[tilespmem:$0x16760] =	vst v63  }
0x1a3: {  	_ =	swait.ge [sflag:s22], $0x7D0  }
0x1a4: {  	[sflag:s22] =	ssyncset.done $0x0  }
0x1a5: {  	s15 =	simm.s32 $0x9470;
	s3 =	sadd.s32 s7, s19;
	[sflag:s22] =	ssyncadd.s32 $0xFFFFF830  }
0x1a6: {  	[tilespmem:s15], [sflag:$0x5] =	stream.linear.gather [hbm4b:s3+s1], $0x7D0, $0x38;
	[tilespmem:$0x16760] =	vst v63  }
0x1a7: {  	_ =	swait.ge [sflag:s22], $0x7D0  }
0x1a8: {  	[sflag:s22] =	ssyncset.done $0x0  }
0x1a9: {  	s0 =	simm.s32 $0x9C40;
	s3 =	sadd.s32 s8, s19;
	[sflag:s22] =	ssyncadd.s32 $0xFFFFF830  }
0x1aa: {  	[tilespmem:s0], [sflag:$0x5] =	stream.linear.gather [hbm4b:s3+s1], $0x7D0, $0x38;
	[tilespmem:$0x16760] =	vst v63  }
0x1ab: {  	_ =	swait.ge [sflag:s22], $0x7D0  }
0x1ac: {  	[sflag:s22] =	ssyncset.done $0x0  }
0x1ad: {  	s12 =	simm.s32 $0xA410;
	s6 =	sadd.s32 s9, s19;
	[sflag:s22] =	ssyncadd.s32 $0xFFFFF830  }
0x1ae: {  	[tilespmem:s12], [sflag:$0x5] =	stream.linear.gather [hbm4b:s6+s1], $0x7D0, $0x38;
	[tilespmem:$0x16760] =	vst v63  }
0x1af: {  	_ =	swait.ge [sflag:s22], $0x7D0  }
0x1b0: {  	[sflag:s22] =	ssyncset.done $0x0  }
0x1b1: {  	[sflag:s22] =	ssyncadd.s32 $0xFFFFF830  }
0x1b2: {  	_ =	swait.ge [sflag:s26], $0x1F40  }
0x1b3: {  	[sflag:s26] =	ssyncset.done $0x0  }
0x1b4: {  	[sflag:s26] =	ssyncadd.s32 $0xFFFFE0C0  }
0x1b5: {  	_ =	swait.ge [sflag:s26], $0x1F40  }
0x1b6: {  	[sflag:s26] =	ssyncset.done $0x0;
	s17 =	sld [smem:$0x7FC]  }
0x1b7: {  	[sflag:s26] =	ssyncadd.s32 $0xFFFFE0C0  }
0x1b8: {  	_ =	swait.ge [sflag:s13], $0x7D0  }
0x1b9: {  	s3 =	sadd.s32 s18, s17;
	[sflag:s13] =	ssyncset.done $0x0  }
0x1ba: {  	s17 =	smul.u32 $0xFA, s3;
	[sflag:s13] =	ssyncadd.s32 $0xFFFFF830  }
0x1bb: {  	s6 =	rddreg [dreg:$0x2]  }
0x1bc: {  	s3 =	sadd.s32 s6, s17  }
0x1bd: {  	[tilespmem:s28], [sflag:$0x5] =	stream.linear.gather [hbm4b:s3+s1], $0x7D0, $0x38;
	[tilespmem:$0x16760] =	vst v63  }
0x1be: {  	_ =	swait.ge [sflag:s22], $0x7D0  }
0x1bf: {  	[sflag:s22] =	ssyncset.done $0x0  }
0x1c0: {  	s6 =	sadd.s32 s20, s17;
	[sflag:s22] =	ssyncadd.s32 $0xFFFFF830  }
0x1c1: {  	[tilespmem:s29], [sflag:$0x5] =	stream.linear.gather [hbm4b:s6+s1], $0x7D0, $0x38;
	[tilespmem:$0x16760] =	vst v63  }
0x1c2: {  	_ =	swait.ge [sflag:s22], $0x7D0  }
0x1c3: {  	[sflag:s22] =	ssyncset.done $0x0  }
0x1c4: {  	[sflag:s22] =	ssyncadd.s32 $0xFFFFF830  }
0x1c5: {  	[tilespmem:s30], [sflag:$0x3] =	stream.indirect.gather [hbm4b:s10+s23], $0x4, s28, s23, $0xb8;
	[tilespmem:$0x16760] =	vst v63  }
0x1c6: {  	_ = 	snop  }
0x1c7: {  	[tilespmem:s31], [sflag:$0x3] =	stream.indirect.gather [hbm4b:s10+s23], $0x4, s29, s23, $0xb8;
	[tilespmem:$0x16760] =	vst v63  }
0x1c8: {  	v1 =	vld [tilespmem:s2+$0x0];
	_ =	sdelay $0x4  }
0x1c9: {  	v2 =	vmul.f32 v1, v1;
	_ =	sdelay $0x1  }
0x1ca: {  	v3 =	vshra.s32 v2, $0x1;
	v4 =	vmul.f32 $5.000000000e-01, v2  }
0x1cb: {  	v3 =	vsub.s32 $0x5F3759DF, v3  }
0x1cc: {  	v5 =	vmul.f32 v3, v4  }
0x1cd: {  	v2 =	vadd.f32 $1.000000000e+00, v2  }
0x1ce: {  	v5 =	vmul.f32 v3, v5  }
0x1cf: {  	v6 =	vshra.s32 v2, $0x1;
	v2 =	vmul.f32 $5.000000000e-01, v2  }
0x1d0: {  	v6 =	vsub.s32 $0x5F3759DF, v6;
	v5 =	vsub.f32 $1.500000000e+00, v5  }
0x1d1: {  	v7 =	vmul.f32 v6, v2  }
0x1d2: {  	v3 =	vmul.f32 v3, v5  }
0x1d3: {  	v7 =	vmul.f32 v6, v7  }
0x1d4: {  	v8 =	vmov s1;
	v41 =	vmul.f32 v3, v4  }
0x1d5: {  	v40 =	vshll.u32 v8, $0x3;
	v7 =	vsub.f32 $1.500000000e+00, v7  }
0x1d6: {  	v5 =	vor.u32 v0, v40;
	v8 =	vmul.f32 v41, v3  }
0x1d7: {  	v11 =	vmul.f32 $5.000000000e-01, v1;
	v9 =	vor.u32 $0x2, v5;
	v6 =	vmul.f32 v6, v7  }
0x1d8: {  	v42 =	vsub.f32 $1.500000000e+00, v8  }
0x1d9: {  	v43 =	vmul.f32 v11, v11;
	v12 =	vmul.f32 v6, v2  }
0x1da: {  	v16 =	vld [tilespmem:s0+$0x0];
	v10 =	vor.u32 $0x1, v5;
	v3 =	vmul.f32 v42, v3  }
0x1db: {  	v17 =	vld [tilespmem:s15+$0x0];
	v8 =	vmul.f32 v43, v11;
	v45 =	vmul.f32 v12, v6  }
0x1dc: {  	v13 =	vld.idx.msk [tilespmem:v9+s24+$0x0], $0xffff;
	v4 =	vmul.f32 v3, v4  }
0x1dd: {  	v14 =	vor.u32 $0x3, v5;
	v44 =	vld.idx.msk [tilespmem:v9+s25+$0x0], $0xffff;
	v15 =	vmul.f32 v8, v11;
	v9 =	vsub.f32 $1.500000000e+00, v45  }
0x1de: {  	v47 =	vld [tilespmem:s12+$0x0];
	v8 =	vmul.f32 $1.000000000e+01, v8;
	v4 =	vmul.f32 v4, v3  }
0x1df: {  	v46 =	vld.idx.msk [tilespmem:v10+s24+$0x0], $0xffff;
	v18 =	vmul.f32 v15, v11;
	v6 =	vmul.f32 v9, v6  }
0x1e0: {  	v10 =	vld.idx.msk [tilespmem:v10+s25+$0x0], $0xffff;
	v8 =	vsub.f32 $1.000000000e+00, v8;
	v15 =	vmul.f32 $1.500000000e+01, v15;
	v4 =	vsub.f32 $1.500000000e+00, v4  }
0x1e1: {  	v2 =	vmul.f32 v6, v2  }
0x1e2: {  	v20 =	vld.idx.msk [tilespmem:v14+s25+$0x0], $0xffff;
	v8 =	vadd.f32 v15, v8;
	v48 =	vmul.f32 $-6.000000000e+00, v18;
	v3 =	vmul.f32 v4, v3  }
0x1e3: {  	vm0 =	vlt.f32 v11, $1.000000000e+00;
	v19 =	vmul.f32 v44, v13;
	v2 =	vmul.f32 v2, v6  }
0x1e4: {  	v51 =	vld.idx.msk [tilespmem:v5+s24+$0x0], $0xffff;
	v8 =	vadd.f32 v48, v8;
	v50 =	vmul.f32 v3, v17;
	v16 =	vmul.f32 v3, v16  }
0x1e5: {  	v14 =	vld.idx.msk [tilespmem:v14+s24+$0x0], $0xffff;
	v49 =	vmul.f32 v10, v46;
	v2 =	vsub.f32 $1.500000000e+00, v2;
	v9 =	vmul.f32 v3, v47  }
0x1e6: {  	v8 =	vnsel vm0, $0x0, v8;
	v10 =	vmul.f32 v50, v10;
	v7 =	vmul.f32 v16, v44  }
0x1e7: {  	v52 =	vsub.f32 $1.000000000e+00, v8;
	v2 =	vmul.f32 v2, v6;
	v53 =	vmul.f32 v9, v20  }
0x1e8: {  	v5 =	vld.idx.msk [tilespmem:v5+s25+$0x0], $0xffff;
	v54 =	vmul.f32 v50, v46;
	v55 =	vmul.f32 v16, v13;
	v7 =	vadd.f32 v7, v10  }
0x1e9: {  	v59 =	vadd.f32 v51, v51;
	v3 =	vmul.f32 v3, v52;
	v2 =	vmul.f32 v2, v8  }
0x1ea: {  	v58 =	vmul.f32 v9, v14;
	v57 =	vadd.f32 v55, v54;
	v56 =	vadd.f32 v7, v53  }
0x1eb: {  	v4 =	vadd.f32 v19, v49;
	v2 =	vadd.f32 v2, v3  }
0x1ec: {  	v3 =	vmul.f32 v20, v14;
	v7 =	vadd.f32 v57, v58;
	v60 =	vmul.f32 $-3.000000000e+00, v56  }
0x1ed: {  	v5 =	vmul.f32 v5, v51;
	v61 =	vmul.f32 v2, v2  }
0x1ee: {  	v3 =	vadd.f32 v3, v4;
	v62 =	vmul.f32 v56, v59;
	v63 =	vmul.f32 v60, v7  }
0x1ef: {  	v5 =	vmul.f32 v2, v5  }
0x1f0: {  	v2 =	vmul.f32 v61, v2;
	v4 =	vmul.f32 v62, v61;
	v3 =	vadd.f32 v63, v3;
	_ =	sdelay $0x1  }
0x1f1: {  	v4 =	vadd.f32 v4, v5;
	v2 =	vmul.f32 v3, v2;
	_ =	sdelay $0x1  }
0x1f2: {  	v2 =	vadd.f32 v2, v4;
	_ =	sdelay $0x1  }
0x1f3: {  	v2 =	vmul.f32 $7.199822900e+00, v2  }
0x1f4: {  	vm15 =	vle.f32 v1, $1.000000000e+01  }
0x1f5: {  	s6 =	simm.s32 $0xABE0;
	v1 =	vnsel vm15, $0x0, v2  }
0x1f6: {  	s2 =	simm.s32 $0x8CB0;
	[tilespmem:s6+$0x0] =	vst v1  }
0x1f7: {  	s3 =	simm.s32 $0x20;
	s1 =	simm.s32 $0x10;
	v1 =	vld [tilespmem:s2+$0x0]  }
.LBB2_7:
0x1f8: {  	p0 =	sne.s32 s3, $0x7C0;
	_ =	sdelay $0x3  }
0x1f9: {  	v2 =	vmul.f32 v1, v1;
	_ =	sdelay $0x1  }
0x1fa: {  	v3 =	vshra.s32 v2, $0x1;
	v4 =	vmul.f32 $5.000000000e-01, v2  }
0x1fb: {  	v3 =	vsub.s32 $0x5F3759DF, v3  }
0x1fc: {  	v5 =	vmul.f32 v3, v4  }
0x1fd: {  	v2 =	vadd.f32 $1.000000000e+00, v2  }
0x1fe: {  	v5 =	vmul.f32 v3, v5  }
0x1ff: {  	v6 =	vshra.s32 v2, $0x1;
	v2 =	vmul.f32 $5.000000000e-01, v2  }
0x200: {  	v6 =	vsub.s32 $0x5F3759DF, v6;
	v5 =	vsub.f32 $1.500000000e+00, v5  }
0x201: {  	v7 =	vmul.f32 v6, v2  }
0x202: {  	v8 =	vmov s1;
	s1 =	smov.u32 s3;
	v3 =	vmul.f32 v3, v5  }
0x203: {  	v7 =	vmul.f32 v6, v7;
	v5 =	vshll.u32 v8, $0x3  }
0x204: {  	v5 =	vor.u32 v0, v5;
	v8 =	vmul.f32 v3, v4  }
0x205: {  	v7 =	vsub.f32 $1.500000000e+00, v7;
	v9 =	vor.u32 $0x2, v5  }
0x206: {  	v8 =	vmul.f32 v8, v3  }
0x207: {  	v11 =	vmul.f32 $5.000000000e-01, v1;
	v10 =	vor.u32 $0x1, v5;
	v6 =	vmul.f32 v6, v7  }
0x208: {  	v7 =	vsub.f32 $1.500000000e+00, v8  }
0x209: {  	v12 =	vmul.f32 v6, v2;
	v8 =	vmul.f32 v11, v11  }
0x20a: {  	v13 =	vld.idx.msk [tilespmem:v9+s24+$0x0], $0xffff;
	v3 =	vmul.f32 v7, v3  }
0x20b: {  	v8 =	vmul.f32 v8, v11;
	v7 =	vld.idx.msk [tilespmem:v9+s25+$0x0], $0xffff;
	v9 =	vmul.f32 v12, v6  }
0x20c: {  	v14 =	vor.u32 $0x3, v5;
	v12 =	vld.idx.msk [tilespmem:v10+s24+$0x0], $0xffff;
	v4 =	vmul.f32 v3, v4  }
0x20d: {  	s0 =	sadd.s32 $0x10, s0;
	v15 =	vmul.f32 v8, v11;
	v10 =	vld.idx.msk [tilespmem:v10+s25+$0x0], $0xffff;
	v9 =	vsub.f32 $1.500000000e+00, v9  }
0x20e: {  	s15 =	sadd.s32 $0x10, s15;
	v8 =	vmul.f32 $1.000000000e+01, v8;
	v16 =	vld [tilespmem:s0+$0x0];
	v4 =	vmul.f32 v4, v3  }
0x20f: {  	s12 =	sadd.s32 $0x10, s12;
	v18 =	vmul.f32 v15, v11;
	v17 =	vld [tilespmem:s15+$0x0];
	v6 =	vmul.f32 v9, v6  }
0x210: {  	v8 =	vsub.f32 $1.000000000e+00, v8;
	v15 =	vmul.f32 $1.500000000e+01, v15;
	v9 =	vld [tilespmem:s12+$0x0];
	v4 =	vsub.f32 $1.500000000e+00, v4  }
0x211: {  	v20 =	vmul.f32 v7, v13;
	v19 =	vld.idx.msk [tilespmem:v14+s25+$0x0], $0xffff;
	v2 =	vmul.f32 v6, v2  }
0x212: {  	v8 =	vadd.f32 v15, v8;
	v15 =	vmul.f32 $-6.000000000e+00, v18;
	v3 =	vmul.f32 v4, v3  }
0x213: {  	v4 =	vmul.f32 v10, v12;
	v2 =	vmul.f32 v2, v6  }
0x214: {  	v8 =	vadd.f32 v15, v8;
	v14 =	vld.idx.msk [tilespmem:v14+s24+$0x0], $0xffff;
	v15 =	vmul.f32 v3, v17;
	v16 =	vmul.f32 v3, v16  }
0x215: {  	vm0 =	vlt.f32 v11, $1.000000000e+00;
	v17 =	vld.idx.msk [tilespmem:v5+s24+$0x0], $0xffff;
	v2 =	vsub.f32 $1.500000000e+00, v2;
	v9 =	vmul.f32 v3, v9  }
0x216: {  	v8 =	vnsel vm0, $0x0, v8;
	v10 =	vmul.f32 v15, v10;
	v7 =	vmul.f32 v16, v7  }
0x217: {  	v5 =	vld.idx.msk [tilespmem:v5+s25+$0x0], $0xffff;
	v2 =	vmul.f32 v2, v6;
	v6 =	vsub.f32 $1.000000000e+00, v8;
	v11 =	vmul.f32 v9, v19  }
0x218: {  	v7 =	vadd.f32 v7, v10;
	v10 =	vmul.f32 v15, v12;
	v12 =	vmul.f32 v16, v13  }
0x219: {  	v2 =	vmul.f32 v2, v8;
	v3 =	vmul.f32 v3, v6  }
0x21a: {  	v8 =	vmul.f32 v9, v14;
	v6 =	vadd.f32 v7, v11;
	v7 =	vadd.f32 v12, v10  }
0x21b: {  	v9 =	vadd.f32 v17, v17;
	v2 =	vadd.f32 v2, v3;
	v3 =	vmul.f32 v19, v14  }
0x21c: {  	v4 =	vadd.f32 v20, v4;
	v7 =	vadd.f32 v7, v8;
	v8 =	vmul.f32 $-3.000000000e+00, v6  }
0x21d: {  	v5 =	vmul.f32 v5, v17;
	v10 =	vmul.f32 v2, v2  }
0x21e: {  	v3 =	vadd.f32 v3, v4;
	v4 =	vmul.f32 v6, v9;
	v6 =	vmul.f32 v8, v7  }
0x21f: {  	v5 =	vmul.f32 v2, v5  }
0x220: {  	v2 =	vmul.f32 v10, v2;
	v4 =	vmul.f32 v4, v10;
	v3 =	vadd.f32 v6, v3;
	_ =	sdelay $0x1  }
0x221: {  	v4 =	vadd.f32 v4, v5;
	v2 =	vmul.f32 v3, v2;
	_ =	sdelay $0x1  }
0x222: {  	v2 =	vadd.f32 v2, v4;
	_ =	sdelay $0x1  }
.Ltmp2:
0x223: {  	v2 =	vmul.f32 $7.199822900e+00, v2;
	(pc) =	sbr.rel @p0 .LBB2_7-.Ltmp2, $4  }
0x224: {  	vm0 =	vle.f32 v1, $1.000000000e+01  }
0x225: {  	s6 =	sadd.s32 $0x10, s6;
	v1 =	vnsel vm0, $0x0, v2  }
0x226: {  	s2 =	sadd.s32 $0x10, s2;
	[tilespmem:s6+$0x0] =	vst v1  }
0x227: {  	s3 =	sadd.s32 $0x10, s3;
	v1 =	vld [tilespmem:s2+$0x0]  }
0x228: {  	_ =	sdelay $0x3  }
0x229: {  	v2 =	vmul.f32 v1, v1;
	_ =	sdelay $0x1  }
0x22a: {  	v3 =	vshra.s32 v2, $0x1;
	v4 =	vmul.f32 $5.000000000e-01, v2  }
0x22b: {  	v3 =	vsub.s32 $0x5F3759DF, v3  }
0x22c: {  	v5 =	vmul.f32 v3, v4  }
0x22d: {  	v2 =	vadd.f32 $1.000000000e+00, v2  }
0x22e: {  	v5 =	vmul.f32 v3, v5  }
0x22f: {  	v6 =	vshra.s32 v2, $0x1;
	v2 =	vmul.f32 $5.000000000e-01, v2  }
0x230: {  	v6 =	vsub.s32 $0x5F3759DF, v6;
	v5 =	vsub.f32 $1.500000000e+00, v5  }
0x231: {  	v7 =	vmul.f32 v6, v2  }
0x232: {  	v3 =	vmul.f32 v3, v5  }
0x233: {  	v7 =	vmul.f32 v6, v7  }
0x234: {  	v8 =	vmov s1;
	v49 =	vmul.f32 v3, v4  }
0x235: {  	v48 =	vshll.u32 v8, $0x3;
	v7 =	vsub.f32 $1.500000000e+00, v7  }
0x236: {  	v5 =	vor.u32 v0, v48;
	v8 =	vmul.f32 v49, v3  }
0x237: {  	v11 =	vmul.f32 $5.000000000e-01, v1;
	v9 =	vor.u32 $0x2, v5;
	v6 =	vmul.f32 v6, v7  }
0x238: {  	v50 =	vsub.f32 $1.500000000e+00, v8  }
0x239: {  	s0 =	sadd.s32 $0x10, s0;
	v51 =	vmul.f32 v11, v11;
	v12 =	vmul.f32 v6, v2  }
0x23a: {  	s15 =	sadd.s32 $0x10, s15;
	v16 =	vld [tilespmem:s0+$0x0];
	v10 =	vor.u32 $0x1, v5;
	v3 =	vmul.f32 v50, v3  }
0x23b: {  	v17 =	vld [tilespmem:s15+$0x0];
	v8 =	vmul.f32 v51, v11;
	v53 =	vmul.f32 v12, v6  }
0x23c: {  	v13 =	vld.idx.msk [tilespmem:v9+s24+$0x0], $0xffff;
	v4 =	vmul.f32 v3, v4  }
0x23d: {  	s1 =	sadd.s32 $0x10, s12;
	v14 =	vor.u32 $0x3, v5;
	v52 =	vld.idx.msk [tilespmem:v9+s25+$0x0], $0xffff;
	v15 =	vmul.f32 v8, v11;
	v9 =	vsub.f32 $1.500000000e+00, v53  }
0x23e: {  	v55 =	vld [tilespmem:s1+$0x0];
	v8 =	vmul.f32 $1.000000000e+01, v8;
	v4 =	vmul.f32 v4, v3  }
0x23f: {  	v54 =	vld.idx.msk [tilespmem:v10+s24+$0x0], $0xffff;
	v18 =	vmul.f32 v15, v11;
	v6 =	vmul.f32 v9, v6  }
0x240: {  	v10 =	vld.idx.msk [tilespmem:v10+s25+$0x0], $0xffff;
	v8 =	vsub.f32 $1.000000000e+00, v8;
	v15 =	vmul.f32 $1.500000000e+01, v15;
	v4 =	vsub.f32 $1.500000000e+00, v4  }
0x241: {  	v2 =	vmul.f32 v6, v2  }
0x242: {  	v20 =	vld.idx.msk [tilespmem:v14+s25+$0x0], $0xffff;
	v8 =	vadd.f32 v15, v8;
	v56 =	vmul.f32 $-6.000000000e+00, v18;
	v3 =	vmul.f32 v4, v3  }
0x243: {  	vm0 =	vlt.f32 v11, $1.000000000e+00;
	v19 =	vmul.f32 v52, v13;
	v2 =	vmul.f32 v2, v6  }
0x244: {  	v59 =	vld.idx.msk [tilespmem:v5+s24+$0x0], $0xffff;
	v8 =	vadd.f32 v56, v8;
	v58 =	vmul.f32 v3, v17;
	v16 =	vmul.f32 v3, v16  }
0x245: {  	v14 =	vld.idx.msk [tilespmem:v14+s24+$0x0], $0xffff;
	v57 =	vmul.f32 v10, v54;
	v2 =	vsub.f32 $1.500000000e+00, v2;
	v9 =	vmul.f32 v3, v55  }
0x246: {  	v8 =	vnsel vm0, $0x0, v8;
	v10 =	vmul.f32 v58, v10;
	v7 =	vmul.f32 v16, v52  }
0x247: {  	v60 =	vsub.f32 $1.000000000e+00, v8;
	v2 =	vmul.f32 v2, v6;
	v61 =	vmul.f32 v9, v20  }
0x248: {  	v5 =	vld.idx.msk [tilespmem:v5+s25+$0x0], $0xffff;
	v62 =	vmul.f32 v58, v54;
	v63 =	vmul.f32 v16, v13;
	v7 =	vadd.f32 v7, v10  }
0x249: {  	v18 =	vadd.f32 v59, v59;
	v3 =	vmul.f32 v3, v60;
	v2 =	vmul.f32 v2, v8  }
0x24a: {  	v17 =	vmul.f32 v9, v14;
	v16 =	vadd.f32 v63, v62;
	v15 =	vadd.f32 v7, v61  }
0x24b: {  	v4 =	vadd.f32 v19, v57;
	v2 =	vadd.f32 v2, v3  }
0x24c: {  	v3 =	vmul.f32 v20, v14;
	v7 =	vadd.f32 v16, v17;
	v19 =	vmul.f32 $-3.000000000e+00, v15  }
0x24d: {  	v5 =	vmul.f32 v5, v59;
	v20 =	vmul.f32 v2, v2  }
0x24e: {  	v3 =	vadd.f32 v3, v4;
	v21 =	vmul.f32 v15, v18;
	v22 =	vmul.f32 v19, v7  }
0x24f: {  	v5 =	vmul.f32 v2, v5  }
0x250: {  	v2 =	vmul.f32 v20, v2;
	v4 =	vmul.f32 v21, v20;
	v3 =	vadd.f32 v22, v3;
	_ =	sdelay $0x1  }
0x251: {  	v4 =	vadd.f32 v4, v5;
	v2 =	vmul.f32 v3, v2;
	_ =	sdelay $0x1  }
0x252: {  	v2 =	vadd.f32 v2, v4;
	_ =	sdelay $0x1  }
0x253: {  	v2 =	vmul.f32 $7.199822900e+00, v2  }
0x254: {  	vm13 =	vle.f32 v1, $1.000000000e+01  }
0x255: {  	s2 =	sadd.s32 $0x10, s6;
	v1 =	vnsel vm13, $0x0, v2  }
0x256: {  	s3 =	sadd.s32 s21, s19;
	s1 =	simm.s32 $0x0;
	[tilespmem:s2+$0x0] =	vst v1;
	s2 =	simm.s32 $0xABE0  }
0x257: {  	[hbm4b:s3+s1] =	stream.linear.scatter [tilespmem:s2], [sflag:$0x2], $0x7D0, $0x38;
	[tilespmem:$0x16760] =	vst v63  }
0x258: {  	s6 =	sadd.s32 s5, s17;
	s2 =	simm.s32 $0x14050  }
0x259: {  	[tilespmem:s2], [sflag:$0x5] =	stream.linear.gather [hbm4b:s6+s1], $0x7D0, $0x38;
	[tilespmem:$0x16760] =	vst v63  }
0x25a: {  	_ =	swait.ge [sflag:s22], $0x7D0  }
0x25b: {  	[sflag:s22] =	ssyncset.done $0x0  }
0x25c: {  	s12 =	sadd.s32 s7, s17;
	s15 =	simm.s32 $0x14820;
	[sflag:s22] =	ssyncadd.s32 $0xFFFFF830  }
0x25d: {  	[tilespmem:s15], [sflag:$0x5] =	stream.linear.gather [hbm4b:s12+s1], $0x7D0, $0x38;
	[tilespmem:$0x16760] =	vst v63  }
0x25e: {  	_ =	swait.ge [sflag:s22], $0x7D0  }
0x25f: {  	[sflag:s22] =	ssyncset.done $0x0  }
0x260: {  	s0 =	simm.s32 $0x14FF0;
	s3 =	sadd.s32 s8, s17;
	[sflag:s22] =	ssyncadd.s32 $0xFFFFF830  }
0x261: {  	[tilespmem:s0], [sflag:$0x5] =	stream.linear.gather [hbm4b:s3+s1], $0x7D0, $0x38;
	[tilespmem:$0x16760] =	vst v63  }
0x262: {  	_ =	swait.ge [sflag:s22], $0x7D0  }
0x263: {  	[sflag:s22] =	ssyncset.done $0x0  }
0x264: {  	s19 =	sadd.s32 s9, s17;
	s12 =	simm.s32 $0x157C0;
	[sflag:s22] =	ssyncadd.s32 $0xFFFFF830  }
0x265: {  	[tilespmem:s12], [sflag:$0x5] =	stream.linear.gather [hbm4b:s19+s1], $0x7D0, $0x38;
	[tilespmem:$0x16760] =	vst v63  }
0x266: {  	_ =	swait.ge [sflag:s22], $0x7D0  }
0x267: {  	[sflag:s22] =	ssyncset.done $0x0  }
0x268: {  	[sflag:s22] =	ssyncadd.s32 $0xFFFFF830  }
0x269: {  	_ =	swait.ge [sflag:s4], $0x1F40  }
0x26a: {  	[sflag:s4] =	ssyncset.done $0x0  }
0x26b: {  	[sflag:s4] =	ssyncadd.s32 $0xFFFFE0C0  }
0x26c: {  	_ =	swait.ge [sflag:s4], $0x1F40  }
0x26d: {  	[sflag:s4] =	ssyncset.done $0x0;
	s6 =	sld [smem:$0x7FD]  }
0x26e: {  	[sflag:s4] =	ssyncadd.s32 $0xFFFFE0C0  }
0x26f: {  	_ =	swait.ge [sflag:s14], $0x7D0  }
0x270: {  	s3 =	sadd.s32 s18, s6;
	[sflag:s14] =	ssyncset.done $0x0  }
0x271: {  	s3 =	smul.u32 $0xFA, s3;
	[sflag:s14] =	ssyncadd.s32 $0xFFFFF830  }
0x272: {  	s19 =	rddreg [dreg:$0x2]  }
0x273: {  	s6 =	sadd.s32 s19, s3  }
0x274: {  	[tilespmem:s1], [sflag:$0x5] =	stream.linear.gather [hbm4b:s6+s1], $0x7D0, $0x38;
	[tilespmem:$0x16760] =	vst v63  }
0x275: {  	_ =	swait.ge [sflag:s22], $0x7D0  }
0x276: {  	[sflag:s22] =	ssyncset.done $0x0  }
0x277: {  	s3 =	sadd.s32 s20, s3;
	[sflag:s22] =	ssyncadd.s32 $0xFFFFF830  }
0x278: {  	[tilespmem:s23], [sflag:$0x5] =	stream.linear.gather [hbm4b:s3+s1], $0x7D0, $0x38;
	[tilespmem:$0x16760] =	vst v63  }
0x279: {  	_ =	swait.ge [sflag:s22], $0x7D0  }
0x27a: {  	[sflag:s22] =	ssyncset.done $0x0  }
0x27b: {  	[sflag:s22] =	ssyncadd.s32 $0xFFFFF830  }
0x27c: {  	[tilespmem:s24], [sflag:$0x1] =	stream.indirect.gather [hbm4b:s10+s23], $0x4, s1, s23, $0xb8;
	[tilespmem:$0x16760] =	vst v63  }
0x27d: {  	_ = 	snop  }
0x27e: {  	[tilespmem:s25], [sflag:$0x1] =	stream.indirect.gather [hbm4b:s10+s23], $0x4, s23, s23, $0xb8;
	[tilespmem:$0x16760] =	vst v63  }
0x27f: {  	v1 =	vld [tilespmem:s2+$0x0];
	_ =	sdelay $0x4  }
0x280: {  	v2 =	vmul.f32 v1, v1;
	_ =	sdelay $0x1  }
0x281: {  	v3 =	vshra.s32 v2, $0x1;
	v23 =	vmul.f32 $5.000000000e-01, v2  }
0x282: {  	v3 =	vsub.s32 $0x5F3759DF, v3  }
0x283: {  	v24 =	vmul.f32 v3, v23  }
0x284: {  	v2 =	vadd.f32 $1.000000000e+00, v2  }
0x285: {  	v5 =	vmul.f32 v3, v24  }
0x286: {  	v25 =	vshra.s32 v2, $0x1;
	v2 =	vmul.f32 $5.000000000e-01, v2  }
0x287: {  	v6 =	vsub.s32 $0x5F3759DF, v25;
	v5 =	vsub.f32 $1.500000000e+00, v5  }
0x288: {  	v26 =	vmul.f32 v6, v2  }
0x289: {  	v3 =	vmul.f32 v3, v5  }
0x28a: {  	v7 =	vmul.f32 v6, v26  }
0x28b: {  	v29 =	vmul.f32 v3, v23  }
0x28c: {  	v27 =	vmov s1;
	v7 =	vsub.f32 $1.500000000e+00, v7  }
0x28d: {  	v28 =	vshll.u32 v27, $0x3;
	v8 =	vmul.f32 v29, v3  }
0x28e: {  	v32 =	vmul.f32 $5.000000000e-01, v1;
	v5 =	vor.u32 v0, v28;
	v6 =	vmul.f32 v6, v7  }
0x28f: {  	v30 =	vor.u32 $0x2, v5;
	v33 =	vsub.f32 $1.500000000e+00, v8  }
0x290: {  	v34 =	vmul.f32 v32, v32;
	v35 =	vmul.f32 v6, v2  }
0x291: {  	v42 =	vld [tilespmem:s0+$0x0];
	v31 =	vor.u32 $0x1, v5;
	v3 =	vmul.f32 v33, v3  }
0x292: {  	v43 =	vld [tilespmem:s15+$0x0];
	v8 =	vmul.f32 v34, v32;
	v38 =	vmul.f32 v35, v6  }
0x293: {  	v45 =	vld [tilespmem:s12+$0x0];
	v4 =	vmul.f32 v3, v23  }
0x294: {  	v40 =	vor.u32 $0x3, v5;
	v36 =	vld.idx.msk [tilespmem:v30+s30+$0x0], $0xffff;
	v41 =	vmul.f32 v8, v32;
	v9 =	vsub.f32 $1.500000000e+00, v38  }
0x295: {  	v37 =	vld.idx.msk [tilespmem:v30+s31+$0x0], $0xffff;
	v8 =	vmul.f32 $1.000000000e+01, v8;
	v4 =	vmul.f32 v4, v3  }
0x296: {  	v39 =	vld.idx.msk [tilespmem:v31+s30+$0x0], $0xffff;
	v44 =	vmul.f32 v41, v32;
	v6 =	vmul.f32 v9, v6  }
0x297: {  	v10 =	vld.idx.msk [tilespmem:v31+s31+$0x0], $0xffff;
	v8 =	vsub.f32 $1.000000000e+00, v8;
	v15 =	vmul.f32 $1.500000000e+01, v41;
	v4 =	vsub.f32 $1.500000000e+00, v4  }
0x298: {  	v2 =	vmul.f32 v6, v2  }
0x299: {  	v47 =	vld.idx.msk [tilespmem:v40+s31+$0x0], $0xffff;
	v8 =	vadd.f32 v15, v8;
	v48 =	vmul.f32 $-6.000000000e+00, v44;
	v3 =	vmul.f32 v4, v3  }
0x29a: {  	vm14 =	vlt.f32 v32, $1.000000000e+00;
	v46 =	vmul.f32 v37, v36;
	v2 =	vmul.f32 v2, v6  }
0x29b: {  	v51 =	vld.idx.msk [tilespmem:v5+s30+$0x0], $0xffff;
	v8 =	vadd.f32 v48, v8;
	v50 =	vmul.f32 v3, v43;
	v16 =	vmul.f32 v3, v42  }
0x29c: {  	v14 =	vld.idx.msk [tilespmem:v40+s30+$0x0], $0xffff;
	v49 =	vmul.f32 v10, v39;
	v2 =	vsub.f32 $1.500000000e+00, v2;
	v9 =	vmul.f32 v3, v45  }
0x29d: {  	v8 =	vnsel vm14, $0x0, v8;
	v10 =	vmul.f32 v50, v10;
	v7 =	vmul.f32 v16, v37  }
0x29e: {  	v52 =	vsub.f32 $1.000000000e+00, v8;
	v2 =	vmul.f32 v2, v6;
	v53 =	vmul.f32 v9, v47  }
0x29f: {  	v5 =	vld.idx.msk [tilespmem:v5+s31+$0x0], $0xffff;
	v54 =	vmul.f32 v50, v39;
	v55 =	vmul.f32 v16, v36;
	v7 =	vadd.f32 v7, v10  }
0x2a0: {  	v59 =	vadd.f32 v51, v51;
	v3 =	vmul.f32 v3, v52;
	v2 =	vmul.f32 v2, v8  }
0x2a1: {  	v58 =	vmul.f32 v9, v14;
	v57 =	vadd.f32 v55, v54;
	v56 =	vadd.f32 v7, v53  }
0x2a2: {  	v4 =	vadd.f32 v46, v49;
	v2 =	vadd.f32 v2, v3  }
0x2a3: {  	v3 =	vmul.f32 v47, v14;
	v7 =	vadd.f32 v57, v58;
	v60 =	vmul.f32 $-3.000000000e+00, v56  }
0x2a4: {  	v5 =	vmul.f32 v5, v51;
	v61 =	vmul.f32 v2, v2  }
0x2a5: {  	v3 =	vadd.f32 v3, v4;
	v62 =	vmul.f32 v56, v59;
	v63 =	vmul.f32 v60, v7  }
0x2a6: {  	v5 =	vmul.f32 v2, v5  }
0x2a7: {  	v2 =	vmul.f32 v61, v2;
	v4 =	vmul.f32 v62, v61;
	v3 =	vadd.f32 v63, v3;
	_ =	sdelay $0x1  }
0x2a8: {  	v4 =	vadd.f32 v4, v5;
	v2 =	vmul.f32 v3, v2;
	_ =	sdelay $0x1  }
0x2a9: {  	v2 =	vadd.f32 v2, v4;
	_ =	sdelay $0x1  }
0x2aa: {  	v2 =	vmul.f32 $7.199822900e+00, v2  }
0x2ab: {  	vm15 =	vle.f32 v1, $1.000000000e+01  }
0x2ac: {  	s6 =	simm.s32 $0x15F90;
	v1 =	vnsel vm15, $0x0, v2  }
0x2ad: {  	s2 =	simm.s32 $0x14060;
	[tilespmem:s6+$0x0] =	vst v1  }
0x2ae: {  	s3 =	simm.s32 $0x20;
	s1 =	simm.s32 $0x10;
	v1 =	vld [tilespmem:s2+$0x0]  }
.LBB2_9:
0x2af: {  	p0 =	sne.s32 s3, $0x7C0;
	_ =	sdelay $0x3  }
0x2b0: {  	v2 =	vmul.f32 v1, v1;
	_ =	sdelay $0x1  }
0x2b1: {  	v3 =	vshra.s32 v2, $0x1;
	v4 =	vmul.f32 $5.000000000e-01, v2  }
0x2b2: {  	v3 =	vsub.s32 $0x5F3759DF, v3  }
0x2b3: {  	v5 =	vmul.f32 v3, v4  }
0x2b4: {  	v2 =	vadd.f32 $1.000000000e+00, v2  }
0x2b5: {  	v5 =	vmul.f32 v3, v5  }
0x2b6: {  	v6 =	vshra.s32 v2, $0x1;
	v2 =	vmul.f32 $5.000000000e-01, v2  }
0x2b7: {  	v6 =	vsub.s32 $0x5F3759DF, v6;
	v5 =	vsub.f32 $1.500000000e+00, v5  }
0x2b8: {  	v7 =	vmul.f32 v6, v2  }
0x2b9: {  	v8 =	vmov s1;
	s1 =	smov.u32 s3;
	v3 =	vmul.f32 v3, v5  }
0x2ba: {  	v7 =	vmul.f32 v6, v7;
	v5 =	vshll.u32 v8, $0x3  }
0x2bb: {  	v5 =	vor.u32 v0, v5;
	v8 =	vmul.f32 v3, v4  }
0x2bc: {  	v7 =	vsub.f32 $1.500000000e+00, v7;
	v9 =	vor.u32 $0x2, v5  }
0x2bd: {  	v8 =	vmul.f32 v8, v3  }
0x2be: {  	v11 =	vmul.f32 $5.000000000e-01, v1;
	v10 =	vor.u32 $0x1, v5;
	v6 =	vmul.f32 v6, v7  }
0x2bf: {  	v7 =	vsub.f32 $1.500000000e+00, v8  }
0x2c0: {  	v12 =	vmul.f32 v6, v2;
	v8 =	vmul.f32 v11, v11  }
0x2c1: {  	v13 =	vld.idx.msk [tilespmem:v9+s30+$0x0], $0xffff;
	v3 =	vmul.f32 v7, v3  }
0x2c2: {  	v8 =	vmul.f32 v8, v11;
	v7 =	vld.idx.msk [tilespmem:v9+s31+$0x0], $0xffff;
	v9 =	vmul.f32 v12, v6  }
0x2c3: {  	v14 =	vor.u32 $0x3, v5;
	v12 =	vld.idx.msk [tilespmem:v10+s30+$0x0], $0xffff;
	v4 =	vmul.f32 v3, v4  }
0x2c4: {  	s0 =	sadd.s32 $0x10, s0;
	v15 =	vmul.f32 v8, v11;
	v10 =	vld.idx.msk [tilespmem:v10+s31+$0x0], $0xffff;
	v9 =	vsub.f32 $1.500000000e+00, v9  }
0x2c5: {  	s15 =	sadd.s32 $0x10, s15;
	v8 =	vmul.f32 $1.000000000e+01, v8;
	v16 =	vld [tilespmem:s0+$0x0];
	v4 =	vmul.f32 v4, v3  }
0x2c6: {  	s12 =	sadd.s32 $0x10, s12;
	v18 =	vmul.f32 v15, v11;
	v17 =	vld [tilespmem:s15+$0x0];
	v6 =	vmul.f32 v9, v6  }
0x2c7: {  	v8 =	vsub.f32 $1.000000000e+00, v8;
	v15 =	vmul.f32 $1.500000000e+01, v15;
	v9 =	vld [tilespmem:s12+$0x0];
	v4 =	vsub.f32 $1.500000000e+00, v4  }
0x2c8: {  	v20 =	vmul.f32 v7, v13;
	v19 =	vld.idx.msk [tilespmem:v14+s31+$0x0], $0xffff;
	v2 =	vmul.f32 v6, v2  }
0x2c9: {  	v8 =	vadd.f32 v15, v8;
	v15 =	vmul.f32 $-6.000000000e+00, v18;
	v3 =	vmul.f32 v4, v3  }
0x2ca: {  	v4 =	vmul.f32 v10, v12;
	v2 =	vmul.f32 v2, v6  }
0x2cb: {  	v8 =	vadd.f32 v15, v8;
	v14 =	vld.idx.msk [tilespmem:v14+s30+$0x0], $0xffff;
	v15 =	vmul.f32 v3, v17;
	v16 =	vmul.f32 v3, v16  }
0x2cc: {  	vm0 =	vlt.f32 v11, $1.000000000e+00;
	v17 =	vld.idx.msk [tilespmem:v5+s30+$0x0], $0xffff;
	v2 =	vsub.f32 $1.500000000e+00, v2;
	v9 =	vmul.f32 v3, v9  }
0x2cd: {  	v8 =	vnsel vm0, $0x0, v8;
	v10 =	vmul.f32 v15, v10;
	v7 =	vmul.f32 v16, v7  }
0x2ce: {  	v5 =	vld.idx.msk [tilespmem:v5+s31+$0x0], $0xffff;
	v2 =	vmul.f32 v2, v6;
	v6 =	vsub.f32 $1.000000000e+00, v8;
	v11 =	vmul.f32 v9, v19  }
0x2cf: {  	v7 =	vadd.f32 v7, v10;
	v10 =	vmul.f32 v15, v12;
	v12 =	vmul.f32 v16, v13  }
0x2d0: {  	v2 =	vmul.f32 v2, v8;
	v3 =	vmul.f32 v3, v6  }
0x2d1: {  	v8 =	vmul.f32 v9, v14;
	v6 =	vadd.f32 v7, v11;
	v7 =	vadd.f32 v12, v10  }
0x2d2: {  	v9 =	vadd.f32 v17, v17;
	v2 =	vadd.f32 v2, v3;
	v3 =	vmul.f32 v19, v14  }
0x2d3: {  	v4 =	vadd.f32 v20, v4;
	v7 =	vadd.f32 v7, v8;
	v8 =	vmul.f32 $-3.000000000e+00, v6  }
0x2d4: {  	v5 =	vmul.f32 v5, v17;
	v10 =	vmul.f32 v2, v2  }
0x2d5: {  	v3 =	vadd.f32 v3, v4;
	v4 =	vmul.f32 v6, v9;
	v6 =	vmul.f32 v8, v7  }
0x2d6: {  	v5 =	vmul.f32 v2, v5  }
0x2d7: {  	v2 =	vmul.f32 v10, v2;
	v4 =	vmul.f32 v4, v10;
	v3 =	vadd.f32 v6, v3;
	_ =	sdelay $0x1  }
0x2d8: {  	v4 =	vadd.f32 v4, v5;
	v2 =	vmul.f32 v3, v2;
	_ =	sdelay $0x1  }
0x2d9: {  	v2 =	vadd.f32 v2, v4;
	_ =	sdelay $0x1  }
.Ltmp3:
0x2da: {  	v2 =	vmul.f32 $7.199822900e+00, v2;
	(pc) =	sbr.rel @p0 .LBB2_9-.Ltmp3, $4  }
0x2db: {  	vm0 =	vle.f32 v1, $1.000000000e+01  }
0x2dc: {  	s6 =	sadd.s32 $0x10, s6;
	v1 =	vnsel vm0, $0x0, v2  }
0x2dd: {  	s2 =	sadd.s32 $0x10, s2;
	[tilespmem:s6+$0x0] =	vst v1  }
0x2de: {  	s3 =	sadd.s32 $0x10, s3;
	v1 =	vld [tilespmem:s2+$0x0]  }
0x2df: {  	_ =	sdelay $0x3  }
0x2e0: {  	v2 =	vmul.f32 v1, v1;
	_ =	sdelay $0x1  }
0x2e1: {  	v3 =	vshra.s32 v2, $0x1;
	v4 =	vmul.f32 $5.000000000e-01, v2  }
0x2e2: {  	v3 =	vsub.s32 $0x5F3759DF, v3  }
0x2e3: {  	v5 =	vmul.f32 v3, v4  }
0x2e4: {  	v2 =	vadd.f32 $1.000000000e+00, v2  }
0x2e5: {  	v5 =	vmul.f32 v3, v5  }
0x2e6: {  	v6 =	vshra.s32 v2, $0x1;
	v2 =	vmul.f32 $5.000000000e-01, v2  }
0x2e7: {  	v6 =	vsub.s32 $0x5F3759DF, v6;
	v5 =	vsub.f32 $1.500000000e+00, v5  }
0x2e8: {  	v7 =	vmul.f32 v6, v2  }
0x2e9: {  	v3 =	vmul.f32 v3, v5  }
0x2ea: {  	v7 =	vmul.f32 v6, v7  }
0x2eb: {  	v8 =	vmov s1;
	v41 =	vmul.f32 v3, v4  }
0x2ec: {  	v40 =	vshll.u32 v8, $0x3;
	v7 =	vsub.f32 $1.500000000e+00, v7  }
0x2ed: {  	v5 =	vor.u32 v0, v40;
	v8 =	vmul.f32 v41, v3  }
0x2ee: {  	v11 =	vmul.f32 $5.000000000e-01, v1;
	v9 =	vor.u32 $0x2, v5;
	v6 =	vmul.f32 v6, v7  }
0x2ef: {  	v42 =	vsub.f32 $1.500000000e+00, v8  }
0x2f0: {  	s0 =	sadd.s32 $0x10, s0;
	v43 =	vmul.f32 v11, v11;
	v12 =	vmul.f32 v6, v2  }
0x2f1: {  	s3 =	sadd.s32 $0x10, s15;
	v16 =	vld [tilespmem:s0+$0x0];
	v10 =	vor.u32 $0x1, v5;
	v3 =	vmul.f32 v42, v3  }
0x2f2: {  	v17 =	vld [tilespmem:s3+$0x0];
	v8 =	vmul.f32 v43, v11;
	v45 =	vmul.f32 v12, v6  }
0x2f3: {  	v13 =	vld.idx.msk [tilespmem:v9+s30+$0x0], $0xffff;
	v4 =	vmul.f32 v3, v4  }
0x2f4: {  	s12 =	sadd.s32 $0x10, s12;
	v14 =	vor.u32 $0x3, v5;
	v44 =	vld.idx.msk [tilespmem:v9+s31+$0x0], $0xffff;
	v15 =	vmul.f32 v8, v11;
	v9 =	vsub.f32 $1.500000000e+00, v45  }
0x2f5: {  	v47 =	vld [tilespmem:s12+$0x0];
	v8 =	vmul.f32 $1.000000000e+01, v8;
	v4 =	vmul.f32 v4, v3  }
0x2f6: {  	v46 =	vld.idx.msk [tilespmem:v10+s30+$0x0], $0xffff;
	v18 =	vmul.f32 v15, v11;
	v6 =	vmul.f32 v9, v6  }
0x2f7: {  	v10 =	vld.idx.msk [tilespmem:v10+s31+$0x0], $0xffff;
	v8 =	vsub.f32 $1.000000000e+00, v8;
	v15 =	vmul.f32 $1.500000000e+01, v15;
	v4 =	vsub.f32 $1.500000000e+00, v4  }
0x2f8: {  	v2 =	vmul.f32 v6, v2  }
0x2f9: {  	v20 =	vld.idx.msk [tilespmem:v14+s31+$0x0], $0xffff;
	v8 =	vadd.f32 v15, v8;
	v48 =	vmul.f32 $-6.000000000e+00, v18;
	v3 =	vmul.f32 v4, v3  }
0x2fa: {  	vm0 =	vlt.f32 v11, $1.000000000e+00;
	v19 =	vmul.f32 v44, v13;
	v2 =	vmul.f32 v2, v6  }
0x2fb: {  	v51 =	vld.idx.msk [tilespmem:v5+s30+$0x0], $0xffff;
	v8 =	vadd.f32 v48, v8;
	v50 =	vmul.f32 v3, v17;
	v16 =	vmul.f32 v3, v16  }
0x2fc: {  	v14 =	vld.idx.msk [tilespmem:v14+s30+$0x0], $0xffff;
	v49 =	vmul.f32 v10, v46;
	v2 =	vsub.f32 $1.500000000e+00, v2;
	v9 =	vmul.f32 v3, v47  }
0x2fd: {  	v8 =	vnsel vm0, $0x0, v8;
	v10 =	vmul.f32 v50, v10;
	v7 =	vmul.f32 v16, v44  }
0x2fe: {  	v52 =	vsub.f32 $1.000000000e+00, v8;
	v2 =	vmul.f32 v2, v6;
	v53 =	vmul.f32 v9, v20  }
0x2ff: {  	v5 =	vld.idx.msk [tilespmem:v5+s31+$0x0], $0xffff;
	v54 =	vmul.f32 v50, v46;
	v55 =	vmul.f32 v16, v13;
	v7 =	vadd.f32 v7, v10  }
0x300: {  	v59 =	vadd.f32 v51, v51;
	v3 =	vmul.f32 v3, v52;
	v2 =	vmul.f32 v2, v8  }
0x301: {  	v58 =	vmul.f32 v9, v14;
	v57 =	vadd.f32 v55, v54;
	v56 =	vadd.f32 v7, v53  }
0x302: {  	v4 =	vadd.f32 v19, v49;
	v2 =	vadd.f32 v2, v3  }
0x303: {  	v3 =	vmul.f32 v20, v14;
	v7 =	vadd.f32 v57, v58;
	v60 =	vmul.f32 $-3.000000000e+00, v56  }
0x304: {  	v5 =	vmul.f32 v5, v51;
	v61 =	vmul.f32 v2, v2  }
0x305: {  	v3 =	vadd.f32 v3, v4;
	v62 =	vmul.f32 v56, v59;
	v63 =	vmul.f32 v60, v7  }
0x306: {  	v5 =	vmul.f32 v2, v5  }
0x307: {  	v2 =	vmul.f32 v61, v2;
	v4 =	vmul.f32 v62, v61;
	v3 =	vadd.f32 v63, v3;
	_ =	sdelay $0x1  }
0x308: {  	v4 =	vadd.f32 v4, v5;
	v2 =	vmul.f32 v3, v2;
	_ =	sdelay $0x1  }
0x309: {  	s16 =	sadd.s32 $0x1, s16;
	v2 =	vadd.f32 v2, v4  }
0x30a: {  	p0 =	sne.s32 s16, $0x31  }
.Ltmp4:
0x30b: {  	v2 =	vmul.f32 $7.199822900e+00, v2;
	(pc) =	sbr.rel @p0 .LBB2_6-.Ltmp4, $4  }
0x30c: {  	vm15 =	vle.f32 v1, $1.000000000e+01  }
0x30d: {  	s15 =	sadd.s32 $0x10, s6;
	v1 =	vnsel vm15, $0x0, v2  }
0x30e: {  	s18 =	sadd.s32 s21, s17;
	s17 =	simm.s32 $0x0;
	s19 =	simm.s32 $0x15F90;
	[tilespmem:s15+$0x0] =	vst v1  }
0x30f: {  	[hbm4b:s18+s17] =	stream.linear.scatter [tilespmem:s19], [sflag:$0x4], $0x7D0, $0x38;
	[tilespmem:$0x16760] =	vst v63  }
0x310: {  	s1 =	simm.s32 $0x0;
	s2 =	simm.s32 $0x8CA0;
	s0 =	rddreg [dreg:$0x16]  }
0x311: {  	[tilespmem:s2], [sflag:$0x5] =	stream.linear.gather [hbm4b:s0+s1], $0x7D0, $0x38;
	[tilespmem:$0x16760] =	vst v63  }
0x312: {  	_ =	swait.ge [sflag:s22], $0x7D0  }
0x313: {  	[sflag:s22] =	ssyncset.done $0x0  }
0x314: {  	s15 =	simm.s32 $0x9470;
	s12 =	rddreg [dreg:$0x17];
	[sflag:s22] =	ssyncadd.s32 $0xFFFFF830  }
0x315: {  	[tilespmem:s15], [sflag:$0x5] =	stream.linear.gather [hbm4b:s12+s1], $0x7D0, $0x38;
	[tilespmem:$0x16760] =	vst v63  }
0x316: {  	_ =	swait.ge [sflag:s22], $0x7D0  }
0x317: {  	[sflag:s22] =	ssyncset.done $0x0  }
0x318: {  	s12 =	simm.s32 $0x9C40;
	s16 =	rddreg [dreg:$0x18];
	[sflag:s22] =	ssyncadd.s32 $0xFFFFF830  }
0x319: {  	[tilespmem:s12], [sflag:$0x5] =	stream.linear.gather [hbm4b:s16+s1], $0x7D0, $0x38;
	[tilespmem:$0x16760] =	vst v63  }
0x31a: {  	_ =	swait.ge [sflag:s22], $0x7D0  }
0x31b: {  	[sflag:s22] =	ssyncset.done $0x0  }
0x31c: {  	s0 =	simm.s32 $0xA410;
	s3 =	rddreg [dreg:$0x19];
	[sflag:s22] =	ssyncadd.s32 $0xFFFFF830  }
0x31d: {  	[tilespmem:s0], [sflag:$0x5] =	stream.linear.gather [hbm4b:s3+s1], $0x7D0, $0x38;
	[tilespmem:$0x16760] =	vst v63  }
0x31e: {  	_ =	swait.ge [sflag:s22], $0x7D0  }
0x31f: {  	[sflag:s22] =	ssyncset.done $0x0  }
0x320: {  	[sflag:s22] =	ssyncadd.s32 $0xFFFFF830  }
0x321: {  	_ =	swait.ge [sflag:s26], $0x1F40  }
0x322: {  	[sflag:s26] =	ssyncset.done $0x0  }
0x323: {  	[sflag:s26] =	ssyncadd.s32 $0xFFFFE0C0  }
0x324: {  	_ =	swait.ge [sflag:s26], $0x1F40  }
0x325: {  	[sflag:s26] =	ssyncset.done $0x0  }
0x326: {  	[sflag:s26] =	ssyncadd.s32 $0xFFFFE0C0  }
0x327: {  	_ =	swait.ge [sflag:s13], $0x7D0  }
0x328: {  	[sflag:s13] =	ssyncset.done $0x0  }
0x329: {  	s18 =	rddreg [dreg:$0x1b];
	[sflag:s13] =	ssyncadd.s32 $0xFFFFF830  }
0x32a: {  	[tilespmem:s28], [sflag:$0x5] =	stream.linear.gather [hbm4b:s18+s1], $0x7D0, $0x38;
	[tilespmem:$0x16760] =	vst v63  }
0x32b: {  	_ =	swait.ge [sflag:s22], $0x7D0  }
0x32c: {  	[sflag:s22] =	ssyncset.done $0x0  }
0x32d: {  	s19 =	rddreg [dreg:$0x1c];
	[sflag:s22] =	ssyncadd.s32 $0xFFFFF830  }
0x32e: {  	[tilespmem:s29], [sflag:$0x5] =	stream.linear.gather [hbm4b:s19+s1], $0x7D0, $0x38;
	[tilespmem:$0x16760] =	vst v63  }
0x32f: {  	_ =	swait.ge [sflag:s22], $0x7D0  }
0x330: {  	[sflag:s22] =	ssyncset.done $0x0  }
0x331: {  	[sflag:s22] =	ssyncadd.s32 $0xFFFFF830  }
0x332: {  	[tilespmem:s30], [sflag:$0x3] =	stream.indirect.gather [hbm4b:s10+s23], $0x4, s28, s23, $0xb8;
	[tilespmem:$0x16760] =	vst v63  }
0x333: {  	_ = 	snop  }
0x334: {  	[tilespmem:s31], [sflag:$0x3] =	stream.indirect.gather [hbm4b:s10+s23], $0x4, s29, s23, $0xb8;
	[tilespmem:$0x16760] =	vst v63  }
0x335: {  	v1 =	vld [tilespmem:s2+$0x0];
	_ =	sdelay $0x4  }
0x336: {  	v2 =	vmul.f32 v1, v1;
	_ =	sdelay $0x1  }
0x337: {  	v3 =	vshra.s32 v2, $0x1;
	v4 =	vmul.f32 $5.000000000e-01, v2  }
0x338: {  	v3 =	vsub.s32 $0x5F3759DF, v3  }
0x339: {  	v5 =	vmul.f32 v3, v4  }
0x33a: {  	v2 =	vadd.f32 $1.000000000e+00, v2  }
0x33b: {  	v5 =	vmul.f32 v3, v5  }
0x33c: {  	v6 =	vshra.s32 v2, $0x1;
	v2 =	vmul.f32 $5.000000000e-01, v2  }
0x33d: {  	v6 =	vsub.s32 $0x5F3759DF, v6;
	v5 =	vsub.f32 $1.500000000e+00, v5  }
0x33e: {  	v7 =	vmul.f32 v6, v2  }
0x33f: {  	v3 =	vmul.f32 v3, v5  }
0x340: {  	v7 =	vmul.f32 v6, v7  }
0x341: {  	v8 =	vmov s1;
	v41 =	vmul.f32 v3, v4  }
0x342: {  	v40 =	vshll.u32 v8, $0x3;
	v7 =	vsub.f32 $1.500000000e+00, v7  }
0x343: {  	v5 =	vor.u32 v0, v40;
	v8 =	vmul.f32 v41, v3  }
0x344: {  	v11 =	vmul.f32 $5.000000000e-01, v1;
	v9 =	vor.u32 $0x2, v5;
	v6 =	vmul.f32 v6, v7  }
0x345: {  	v42 =	vsub.f32 $1.500000000e+00, v8  }
0x346: {  	v43 =	vmul.f32 v11, v11;
	v12 =	vmul.f32 v6, v2  }
0x347: {  	v16 =	vld [tilespmem:s12+$0x0];
	v10 =	vor.u32 $0x1, v5;
	v3 =	vmul.f32 v42, v3  }
0x348: {  	v17 =	vld [tilespmem:s15+$0x0];
	v8 =	vmul.f32 v43, v11;
	v45 =	vmul.f32 v12, v6  }
0x349: {  	v13 =	vld.idx.msk [tilespmem:v9+s24+$0x0], $0xffff;
	v4 =	vmul.f32 v3, v4  }
0x34a: {  	v14 =	vor.u32 $0x3, v5;
	v44 =	vld.idx.msk [tilespmem:v9+s25+$0x0], $0xffff;
	v15 =	vmul.f32 v8, v11;
	v9 =	vsub.f32 $1.500000000e+00, v45  }
0x34b: {  	v47 =	vld [tilespmem:s0+$0x0];
	v8 =	vmul.f32 $1.000000000e+01, v8;
	v4 =	vmul.f32 v4, v3  }
0x34c: {  	v46 =	vld.idx.msk [tilespmem:v10+s24+$0x0], $0xffff;
	v18 =	vmul.f32 v15, v11;
	v6 =	vmul.f32 v9, v6  }
0x34d: {  	v10 =	vld.idx.msk [tilespmem:v10+s25+$0x0], $0xffff;
	v8 =	vsub.f32 $1.000000000e+00, v8;
	v15 =	vmul.f32 $1.500000000e+01, v15;
	v4 =	vsub.f32 $1.500000000e+00, v4  }
0x34e: {  	v2 =	vmul.f32 v6, v2  }
0x34f: {  	v20 =	vld.idx.msk [tilespmem:v14+s25+$0x0], $0xffff;
	v8 =	vadd.f32 v15, v8;
	v48 =	vmul.f32 $-6.000000000e+00, v18;
	v3 =	vmul.f32 v4, v3  }
0x350: {  	vm0 =	vlt.f32 v11, $1.000000000e+00;
	v19 =	vmul.f32 v44, v13;
	v2 =	vmul.f32 v2, v6  }
0x351: {  	v51 =	vld.idx.msk [tilespmem:v5+s24+$0x0], $0xffff;
	v8 =	vadd.f32 v48, v8;
	v50 =	vmul.f32 v3, v17;
	v16 =	vmul.f32 v3, v16  }
0x352: {  	v14 =	vld.idx.msk [tilespmem:v14+s24+$0x0], $0xffff;
	v49 =	vmul.f32 v10, v46;
	v2 =	vsub.f32 $1.500000000e+00, v2;
	v9 =	vmul.f32 v3, v47  }
0x353: {  	v8 =	vnsel vm0, $0x0, v8;
	v10 =	vmul.f32 v50, v10;
	v7 =	vmul.f32 v16, v44  }
0x354: {  	v52 =	vsub.f32 $1.000000000e+00, v8;
	v2 =	vmul.f32 v2, v6;
	v53 =	vmul.f32 v9, v20  }
0x355: {  	v5 =	vld.idx.msk [tilespmem:v5+s25+$0x0], $0xffff;
	v54 =	vmul.f32 v50, v46;
	v55 =	vmul.f32 v16, v13;
	v7 =	vadd.f32 v7, v10  }
0x356: {  	v59 =	vadd.f32 v51, v51;
	v3 =	vmul.f32 v3, v52;
	v2 =	vmul.f32 v2, v8  }
0x357: {  	v58 =	vmul.f32 v9, v14;
	v57 =	vadd.f32 v55, v54;
	v56 =	vadd.f32 v7, v53  }
0x358: {  	v4 =	vadd.f32 v19, v49;
	v2 =	vadd.f32 v2, v3  }
0x359: {  	v3 =	vmul.f32 v20, v14;
	v7 =	vadd.f32 v57, v58;
	v60 =	vmul.f32 $-3.000000000e+00, v56  }
0x35a: {  	v5 =	vmul.f32 v5, v51;
	v61 =	vmul.f32 v2, v2  }
0x35b: {  	v3 =	vadd.f32 v3, v4;
	v62 =	vmul.f32 v56, v59;
	v63 =	vmul.f32 v60, v7  }
0x35c: {  	v5 =	vmul.f32 v2, v5  }
0x35d: {  	v2 =	vmul.f32 v61, v2;
	v4 =	vmul.f32 v62, v61;
	v3 =	vadd.f32 v63, v3;
	_ =	sdelay $0x1  }
0x35e: {  	v4 =	vadd.f32 v4, v5;
	v2 =	vmul.f32 v3, v2;
	_ =	sdelay $0x1  }
0x35f: {  	v2 =	vadd.f32 v2, v4;
	_ =	sdelay $0x1  }
0x360: {  	v2 =	vmul.f32 $7.199822900e+00, v2  }
0x361: {  	vm15 =	vle.f32 v1, $1.000000000e+01  }
0x362: {  	s6 =	simm.s32 $0xABE0;
	v1 =	vnsel vm15, $0x0, v2  }
0x363: {  	s2 =	simm.s32 $0x8CB0;
	[tilespmem:s6+$0x0] =	vst v1  }
0x364: {  	s3 =	simm.s32 $0x20;
	s1 =	simm.s32 $0x10;
	v1 =	vld [tilespmem:s2+$0x0]  }
.LBB2_12:
0x365: {  	p0 =	sne.s32 s3, $0x7C0;
	_ =	sdelay $0x3  }
0x366: {  	v2 =	vmul.f32 v1, v1;
	_ =	sdelay $0x1  }
0x367: {  	v3 =	vshra.s32 v2, $0x1;
	v4 =	vmul.f32 $5.000000000e-01, v2  }
0x368: {  	v3 =	vsub.s32 $0x5F3759DF, v3  }
0x369: {  	v5 =	vmul.f32 v3, v4  }
0x36a: {  	v2 =	vadd.f32 $1.000000000e+00, v2  }
0x36b: {  	v5 =	vmul.f32 v3, v5  }
0x36c: {  	v6 =	vshra.s32 v2, $0x1;
	v2 =	vmul.f32 $5.000000000e-01, v2  }
0x36d: {  	v6 =	vsub.s32 $0x5F3759DF, v6;
	v5 =	vsub.f32 $1.500000000e+00, v5  }
0x36e: {  	v7 =	vmul.f32 v6, v2  }
0x36f: {  	v8 =	vmov s1;
	s1 =	smov.u32 s3;
	v3 =	vmul.f32 v3, v5  }
0x370: {  	v7 =	vmul.f32 v6, v7;
	v5 =	vshll.u32 v8, $0x3  }
0x371: {  	v5 =	vor.u32 v0, v5;
	v8 =	vmul.f32 v3, v4  }
0x372: {  	v7 =	vsub.f32 $1.500000000e+00, v7;
	v9 =	vor.u32 $0x2, v5  }
0x373: {  	v8 =	vmul.f32 v8, v3  }
0x374: {  	v11 =	vmul.f32 $5.000000000e-01, v1;
	v10 =	vor.u32 $0x1, v5;
	v6 =	vmul.f32 v6, v7  }
0x375: {  	v7 =	vsub.f32 $1.500000000e+00, v8  }
0x376: {  	v12 =	vmul.f32 v6, v2;
	v8 =	vmul.f32 v11, v11  }
0x377: {  	v13 =	vld.idx.msk [tilespmem:v9+s24+$0x0], $0xffff;
	v3 =	vmul.f32 v7, v3  }
0x378: {  	v8 =	vmul.f32 v8, v11;
	v7 =	vld.idx.msk [tilespmem:v9+s25+$0x0], $0xffff;
	v9 =	vmul.f32 v12, v6  }
0x379: {  	v14 =	vor.u32 $0x3, v5;
	v12 =	vld.idx.msk [tilespmem:v10+s24+$0x0], $0xffff;
	v4 =	vmul.f32 v3, v4  }
0x37a: {  	s12 =	sadd.s32 $0x10, s12;
	v15 =	vmul.f32 v8, v11;
	v10 =	vld.idx.msk [tilespmem:v10+s25+$0x0], $0xffff;
	v9 =	vsub.f32 $1.500000000e+00, v9  }
0x37b: {  	s15 =	sadd.s32 $0x10, s15;
	v8 =	vmul.f32 $1.000000000e+01, v8;
	v16 =	vld [tilespmem:s12+$0x0];
	v4 =	vmul.f32 v4, v3  }
0x37c: {  	s0 =	sadd.s32 $0x10, s0;
	v18 =	vmul.f32 v15, v11;
	v17 =	vld [tilespmem:s15+$0x0];
	v6 =	vmul.f32 v9, v6  }
0x37d: {  	v8 =	vsub.f32 $1.000000000e+00, v8;
	v15 =	vmul.f32 $1.500000000e+01, v15;
	v9 =	vld [tilespmem:s0+$0x0];
	v4 =	vsub.f32 $1.500000000e+00, v4  }
0x37e: {  	v20 =	vmul.f32 v7, v13;
	v19 =	vld.idx.msk [tilespmem:v14+s25+$0x0], $0xffff;
	v2 =	vmul.f32 v6, v2  }
0x37f: {  	v8 =	vadd.f32 v15, v8;
	v15 =	vmul.f32 $-6.000000000e+00, v18;
	v3 =	vmul.f32 v4, v3  }
0x380: {  	v4 =	vmul.f32 v10, v12;
	v2 =	vmul.f32 v2, v6  }
0x381: {  	v8 =	vadd.f32 v15, v8;
	v14 =	vld.idx.msk [tilespmem:v14+s24+$0x0], $0xffff;
	v15 =	vmul.f32 v3, v17;
	v16 =	vmul.f32 v3, v16  }
0x382: {  	vm0 =	vlt.f32 v11, $1.000000000e+00;
	v17 =	vld.idx.msk [tilespmem:v5+s24+$0x0], $0xffff;
	v2 =	vsub.f32 $1.500000000e+00, v2;
	v9 =	vmul.f32 v3, v9  }
0x383: {  	v8 =	vnsel vm0, $0x0, v8;
	v10 =	vmul.f32 v15, v10;
	v7 =	vmul.f32 v16, v7  }
0x384: {  	v5 =	vld.idx.msk [tilespmem:v5+s25+$0x0], $0xffff;
	v2 =	vmul.f32 v2, v6;
	v6 =	vsub.f32 $1.000000000e+00, v8;
	v11 =	vmul.f32 v9, v19  }
0x385: {  	v7 =	vadd.f32 v7, v10;
	v10 =	vmul.f32 v15, v12;
	v12 =	vmul.f32 v16, v13  }
0x386: {  	v2 =	vmul.f32 v2, v8;
	v3 =	vmul.f32 v3, v6  }
0x387: {  	v8 =	vmul.f32 v9, v14;
	v6 =	vadd.f32 v7, v11;
	v7 =	vadd.f32 v12, v10  }
0x388: {  	v9 =	vadd.f32 v17, v17;
	v2 =	vadd.f32 v2, v3;
	v3 =	vmul.f32 v19, v14  }
0x389: {  	v4 =	vadd.f32 v20, v4;
	v7 =	vadd.f32 v7, v8;
	v8 =	vmul.f32 $-3.000000000e+00, v6  }
0x38a: {  	v5 =	vmul.f32 v5, v17;
	v10 =	vmul.f32 v2, v2  }
0x38b: {  	v3 =	vadd.f32 v3, v4;
	v4 =	vmul.f32 v6, v9;
	v6 =	vmul.f32 v8, v7  }
0x38c: {  	v5 =	vmul.f32 v2, v5  }
0x38d: {  	v2 =	vmul.f32 v10, v2;
	v4 =	vmul.f32 v4, v10;
	v3 =	vadd.f32 v6, v3;
	_ =	sdelay $0x1  }
0x38e: {  	v4 =	vadd.f32 v4, v5;
	v2 =	vmul.f32 v3, v2;
	_ =	sdelay $0x1  }
0x38f: {  	v2 =	vadd.f32 v2, v4;
	_ =	sdelay $0x1  }
.Ltmp5:
0x390: {  	v2 =	vmul.f32 $7.199822900e+00, v2;
	(pc) =	sbr.rel @p0 .LBB2_12-.Ltmp5, $4  }
0x391: {  	vm0 =	vle.f32 v1, $1.000000000e+01  }
0x392: {  	s6 =	sadd.s32 $0x10, s6;
	v1 =	vnsel vm0, $0x0, v2  }
0x393: {  	s2 =	sadd.s32 $0x10, s2;
	[tilespmem:s6+$0x0] =	vst v1  }
0x394: {  	s3 =	sadd.s32 $0x10, s3;
	v1 =	vld [tilespmem:s2+$0x0]  }
0x395: {  	_ =	sdelay $0x3  }
0x396: {  	v2 =	vmul.f32 v1, v1;
	_ =	sdelay $0x1  }
0x397: {  	v3 =	vshra.s32 v2, $0x1;
	v4 =	vmul.f32 $5.000000000e-01, v2  }
0x398: {  	v3 =	vsub.s32 $0x5F3759DF, v3  }
0x399: {  	v5 =	vmul.f32 v3, v4  }
0x39a: {  	v2 =	vadd.f32 $1.000000000e+00, v2  }
0x39b: {  	v5 =	vmul.f32 v3, v5  }
0x39c: {  	v6 =	vshra.s32 v2, $0x1;
	v2 =	vmul.f32 $5.000000000e-01, v2  }
0x39d: {  	v6 =	vsub.s32 $0x5F3759DF, v6;
	v5 =	vsub.f32 $1.500000000e+00, v5  }
0x39e: {  	v7 =	vmul.f32 v6, v2  }
0x39f: {  	v3 =	vmul.f32 v3, v5  }
0x3a0: {  	v7 =	vmul.f32 v6, v7  }
0x3a1: {  	v8 =	vmov s1;
	v49 =	vmul.f32 v3, v4  }
0x3a2: {  	v48 =	vshll.u32 v8, $0x3;
	v7 =	vsub.f32 $1.500000000e+00, v7  }
0x3a3: {  	v5 =	vor.u32 v0, v48;
	v8 =	vmul.f32 v49, v3  }
0x3a4: {  	v11 =	vmul.f32 $5.000000000e-01, v1;
	v9 =	vor.u32 $0x2, v5;
	v6 =	vmul.f32 v6, v7  }
0x3a5: {  	v50 =	vsub.f32 $1.500000000e+00, v8  }
0x3a6: {  	s18 =	sadd.s32 $0x10, s12;
	v51 =	vmul.f32 v11, v11;
	v12 =	vmul.f32 v6, v2  }
0x3a7: {  	s19 =	sadd.s32 $0x10, s15;
	v16 =	vld [tilespmem:s18+$0x0];
	v10 =	vor.u32 $0x1, v5;
	v3 =	vmul.f32 v50, v3  }
0x3a8: {  	v17 =	vld [tilespmem:s19+$0x0];
	v8 =	vmul.f32 v51, v11;
	v53 =	vmul.f32 v12, v6  }
0x3a9: {  	v13 =	vld.idx.msk [tilespmem:v9+s24+$0x0], $0xffff;
	v4 =	vmul.f32 v3, v4  }
0x3aa: {  	s0 =	sadd.s32 $0x10, s0;
	v14 =	vor.u32 $0x3, v5;
	v52 =	vld.idx.msk [tilespmem:v9+s25+$0x0], $0xffff;
	v15 =	vmul.f32 v8, v11;
	v9 =	vsub.f32 $1.500000000e+00, v53  }
0x3ab: {  	v55 =	vld [tilespmem:s0+$0x0];
	v8 =	vmul.f32 $1.000000000e+01, v8;
	v4 =	vmul.f32 v4, v3  }
0x3ac: {  	v54 =	vld.idx.msk [tilespmem:v10+s24+$0x0], $0xffff;
	v18 =	vmul.f32 v15, v11;
	v6 =	vmul.f32 v9, v6  }
0x3ad: {  	v10 =	vld.idx.msk [tilespmem:v10+s25+$0x0], $0xffff;
	v8 =	vsub.f32 $1.000000000e+00, v8;
	v15 =	vmul.f32 $1.500000000e+01, v15;
	v4 =	vsub.f32 $1.500000000e+00, v4  }
0x3ae: {  	v2 =	vmul.f32 v6, v2  }
0x3af: {  	v20 =	vld.idx.msk [tilespmem:v14+s25+$0x0], $0xffff;
	v8 =	vadd.f32 v15, v8;
	v56 =	vmul.f32 $-6.000000000e+00, v18;
	v3 =	vmul.f32 v4, v3  }
0x3b0: {  	vm0 =	vlt.f32 v11, $1.000000000e+00;
	v19 =	vmul.f32 v52, v13;
	v2 =	vmul.f32 v2, v6  }
0x3b1: {  	v59 =	vld.idx.msk [tilespmem:v5+s24+$0x0], $0xffff;
	v8 =	vadd.f32 v56, v8;
	v58 =	vmul.f32 v3, v17;
	v16 =	vmul.f32 v3, v16  }
0x3b2: {  	v14 =	vld.idx.msk [tilespmem:v14+s24+$0x0], $0xffff;
	v57 =	vmul.f32 v10, v54;
	v2 =	vsub.f32 $1.500000000e+00, v2;
	v9 =	vmul.f32 v3, v55  }
0x3b3: {  	v8 =	vnsel vm0, $0x0, v8;
	v10 =	vmul.f32 v58, v10;
	v7 =	vmul.f32 v16, v52  }
0x3b4: {  	v60 =	vsub.f32 $1.000000000e+00, v8;
	v2 =	vmul.f32 v2, v6;
	v61 =	vmul.f32 v9, v20  }
0x3b5: {  	v5 =	vld.idx.msk [tilespmem:v5+s25+$0x0], $0xffff;
	v62 =	vmul.f32 v58, v54;
	v63 =	vmul.f32 v16, v13;
	v7 =	vadd.f32 v7, v10  }
0x3b6: {  	v18 =	vadd.f32 v59, v59;
	v3 =	vmul.f32 v3, v60;
	v2 =	vmul.f32 v2, v8  }
0x3b7: {  	v17 =	vmul.f32 v9, v14;
	v16 =	vadd.f32 v63, v62;
	v15 =	vadd.f32 v7, v61  }
0x3b8: {  	v4 =	vadd.f32 v19, v57;
	v2 =	vadd.f32 v2, v3  }
0x3b9: {  	v3 =	vmul.f32 v20, v14;
	v7 =	vadd.f32 v16, v17;
	v19 =	vmul.f32 $-3.000000000e+00, v15  }
0x3ba: {  	v5 =	vmul.f32 v5, v59;
	v20 =	vmul.f32 v2, v2  }
0x3bb: {  	v3 =	vadd.f32 v3, v4;
	v21 =	vmul.f32 v15, v18;
	v22 =	vmul.f32 v19, v7  }
0x3bc: {  	v5 =	vmul.f32 v2, v5  }
0x3bd: {  	v2 =	vmul.f32 v20, v2;
	v4 =	vmul.f32 v21, v20;
	v3 =	vadd.f32 v22, v3;
	_ =	sdelay $0x1  }
0x3be: {  	v4 =	vadd.f32 v4, v5;
	v2 =	vmul.f32 v3, v2;
	_ =	sdelay $0x1  }
0x3bf: {  	v2 =	vadd.f32 v2, v4;
	_ =	sdelay $0x1  }
0x3c0: {  	v2 =	vmul.f32 $7.199822900e+00, v2  }
0x3c1: {  	vm13 =	vle.f32 v1, $1.000000000e+01  }
0x3c2: {  	s2 =	sadd.s32 $0x10, s6;
	v1 =	vnsel vm13, $0x0, v2  }
0x3c3: {  	s1 =	simm.s32 $0x0;
	s3 =	rddreg [dreg:$0x1a];
	[tilespmem:s2+$0x0] =	vst v1;
	s2 =	simm.s32 $0xABE0  }
0x3c4: {  	[hbm4b:s3+s1] =	stream.linear.scatter [tilespmem:s2], [sflag:$0x2], $0x7D0, $0x38;
	[tilespmem:$0x16760] =	vst v63  }
0x3c5: {  	s6 =	simm.s32 $0x14050;
	s16 =	rddreg [dreg:$0x1d]  }
0x3c6: {  	[tilespmem:s6], [sflag:$0x5] =	stream.linear.gather [hbm4b:s16+s1], $0x7D0, $0x38;
	[tilespmem:$0x16760] =	vst v63  }
0x3c7: {  	_ =	swait.ge [sflag:s22], $0x7D0  }
0x3c8: {  	[sflag:s22] =	ssyncset.done $0x0  }
0x3c9: {  	s0 =	simm.s32 $0x14820;
	s3 =	rddreg [dreg:$0x1e];
	[sflag:s22] =	ssyncadd.s32 $0xFFFFF830  }
0x3ca: {  	[tilespmem:s0], [sflag:$0x5] =	stream.linear.gather [hbm4b:s3+s1], $0x7D0, $0x38;
	[tilespmem:$0x16760] =	vst v63  }
0x3cb: {  	_ =	swait.ge [sflag:s22], $0x7D0  }
0x3cc: {  	[sflag:s22] =	ssyncset.done $0x0  }
0x3cd: {  	s15 =	simm.s32 $0x14FF0;
	s18 =	rddreg [dreg:$0x1f];
	[sflag:s22] =	ssyncadd.s32 $0xFFFFF830  }
0x3ce: {  	[tilespmem:s15], [sflag:$0x5] =	stream.linear.gather [hbm4b:s18+s1], $0x7D0, $0x38;
	[tilespmem:$0x16760] =	vst v63  }
0x3cf: {  	_ =	swait.ge [sflag:s22], $0x7D0  }
0x3d0: {  	s19 =	sld [smem:$0x7F9]  }
0x3d1: {  	[sflag:s22] =	ssyncset.done $0x0  }
0x3d2: {  	s12 =	simm.s32 $0x157C0;
	[sflag:s22] =	ssyncadd.s32 $0xFFFFF830  }
0x3d3: {  	[tilespmem:s12], [sflag:$0x5] =	stream.linear.gather [hbm4b:s19+s1], $0x7D0, $0x38;
	[tilespmem:$0x16760] =	vst v63  }
0x3d4: {  	_ =	swait.ge [sflag:s22], $0x7D0  }
0x3d5: {  	[sflag:s22] =	ssyncset.done $0x0  }
0x3d6: {  	[sflag:s22] =	ssyncadd.s32 $0xFFFFF830  }
0x3d7: {  	_ =	swait.ge [sflag:s4], $0x1F40  }
0x3d8: {  	[sflag:s4] =	ssyncset.done $0x0  }
0x3d9: {  	[sflag:s4] =	ssyncadd.s32 $0xFFFFE0C0  }
0x3da: {  	_ =	swait.ge [sflag:s4], $0x1F40  }
0x3db: {  	[sflag:s4] =	ssyncset.done $0x0  }
0x3dc: {  	[sflag:s4] =	ssyncadd.s32 $0xFFFFE0C0  }
0x3dd: {  	_ =	swait.ge [sflag:s14], $0x7D0  }
0x3de: {  	[sflag:s14] =	ssyncset.done $0x0  }
0x3df: {  	[sflag:s14] =	ssyncadd.s32 $0xFFFFF830  }
0x3e0: {  	v1 =	vld [tilespmem:s6+$0x0];
	_ =	sdelay $0x4  }
0x3e1: {  	v2 =	vmul.f32 v1, v1;
	_ =	sdelay $0x1  }
0x3e2: {  	v3 =	vshra.s32 v2, $0x1;
	v23 =	vmul.f32 $5.000000000e-01, v2  }
0x3e3: {  	v3 =	vsub.s32 $0x5F3759DF, v3  }
0x3e4: {  	v24 =	vmul.f32 v3, v23  }
0x3e5: {  	v2 =	vadd.f32 $1.000000000e+00, v2  }
0x3e6: {  	v5 =	vmul.f32 v3, v24  }
0x3e7: {  	v25 =	vshra.s32 v2, $0x1;
	v2 =	vmul.f32 $5.000000000e-01, v2  }
0x3e8: {  	v6 =	vsub.s32 $0x5F3759DF, v25;
	v5 =	vsub.f32 $1.500000000e+00, v5  }
0x3e9: {  	v26 =	vmul.f32 v6, v2  }
0x3ea: {  	v3 =	vmul.f32 v3, v5  }
0x3eb: {  	v7 =	vmul.f32 v6, v26  }
0x3ec: {  	v29 =	vmul.f32 v3, v23  }
0x3ed: {  	v27 =	vmov s1;
	v7 =	vsub.f32 $1.500000000e+00, v7  }
0x3ee: {  	v28 =	vshll.u32 v27, $0x3;
	v8 =	vmul.f32 v29, v3  }
0x3ef: {  	v32 =	vmul.f32 $5.000000000e-01, v1;
	v5 =	vor.u32 v0, v28;
	v6 =	vmul.f32 v6, v7  }
0x3f0: {  	v30 =	vor.u32 $0x2, v5;
	v33 =	vsub.f32 $1.500000000e+00, v8  }
0x3f1: {  	v34 =	vmul.f32 v32, v32;
	v35 =	vmul.f32 v6, v2  }
0x3f2: {  	v42 =	vld [tilespmem:s15+$0x0];
	v31 =	vor.u32 $0x1, v5;
	v3 =	vmul.f32 v33, v3  }
0x3f3: {  	v43 =	vld [tilespmem:s0+$0x0];
	v8 =	vmul.f32 v34, v32;
	v38 =	vmul.f32 v35, v6  }
0x3f4: {  	v45 =	vld [tilespmem:s12+$0x0];
	v4 =	vmul.f32 v3, v23  }
0x3f5: {  	v40 =	vor.u32 $0x3, v5;
	v36 =	vld.idx.msk [tilespmem:v30+s30+$0x0], $0xffff;
	v41 =	vmul.f32 v8, v32;
	v9 =	vsub.f32 $1.500000000e+00, v38  }
0x3f6: {  	v37 =	vld.idx.msk [tilespmem:v30+s31+$0x0], $0xffff;
	v8 =	vmul.f32 $1.000000000e+01, v8;
	v4 =	vmul.f32 v4, v3  }
0x3f7: {  	v39 =	vld.idx.msk [tilespmem:v31+s30+$0x0], $0xffff;
	v44 =	vmul.f32 v41, v32;
	v6 =	vmul.f32 v9, v6  }
0x3f8: {  	v10 =	vld.idx.msk [tilespmem:v31+s31+$0x0], $0xffff;
	v8 =	vsub.f32 $1.000000000e+00, v8;
	v15 =	vmul.f32 $1.500000000e+01, v41;
	v4 =	vsub.f32 $1.500000000e+00, v4  }
0x3f9: {  	v2 =	vmul.f32 v6, v2  }
0x3fa: {  	v47 =	vld.idx.msk [tilespmem:v40+s31+$0x0], $0xffff;
	v8 =	vadd.f32 v15, v8;
	v48 =	vmul.f32 $-6.000000000e+00, v44;
	v3 =	vmul.f32 v4, v3  }
0x3fb: {  	vm14 =	vlt.f32 v32, $1.000000000e+00;
	v46 =	vmul.f32 v37, v36;
	v2 =	vmul.f32 v2, v6  }
0x3fc: {  	v51 =	vld.idx.msk [tilespmem:v5+s30+$0x0], $0xffff;
	v8 =	vadd.f32 v48, v8;
	v50 =	vmul.f32 v3, v43;
	v16 =	vmul.f32 v3, v42  }
0x3fd: {  	v14 =	vld.idx.msk [tilespmem:v40+s30+$0x0], $0xffff;
	v49 =	vmul.f32 v10, v39;
	v2 =	vsub.f32 $1.500000000e+00, v2;
	v9 =	vmul.f32 v3, v45  }
0x3fe: {  	v8 =	vnsel vm14, $0x0, v8;
	v10 =	vmul.f32 v50, v10;
	v7 =	vmul.f32 v16, v37  }
0x3ff: {  	v52 =	vsub.f32 $1.000000000e+00, v8;
	v2 =	vmul.f32 v2, v6;
	v53 =	vmul.f32 v9, v47  }
0x400: {  	v5 =	vld.idx.msk [tilespmem:v5+s31+$0x0], $0xffff;
	v54 =	vmul.f32 v50, v39;
	v55 =	vmul.f32 v16, v36;
	v7 =	vadd.f32 v7, v10  }
0x401: {  	v59 =	vadd.f32 v51, v51;
	v3 =	vmul.f32 v3, v52;
	v2 =	vmul.f32 v2, v8  }
0x402: {  	v58 =	vmul.f32 v9, v14;
	v57 =	vadd.f32 v55, v54;
	v56 =	vadd.f32 v7, v53  }
0x403: {  	v4 =	vadd.f32 v46, v49;
	v2 =	vadd.f32 v2, v3  }
0x404: {  	v3 =	vmul.f32 v47, v14;
	v7 =	vadd.f32 v57, v58;
	v60 =	vmul.f32 $-3.000000000e+00, v56  }
0x405: {  	v5 =	vmul.f32 v5, v51;
	v61 =	vmul.f32 v2, v2  }
0x406: {  	v3 =	vadd.f32 v3, v4;
	v62 =	vmul.f32 v56, v59;
	v63 =	vmul.f32 v60, v7  }
0x407: {  	v5 =	vmul.f32 v2, v5  }
0x408: {  	v2 =	vmul.f32 v61, v2;
	v4 =	vmul.f32 v62, v61;
	v3 =	vadd.f32 v63, v3;
	_ =	sdelay $0x1  }
0x409: {  	v4 =	vadd.f32 v4, v5;
	v2 =	vmul.f32 v3, v2;
	_ =	sdelay $0x1  }
0x40a: {  	v2 =	vadd.f32 v2, v4;
	_ =	sdelay $0x1  }
0x40b: {  	v2 =	vmul.f32 $7.199822900e+00, v2  }
0x40c: {  	vm15 =	vle.f32 v1, $1.000000000e+01  }
0x40d: {  	s6 =	simm.s32 $0x15F90;
	v1 =	vnsel vm15, $0x0, v2  }
0x40e: {  	s2 =	simm.s32 $0x14060;
	[tilespmem:s6+$0x0] =	vst v1  }
0x40f: {  	s3 =	simm.s32 $0x20;
	s1 =	simm.s32 $0x10;
	v1 =	vld [tilespmem:s2+$0x0]  }
.LBB2_14:
0x410: {  	p0 =	sne.s32 s3, $0x7C0;
	_ =	sdelay $0x3  }
0x411: {  	v2 =	vmul.f32 v1, v1;
	_ =	sdelay $0x1  }
0x412: {  	v3 =	vshra.s32 v2, $0x1;
	v4 =	vmul.f32 $5.000000000e-01, v2  }
0x413: {  	v3 =	vsub.s32 $0x5F3759DF, v3  }
0x414: {  	v5 =	vmul.f32 v3, v4  }
0x415: {  	v2 =	vadd.f32 $1.000000000e+00, v2  }
0x416: {  	v5 =	vmul.f32 v3, v5  }
0x417: {  	v6 =	vshra.s32 v2, $0x1;
	v2 =	vmul.f32 $5.000000000e-01, v2  }
0x418: {  	v6 =	vsub.s32 $0x5F3759DF, v6;
	v5 =	vsub.f32 $1.500000000e+00, v5  }
0x419: {  	v7 =	vmul.f32 v6, v2  }
0x41a: {  	v8 =	vmov s1;
	s1 =	smov.u32 s3;
	v3 =	vmul.f32 v3, v5  }
0x41b: {  	v7 =	vmul.f32 v6, v7;
	v5 =	vshll.u32 v8, $0x3  }
0x41c: {  	v5 =	vor.u32 v0, v5;
	v8 =	vmul.f32 v3, v4  }
0x41d: {  	v7 =	vsub.f32 $1.500000000e+00, v7;
	v9 =	vor.u32 $0x2, v5  }
0x41e: {  	v8 =	vmul.f32 v8, v3  }
0x41f: {  	v11 =	vmul.f32 $5.000000000e-01, v1;
	v10 =	vor.u32 $0x1, v5;
	v6 =	vmul.f32 v6, v7  }
0x420: {  	v7 =	vsub.f32 $1.500000000e+00, v8  }
0x421: {  	v12 =	vmul.f32 v6, v2;
	v8 =	vmul.f32 v11, v11  }
0x422: {  	v13 =	vld.idx.msk [tilespmem:v9+s30+$0x0], $0xffff;
	v3 =	vmul.f32 v7, v3  }
0x423: {  	v8 =	vmul.f32 v8, v11;
	v7 =	vld.idx.msk [tilespmem:v9+s31+$0x0], $0xffff;
	v9 =	vmul.f32 v12, v6  }
0x424: {  	v14 =	vor.u32 $0x3, v5;
	v12 =	vld.idx.msk [tilespmem:v10+s30+$0x0], $0xffff;
	v4 =	vmul.f32 v3, v4  }
0x425: {  	s15 =	sadd.s32 $0x10, s15;
	v15 =	vmul.f32 v8, v11;
	v10 =	vld.idx.msk [tilespmem:v10+s31+$0x0], $0xffff;
	v9 =	vsub.f32 $1.500000000e+00, v9  }
0x426: {  	s0 =	sadd.s32 $0x10, s0;
	v8 =	vmul.f32 $1.000000000e+01, v8;
	v16 =	vld [tilespmem:s15+$0x0];
	v4 =	vmul.f32 v4, v3  }
0x427: {  	s12 =	sadd.s32 $0x10, s12;
	v18 =	vmul.f32 v15, v11;
	v17 =	vld [tilespmem:s0+$0x0];
	v6 =	vmul.f32 v9, v6  }
0x428: {  	v8 =	vsub.f32 $1.000000000e+00, v8;
	v15 =	vmul.f32 $1.500000000e+01, v15;
	v9 =	vld [tilespmem:s12+$0x0];
	v4 =	vsub.f32 $1.500000000e+00, v4  }
0x429: {  	v20 =	vmul.f32 v7, v13;
	v19 =	vld.idx.msk [tilespmem:v14+s31+$0x0], $0xffff;
	v2 =	vmul.f32 v6, v2  }
0x42a: {  	v8 =	vadd.f32 v15, v8;
	v15 =	vmul.f32 $-6.000000000e+00, v18;
	v3 =	vmul.f32 v4, v3  }
0x42b: {  	v4 =	vmul.f32 v10, v12;
	v2 =	vmul.f32 v2, v6  }
0x42c: {  	v8 =	vadd.f32 v15, v8;
	v14 =	vld.idx.msk [tilespmem:v14+s30+$0x0], $0xffff;
	v15 =	vmul.f32 v3, v17;
	v16 =	vmul.f32 v3, v16  }
0x42d: {  	vm0 =	vlt.f32 v11, $1.000000000e+00;
	v17 =	vld.idx.msk [tilespmem:v5+s30+$0x0], $0xffff;
	v2 =	vsub.f32 $1.500000000e+00, v2;
	v9 =	vmul.f32 v3, v9  }
0x42e: {  	v8 =	vnsel vm0, $0x0, v8;
	v10 =	vmul.f32 v15, v10;
	v7 =	vmul.f32 v16, v7  }
0x42f: {  	v5 =	vld.idx.msk [tilespmem:v5+s31+$0x0], $0xffff;
	v2 =	vmul.f32 v2, v6;
	v6 =	vsub.f32 $1.000000000e+00, v8;
	v11 =	vmul.f32 v9, v19  }
0x430: {  	v7 =	vadd.f32 v7, v10;
	v10 =	vmul.f32 v15, v12;
	v12 =	vmul.f32 v16, v13  }
0x431: {  	v2 =	vmul.f32 v2, v8;
	v3 =	vmul.f32 v3, v6  }
0x432: {  	v8 =	vmul.f32 v9, v14;
	v6 =	vadd.f32 v7, v11;
	v7 =	vadd.f32 v12, v10  }
0x433: {  	v9 =	vadd.f32 v17, v17;
	v2 =	vadd.f32 v2, v3;
	v3 =	vmul.f32 v19, v14  }
0x434: {  	v4 =	vadd.f32 v20, v4;
	v7 =	vadd.f32 v7, v8;
	v8 =	vmul.f32 $-3.000000000e+00, v6  }
0x435: {  	v5 =	vmul.f32 v5, v17;
	v10 =	vmul.f32 v2, v2  }
0x436: {  	v3 =	vadd.f32 v3, v4;
	v4 =	vmul.f32 v6, v9;
	v6 =	vmul.f32 v8, v7  }
0x437: {  	v5 =	vmul.f32 v2, v5  }
0x438: {  	v2 =	vmul.f32 v10, v2;
	v4 =	vmul.f32 v4, v10;
	v3 =	vadd.f32 v6, v3;
	_ =	sdelay $0x1  }
0x439: {  	v4 =	vadd.f32 v4, v5;
	v2 =	vmul.f32 v3, v2;
	_ =	sdelay $0x1  }
0x43a: {  	v2 =	vadd.f32 v2, v4;
	_ =	sdelay $0x1  }
.Ltmp6:
0x43b: {  	v2 =	vmul.f32 $7.199822900e+00, v2;
	(pc) =	sbr.rel @p0 .LBB2_14-.Ltmp6, $4  }
0x43c: {  	vm0 =	vle.f32 v1, $1.000000000e+01  }
0x43d: {  	s6 =	sadd.s32 $0x10, s6;
	v1 =	vnsel vm0, $0x0, v2  }
0x43e: {  	s2 =	sadd.s32 $0x10, s2;
	[tilespmem:s6+$0x0] =	vst v1  }
0x43f: {  	s3 =	sadd.s32 $0x10, s3;
	v1 =	vld [tilespmem:s2+$0x0]  }
0x440: {  	_ =	sdelay $0x3  }
0x441: {  	v2 =	vmul.f32 v1, v1;
	_ =	sdelay $0x1  }
0x442: {  	v3 =	vshra.s32 v2, $0x1;
	v4 =	vmul.f32 $5.000000000e-01, v2  }
0x443: {  	v3 =	vsub.s32 $0x5F3759DF, v3  }
0x444: {  	v5 =	vmul.f32 v3, v4  }
0x445: {  	v2 =	vadd.f32 $1.000000000e+00, v2  }
0x446: {  	v5 =	vmul.f32 v3, v5  }
0x447: {  	v6 =	vshra.s32 v2, $0x1;
	v2 =	vmul.f32 $5.000000000e-01, v2  }
0x448: {  	v6 =	vsub.s32 $0x5F3759DF, v6;
	v5 =	vsub.f32 $1.500000000e+00, v5  }
0x449: {  	v7 =	vmul.f32 v6, v2  }
0x44a: {  	v3 =	vmul.f32 v3, v5  }
0x44b: {  	v7 =	vmul.f32 v6, v7  }
0x44c: {  	v8 =	vmov s1;
	v41 =	vmul.f32 v3, v4  }
0x44d: {  	v40 =	vshll.u32 v8, $0x3;
	v7 =	vsub.f32 $1.500000000e+00, v7  }
0x44e: {  	v5 =	vor.u32 v0, v40;
	v8 =	vmul.f32 v41, v3  }
0x44f: {  	v11 =	vmul.f32 $5.000000000e-01, v1;
	v9 =	vor.u32 $0x2, v5;
	v6 =	vmul.f32 v6, v7  }
0x450: {  	v42 =	vsub.f32 $1.500000000e+00, v8  }
0x451: {  	s2 =	sadd.s32 $0x10, s15;
	v43 =	vmul.f32 v11, v11;
	v12 =	vmul.f32 v6, v2  }
0x452: {  	s0 =	sadd.s32 $0x10, s0;
	v16 =	vld [tilespmem:s2+$0x0];
	v10 =	vor.u32 $0x1, v5;
	v3 =	vmul.f32 v42, v3  }
0x453: {  	v17 =	vld [tilespmem:s0+$0x0];
	v8 =	vmul.f32 v43, v11;
	v45 =	vmul.f32 v12, v6  }
0x454: {  	v13 =	vld.idx.msk [tilespmem:v9+s30+$0x0], $0xffff;
	v4 =	vmul.f32 v3, v4  }
0x455: {  	s3 =	sadd.s32 $0x10, s12;
	v14 =	vor.u32 $0x3, v5;
	v44 =	vld.idx.msk [tilespmem:v9+s31+$0x0], $0xffff;
	v15 =	vmul.f32 v8, v11;
	v9 =	vsub.f32 $1.500000000e+00, v45  }
0x456: {  	v47 =	vld [tilespmem:s3+$0x0];
	v8 =	vmul.f32 $1.000000000e+01, v8;
	v4 =	vmul.f32 v4, v3  }
0x457: {  	v46 =	vld.idx.msk [tilespmem:v10+s30+$0x0], $0xffff;
	v18 =	vmul.f32 v15, v11;
	v6 =	vmul.f32 v9, v6  }
0x458: {  	v10 =	vld.idx.msk [tilespmem:v10+s31+$0x0], $0xffff;
	v8 =	vsub.f32 $1.000000000e+00, v8;
	v15 =	vmul.f32 $1.500000000e+01, v15;
	v4 =	vsub.f32 $1.500000000e+00, v4  }
0x459: {  	v2 =	vmul.f32 v6, v2  }
0x45a: {  	v20 =	vld.idx.msk [tilespmem:v14+s31+$0x0], $0xffff;
	v8 =	vadd.f32 v15, v8;
	v48 =	vmul.f32 $-6.000000000e+00, v18;
	v3 =	vmul.f32 v4, v3  }
0x45b: {  	vm0 =	vlt.f32 v11, $1.000000000e+00;
	v19 =	vmul.f32 v44, v13;
	v2 =	vmul.f32 v2, v6  }
0x45c: {  	v51 =	vld.idx.msk [tilespmem:v5+s30+$0x0], $0xffff;
	v8 =	vadd.f32 v48, v8;
	v50 =	vmul.f32 v3, v17;
	v16 =	vmul.f32 v3, v16  }
0x45d: {  	v14 =	vld.idx.msk [tilespmem:v14+s30+$0x0], $0xffff;
	v49 =	vmul.f32 v10, v46;
	v2 =	vsub.f32 $1.500000000e+00, v2;
	v9 =	vmul.f32 v3, v47  }
0x45e: {  	v8 =	vnsel vm0, $0x0, v8;
	v10 =	vmul.f32 v50, v10;
	v7 =	vmul.f32 v16, v44  }
0x45f: {  	v52 =	vsub.f32 $1.000000000e+00, v8;
	v2 =	vmul.f32 v2, v6;
	v53 =	vmul.f32 v9, v20  }
0x460: {  	v5 =	vld.idx.msk [tilespmem:v5+s31+$0x0], $0xffff;
	v54 =	vmul.f32 v50, v46;
	v55 =	vmul.f32 v16, v13;
	v7 =	vadd.f32 v7, v10  }
0x461: {  	v59 =	vadd.f32 v51, v51;
	v3 =	vmul.f32 v3, v52;
	v2 =	vmul.f32 v2, v8  }
0x462: {  	v58 =	vmul.f32 v9, v14;
	v57 =	vadd.f32 v55, v54;
	v56 =	vadd.f32 v7, v53  }
0x463: {  	v4 =	vadd.f32 v19, v49;
	v2 =	vadd.f32 v2, v3  }
0x464: {  	v3 =	vmul.f32 v20, v14;
	v7 =	vadd.f32 v57, v58;
	v60 =	vmul.f32 $-3.000000000e+00, v56  }
0x465: {  	v5 =	vmul.f32 v5, v51;
	v61 =	vmul.f32 v2, v2  }
0x466: {  	v3 =	vadd.f32 v3, v4;
	v62 =	vmul.f32 v56, v59;
	v63 =	vmul.f32 v60, v7  }
0x467: {  	v5 =	vmul.f32 v2, v5  }
0x468: {  	v2 =	vmul.f32 v61, v2;
	v4 =	vmul.f32 v62, v61;
	v3 =	vadd.f32 v63, v3;
	_ =	sdelay $0x1  }
0x469: {  	v4 =	vadd.f32 v4, v5;
	v2 =	vmul.f32 v3, v2;
	_ =	sdelay $0x1  }
0x46a: {  	v2 =	vadd.f32 v2, v4;
	_ =	sdelay $0x1  }
0x46b: {  	v2 =	vmul.f32 $7.199822900e+00, v2  }
0x46c: {  	s15 =	sld [smem:$0x7FA];
	vm15 =	vle.f32 v1, $1.000000000e+01  }
0x46d: {  	s12 =	sadd.s32 $0x10, s6;
	v1 =	vnsel vm15, $0x0, v2  }
0x46e: {  	s16 =	simm.s32 $0x15F90;
	[tilespmem:s12+$0x0] =	vst v1  }
0x46f: {  	[hbm4b:s15+s17] =	stream.linear.scatter [tilespmem:s16], [sflag:$0x4], $0x7D0, $0x38;
	[tilespmem:$0x16760] =	vst v63  }
0x470: {  	_ =	swait.ge [sflag:s13], $0x7D0  }
0x471: {  	[sflag:s13] =	ssyncset.done $0x0  }
0x472: {  	[sflag:s13] =	ssyncadd.s32 $0xFFFFF830  }
0x473: {  	_ =	swait.ge [sflag:s14], $0x7D0  }
0x474: {  	s18 =	sld [smem:$0x7F8]  }
0x475: {  	s19 =	sld [smem:$0x7FB];
	_ =	sdelay $0x1  }
0x476: {  	s1 =	sadd.s32 $0x1, s18  }
0x477: {  	p0 =	sne.s32 s1, s19  }
.Ltmp7:
0x478: {  	_ = 	snop;
	(pc) =	sbr.rel @p0 .LBB2_1-.Ltmp7, $3  }
0x479: {  	_ =	sdelay $0x1  }
0x47a: {  	[sflag:s14] =	ssyncset.done $0x0  }
0x47b: {  	[sflag:s14] =	ssyncadd.s32 $0xFFFFF830  }
0x47c: {  	_ =	sfence.sel $0x180000  }
0x47d: {  	[bflag:$0x0] =	sbarrier.arrive $0xFFFF  }
0x47e: {  	_ =	strace $0x90000047  }
0x47f: {  	s0 =	stileid.u32;
	[bflag:$0x2] =	sbarrier.arrive $0xFFFF  }
0x480: {  	p0 =	sne.s32 s0, $0x0;
	s0 =	rddreg [dreg:$0x5]  }
0x481: {  	s0 =	sadd.s32 @!p0 $0x100000, s0  }
0x482: {  	[sflag:s0] =	ssyncadd.tile.s32 @!p0 $0x1;
	_ =	shalt  }
.Lfunc_end2:
_tile_overlayer_lowered:
.L_overlay_start_2:
0x483: {  	(tag) =	ssettag $0x2  }
0x484: {  	s0 =	rddreg [dreg:$0x0];
	s2 =	stileid.u32  }
0x485: {  	s1 =	rddreg [dreg:$0x1];
	p0 =	sne.s32 s2, $0x0  }
0x486: {  	s3 =	rddreg [dreg:$0x2];
	[bflag:$0x3] =	sbarrier.arrive $0xFFFF;
	s2 =	simm.s32 @!p0 $0x1C05  }
0x487: {  	[timem:s3], [sflag:s2] =	dma.local @!p0 [hbm:s0], s1  }
0x488: {  	s0 =	simm.s32 @!p0 $0x5  }
0x489: {  	_ =	swait.ge @!p0 [sflag:s0], s1  }
0x48a: {  	s1 =	ssub.s32 @!p0 $0x0, s1;
	[sflag:s0] =	ssyncset.done @!p0 $0x0  }
0x48b: {  	[sflag:s0] =	ssyncadd.s32 @!p0 s1  }
0x48c: {  	[bflag:$0x3] =	sbarrier.arrive $0xFFFF  }
0x48d: {  	_ =	shalt  }

</sc_bundles>
